<compile_context>
chip_gen: v7x
topology: tpu7x:2x2x1
jax: 0.10.2.dev20260603
libtpu: 0.0.44.dev20260713+nightly
codegen_flags: <defaults>
</compile_context>

<pallas_src>
import functools
import jax
import jax.numpy as jnp
from jax import lax
from jax.experimental import pallas as pl
from jax.experimental.pallas import tpu as pltpu
from jax.experimental.pallas import tpu_sc as plsc

N = 8192
B = 8
K = 10
EPS = 1e-5

TR = 256
NT = N // TR

SC_NC = 2
SC_NS = 16
SC_NW = SC_NC * SC_NS
GCH = 512


def _dot(a, b):
    return jnp.dot(a, b, preferred_element_type=jnp.float32,
                   precision=lax.Precision.DEFAULT)



def _knn_body(f_rows, f_cols, sq_r, sq_c, b_r, b_c, idx_out):
    fr = f_rows[...]
    fc = f_cols[...]
    dot = lax.dot_general(fr, fc, (((1,), (1,)), ((), ())),
                          preferred_element_type=jnp.float32,
                          precision=lax.Precision.DEFAULT)
    d2 = sq_r[:, 0:1] + sq_c[0:1, :] - 2.0 * dot
    pen = jnp.where(b_r[:, 0:1] != b_c[0:1, :], 1e30, 0.0)
    d2 = d2 + pen
    cols = lax.broadcasted_iota(jnp.int32, (TR, N), 1).astype(jnp.float32)
    for k in range(K):
        m = jnp.min(d2, axis=1, keepdims=True)
        c = jnp.min(jnp.where(d2 <= m, cols, 1e30), axis=1, keepdims=True)
        idx_out[:, k:k + 1] = c.astype(jnp.int32)
        d2 = jnp.where(cols == c, 3e38, d2)


def _knn(f, sq_r, sq_c, b_r, b_c):
    return pl.pallas_call(
        _knn_body,
        grid=(NT,),
        in_specs=[
            pl.BlockSpec((TR, 128), lambda i: (i, 0)),
            pl.BlockSpec((N, 128), lambda i: (0, 0)),
            pl.BlockSpec((TR, 8), lambda i: (i, 0)),
            pl.BlockSpec((8, N), lambda i: (0, 0)),
            pl.BlockSpec((TR, 8), lambda i: (i, 0)),
            pl.BlockSpec((8, N), lambda i: (0, 0)),
        ],
        out_specs=pl.BlockSpec((TR, K), lambda i: (i, 0)),
        out_shape=jax.ShapeDtypeStruct((N, K), jnp.int32),
    )(f, f, sq_r, sq_c, b_r, b_c)



def _gather(table, idx_flat):
    nk = idx_flat.shape[0]
    d = table.shape[1]
    per_w = nk // SC_NW
    nch = per_w // GCH
    mesh = plsc.VectorSubcoreMesh(core_axis_name="c", subcore_axis_name="s")

    @functools.partial(
        pl.kernel,
        mesh=mesh,
        out_type=jax.ShapeDtypeStruct((nk, d), jnp.float32),
        scratch_types=[
            pltpu.VMEM((GCH,), jnp.int32),
            pltpu.VMEM((GCH, d), jnp.float32),
            pltpu.SemaphoreType.DMA,
        ],
    )
    def k(idx_hbm, table_hbm, out_hbm, idx_v, rows_v, sem):
        wid = lax.axis_index("s") * SC_NC + lax.axis_index("c")
        base = wid * per_w
        for c in range(nch):
            off = base + c * GCH
            pltpu.sync_copy(idx_hbm.at[pl.ds(off, GCH)], idx_v)
            pltpu.async_copy(table_hbm.at[idx_v], rows_v, sem).wait()
            pltpu.sync_copy(rows_v, out_hbm.at[pl.ds(off, GCH)])

    return k(idx_flat, table)



def _acc_stats(stats_ref, s, ss):
    @pl.when(pl.program_id(0) == 0)
    def _():
        stats_ref[...] = jnp.zeros(stats_ref.shape, stats_ref.dtype)
    stats_ref[0:1, :] += s
    stats_ref[1:2, :] += ss


def _edge_e_body(cf, want_h, xi_ref, g, w, b, out, stats):
    xi = xi_ref[...][:, :cf]
    wv = w[...]
    bv = b[0:1, :]
    s = 0.0
    ss = 0.0
    mx = None
    for k in range(K):
        xj = g[k][:, :cf]
        e = jnp.concatenate([xi, xj - xi], axis=1)
        hk = jnp.maximum(_dot(e, wv) + bv, 0.0)
        if want_h:
            out[k] = hk
        else:
            mx = hk if mx is None else jnp.maximum(mx, hk)
        s = s + jnp.sum(hk, axis=0, keepdims=True)
        ss = ss + jnp.sum(hk * hk, axis=0, keepdims=True)
    if not want_h:
        out[...] = mx
    _acc_stats(stats, s, ss)


def _edge_e(xi_pad, g3, w, b, want_h):
    cf = w.shape[0] // 2
    cout = w.shape[1]
    out_shape = (jax.ShapeDtypeStruct((K, N, cout) if want_h else (N, cout),
                                      jnp.float32),
                 jax.ShapeDtypeStruct((8, cout), jnp.float32))
    main_spec = (pl.BlockSpec((K, TR, cout), lambda i: (0, i, 0)) if want_h
                 else pl.BlockSpec((TR, cout), lambda i: (i, 0)))
    return pl.pallas_call(
        functools.partial(_edge_e_body, cf, want_h),
        grid=(NT,),
        in_specs=[
            pl.BlockSpec((TR, 128), lambda i: (i, 0)),
            pl.BlockSpec((K, TR, 128), lambda i: (0, i, 0)),
            pl.BlockSpec(w.shape, lambda i: (0, 0)),
            pl.BlockSpec((8, cout), lambda i: (0, 0)),
        ],
        out_specs=(main_spec, pl.BlockSpec((8, cout), lambda i: (0, 0))),
        out_shape=out_shape,
    )(xi_pad, g3, w, b)


def _edge_mm_body(want_h, hin, mu, gv, sq, be, w, b, out, stats):
    wv = w[...]
    bv = b[0:1, :]
    muv, gvv, sqv, bev = mu[0:1, :], gv[0:1, :], sq[0:1, :], be[0:1, :]
    s = 0.0
    ss = 0.0
    mx = None
    for k in range(K):
        hn = gvv * (hin[k] - muv) / sqv + bev
        hk = jnp.maximum(_dot(hn, wv) + bv, 0.0)
        if want_h:
            out[k] = hk
        else:
            mx = hk if mx is None else jnp.maximum(mx, hk)
        s = s + jnp.sum(hk, axis=0, keepdims=True)
        ss = ss + jnp.sum(hk * hk, axis=0, keepdims=True)
    if not want_h:
        out[...] = mx
    _acc_stats(stats, s, ss)


def _edge_mm(hin, norm, w, b, want_h):
    cin, cout = w.shape
    out_shape = (jax.ShapeDtypeStruct((K, N, cout) if want_h else (N, cout),
                                      jnp.float32),
                 jax.ShapeDtypeStruct((8, cout), jnp.float32))
    main_spec = (pl.BlockSpec((K, TR, cout), lambda i: (0, i, 0)) if want_h
                 else pl.BlockSpec((TR, cout), lambda i: (i, 0)))
    norm_specs = [pl.BlockSpec((8, cin), lambda i: (0, 0))] * 4
    return pl.pallas_call(
        functools.partial(_edge_mm_body, want_h),
        grid=(NT,),
        in_specs=[pl.BlockSpec((K, TR, cin), lambda i: (0, i, 0))]
        + norm_specs
        + [pl.BlockSpec((cin, cout), lambda i: (0, 0)),
           pl.BlockSpec((8, cout), lambda i: (0, 0))],
        out_specs=(main_spec, pl.BlockSpec((8, cout), lambda i: (0, 0))),
        out_shape=out_shape,
    )(hin, *norm, w, b)



def _l1pool_body(u, bm, w, b, pooled, stats):
    o = jnp.maximum(_dot(u[...], w[...]) + b[0:1, :], 0.0)
    @pl.when(pl.program_id(0) == 0)
    def _():
        pooled[...] = jnp.full(pooled.shape, -3e38, pooled.dtype)
    _acc_stats(stats, jnp.sum(o, axis=0, keepdims=True),
               jnp.sum(o * o, axis=0, keepdims=True))
    for seg in range(B):
        mb = jnp.max(jnp.where(bm[:, seg:seg + 1] > 0.5, o, -3e38),
                     axis=0, keepdims=True)
        pooled[seg:seg + 1, :] = jnp.maximum(pooled[seg:seg + 1, :], mb)


def _l1pool(u, bmask, w, b):
    cin, cout = w.shape
    return pl.pallas_call(
        _l1pool_body,
        grid=(NT,),
        in_specs=[
            pl.BlockSpec((TR, cin), lambda i: (i, 0)),
            pl.BlockSpec((TR, B), lambda i: (i, 0)),
            pl.BlockSpec((cin, cout), lambda i: (0, 0)),
            pl.BlockSpec((8, cout), lambda i: (0, 0)),
        ],
        out_specs=(pl.BlockSpec((B, cout), lambda i: (0, 0)),
                   pl.BlockSpec((8, cout), lambda i: (0, 0))),
        out_shape=(jax.ShapeDtypeStruct((B, cout), jnp.float32),
                   jax.ShapeDtypeStruct((8, cout), jnp.float32)),
    )(u, bmask, w, b)



def _head_body(pn, wm1, bm1, gm1, bem1, wm2, bm2, gm2, bem2, wo, bo, out):
    def lrbn(h, w, bb, g, be):
        h = jnp.maximum(_dot(h, w[...]) + bb[...], 0.0)
        mu = jnp.mean(h, axis=0, keepdims=True)
        var = jnp.mean(h * h, axis=0, keepdims=True) - mu * mu
        return g[...] * (h - mu) * lax.rsqrt(var + EPS) + be[...]

    h = lrbn(pn[...], wm1, bm1, gm1, bem1)
    h = lrbn(h, wm2, bm2, gm2, bem2)
    logits = _dot(h, wo[...]) + bo[...]
    mx = jnp.max(logits, axis=1, keepdims=True)
    z = logits - mx
    out[...] = z - jnp.log(jnp.sum(jnp.exp(z), axis=1, keepdims=True))


def _head(pn, p):
    bm1 = jnp.broadcast_to(p['m1_b'][None, :], (B, 512))
    gm1 = jnp.broadcast_to(p['m1_g'][None, :], (B, 512))
    bem1 = jnp.broadcast_to(p['m1_be'][None, :], (B, 512))
    bm2 = jnp.broadcast_to(p['m2_b'][None, :], (B, 256))
    gm2 = jnp.broadcast_to(p['m2_g'][None, :], (B, 256))
    bem2 = jnp.broadcast_to(p['m2_be'][None, :], (B, 256))
    bo = jnp.broadcast_to(p['out_b'][None, :], (B, 13))
    args = (pn, p['m1_W'], bm1, gm1, bem1,
            p['m2_W'], bm2, gm2, bem2, p['out_W'], bo)
    return pl.pallas_call(
        _head_body,
        out_shape=jax.ShapeDtypeStruct((B, 13), jnp.float32),
    )(*args)



def _bn_apply(h, stats, g, be, count):
    mu = stats[0] / count
    var = stats[1] / count - mu * mu
    return g * (h - mu[None, :]) / jnp.sqrt(var + EPS)[None, :] + be


def _norm8(stats, g, be, count, c):
    mu = stats[0] / count
    var = stats[1] / count - mu * mu
    sq = jnp.sqrt(var + EPS)
    bc = lambda v: jnp.broadcast_to(v[None, :], (8, c))
    return (bc(mu), bc(g), bc(sq), bc(be))


def _knn_inputs(feat, batch_f):
    f = jnp.pad(feat, ((0, 0), (0, 128 - feat.shape[1])))
    sq = jnp.sum(f * f, axis=1)
    return (f,
            jnp.broadcast_to(sq[:, None], (N, 8)),
            jnp.broadcast_to(sq[None, :], (8, N)),
            jnp.broadcast_to(batch_f[:, None], (N, 8)),
            jnp.broadcast_to(batch_f[None, :], (8, N)))


def _bc8(v, c):
    return jnp.broadcast_to(v[None, :], (8, c))


@jax.jit
def kernel(x, pos, batch, params):
    p = params
    batch_f = batch.astype(jnp.float32)
    h0 = jnp.concatenate([x, pos / 255.0], axis=1)

    kin1 = _knn_inputs(h0, batch_f)
    f1p = kin1[0]
    idx1 = _knn(*kin1)
    g1 = _gather(f1p, idx1.T.reshape(-1)).reshape(K, N, 128)
    m1, st1 = _edge_e(f1p, g1, p['c1a_W'], _bc8(p['c1a_b'], 64), want_h=False)
    x1 = _bn_apply(m1, st1, p['c1a_g'], p['c1a_be'], N * K)

    kin2 = _knn_inputs(x1, batch_f)
    f2p = kin2[0]
    idx2 = _knn(*kin2)
    g2 = _gather(f2p, idx2.T.reshape(-1)).reshape(K, N, 128)
    h1, st2a = _edge_e(f2p, g2, p['c2a_W'], _bc8(p['c2a_b'], 64), want_h=True)
    n2a = _norm8(st2a, p['c2a_g'], p['c2a_be'], N * K, 64)
    h2, st2b = _edge_mm(h1, n2a, p['c2b_W'], _bc8(p['c2b_b'], 64), want_h=True)
    n2b = _norm8(st2b, p['c2b_g'], p['c2b_be'], N * K, 64)
    m3, st2c = _edge_mm(h2, n2b, p['c2c_W'], _bc8(p['c2c_b'], 128),
                        want_h=False)
    x2 = _bn_apply(m3, st2c, p['c2c_g'], p['c2c_be'], N * K)

    u = jnp.concatenate([x1, x2], axis=1)
    bmask = (batch[:, None] == jnp.arange(B)[None, :]).astype(jnp.float32)
    pooled_raw, stl = _l1pool(u, bmask, p['l1_W'], _bc8(p['l1_b'], 1024))
    pooled_n = _bn_apply(pooled_raw, stl, p['l1_g'], p['l1_be'], N)

    return _head(pooled_n, p)

# --- scband reference (transcript-rebuilt; emitter-appended) ---
"""Pipeline reference for scband-net-87359634801055 (READ-ONLY COPY).

The authoritative reference and input builder live on the scoring server;
editing this copy changes nothing except your own understanding.
"""

import jax, jax.numpy as jnp
import numpy as np

N = 8192
B = 8
K = 10
IN_CH = 6
OUT_CH = 13

def _lin(key, fi, fo):
    return jax.random.normal(key, (fi, fo), dtype=jnp.float32) * (1.0 / np.sqrt(fi))

def setup_inputs(seed: int = 0):
    key = jax.random.key(seed)
    ks = jax.random.split(key, 40)
    x = jax.random.normal(ks[0], (N, 3), dtype=jnp.float32)
    pos = jax.random.uniform(ks[1], (N, 3), dtype=jnp.float32)
    batch = jnp.sort(jax.random.randint(ks[2], (N,), 0, B))
    p = {}
    i = 3
    def mk(name, fi, fo):
        nonlocal i
        p[name + '_W'] = _lin(ks[i], fi, fo); i += 1
        p[name + '_b'] = jnp.zeros((fo,), jnp.float32)
        p[name + '_g'] = jnp.ones((fo,), jnp.float32)
        p[name + '_be'] = jnp.zeros((fo,), jnp.float32)
    mk('c1a', 2 * IN_CH, 64)
    mk('c2a', 128, 64); mk('c2b', 64, 64); mk('c2c', 64, 128)
    mk('l1', 192, 1024)
    mk('m1', 1024, 512); mk('m2', 512, 256)
    p['out_W'] = _lin(ks[i], 256, OUT_CH); i += 1
    p['out_b'] = jnp.zeros((OUT_CH,), jnp.float32)
    return {"x": x, "pos": pos, "batch": batch, "params": p}

def _lin_relu_bn(h, p, name):
    # torch MLP block: Linear -> ReLU -> BatchNorm1d (training-mode batch stats)
    h = h @ p[name + '_W'] + p[name + '_b']
    h = jax.nn.relu(h)
    mu = jnp.mean(h, axis=0)
    var = jnp.var(h, axis=0)
    h = p[name + '_g'] * (h - mu) / jnp.sqrt(var + 1e-5) + p[name + '_be']
    return h

def _knn_idx(feat, batch, k):
    # kNN is non-differentiable index selection (as in torch_geometric knn)
    f = jax.lax.stop_gradient(feat)
    sq = jnp.sum(f * f, axis=1)
    d2 = sq[:, None] + sq[None, :] - 2.0 * (f @ f.T)
    d2 = jnp.where(batch[:, None] != batch[None, :], jnp.inf, d2)
    _, idx = jax.lax.top_k(-d2, k)
    return idx

def _dyn_edge_conv(feat, batch, k, p, names):
    idx = _knn_idx(feat, batch, k)
    xj = feat[idx]
    xi = jnp.broadcast_to(feat[:, None, :], xj.shape)
    e = jnp.concatenate([xi, xj - xi], axis=-1).reshape(feat.shape[0] * k, 2 * feat.shape[1])
    for nm in names:
        e = _lin_relu_bn(e, p, nm)
    e = e.reshape(feat.shape[0], k, -1)
    return jnp.max(e, axis=1)

def _forward(x, pos, batch, p):
    h = jnp.concatenate([x, pos / 255.0], axis=1)
    x1 = _dyn_edge_conv(h, batch, K, p, ['c1a'])
    x2 = _dyn_edge_conv(x1, batch, K, p, ['c2a', 'c2b', 'c2c'])
    out = _lin_relu_bn(jnp.concatenate([x1, x2], axis=1), p, 'l1')
    pooled = jax.ops.segment_max(out, batch, num_segments=B)
    h2 = _lin_relu_bn(pooled, p, 'm1')
    # Dropout treated as identity (deterministic reference)
    h2 = _lin_relu_bn(h2, p, 'm2')
    logits = h2 @ p['out_W'] + p['out_b']
    return jax.nn.log_softmax(logits, axis=1)

def reference(x, pos, batch, params):
    return _forward(x, pos, batch, params)

if __name__ == "__main__":
    import jax
    _d = setup_inputs()
    print(jax.jit(kernel)(*tuple(_d.values())))

</pallas_src>

<mosaic_0001>
#map = affine_map<(d0, d1) -> (0)>
#map1 = affine_map<(d0, d1) -> (0, 0)>
module attributes {stable_mosaic.version = 14 : i64} {
  func.func @k(%arg0: i32, %arg1: i32, %arg2: memref<81920xi32, #tpu.memory_space<hbm>>, %arg3: memref<8192x128xf32, #tpu.memory_space<hbm>>, %arg4: memref<81920x128xf32, #tpu.memory_space<hbm>>, %arg5: memref<512xi32, #tpu.memory_space<vmem>>, %arg6: memref<512x128xf32, #tpu.memory_space<vmem>>, %arg7: memref<!tpu.dma_semaphore, #tpu.memory_space<semaphore_mem>>) attributes {dimension_semantics = [#tpu.dimension_semantics<core_parallel>, #tpu.dimension_semantics<subcore_parallel>], iteration_bounds = array<i64: 2, 16>, scalar_prefetch = 0 : i64, scratch_operands = 3 : i64, tpu.core_type = #tpu.core_type<sc_vector_subcore>, window_params = [{transform_indices = #map}, {transform_indices = #map1}, {transform_indices = #map1}]} {
    %mul3A = arith.constant 2 : i32
    %mul3A_0 = arith.muli %arg1, %mul3A : i32
    %add3A = arith.addi %mul3A_0, %arg0 : i32
    %mul3A_1 = arith.constant 2560 : i32
    %mul3A_2 = arith.muli %add3A, %mul3A_1 : i32
    %add3A_3 = arith.constant 0 : i32
    %add3A_4 = arith.addi %mul3A_2, %add3A_3 : i32
    "tpu.region"() ({
      %run_scoped3A = tpu.sem_alloc : memref<!tpu.dma_semaphore, #tpu.memory_space<semaphore_mem>>
      %dma_start3A_41 = tpu.memref_slice %arg2[%add3A_4] : memref<81920xi32, #tpu.memory_space<hbm>> -> memref<512xi32, #tpu.memory_space<hbm>>
      %dma_start3A_42 = tpu.memref_slice %arg2[%add3A_4] : memref<81920xi32, #tpu.memory_space<hbm>> -> memref<512xi32, #tpu.memory_space<hbm>>
      tpu.enqueue_dma source(%dma_start3A_42 : memref<512xi32, #tpu.memory_space<hbm>>) target(%arg5 : memref<512xi32, #tpu.memory_space<vmem>>) target_semaphore(%run_scoped3A : memref<!tpu.dma_semaphore, #tpu.memory_space<semaphore_mem>>)
      %dma_wait3A_43 = tpu.memref_slice %arg2[%add3A_4] : memref<81920xi32, #tpu.memory_space<hbm>> -> memref<512xi32, #tpu.memory_space<hbm>>
      %dma_wait3A_44 = tpu.memref_slice %arg2[%add3A_4] : memref<81920xi32, #tpu.memory_space<hbm>> -> memref<512xi32, #tpu.memory_space<hbm>>
      tpu.wait_dma2 semaphore(%run_scoped3A : memref<!tpu.dma_semaphore, #tpu.memory_space<semaphore_mem>>) src(%dma_wait3A_44 : memref<512xi32, #tpu.memory_space<hbm>>) dst(%arg5 : memref<512xi32, #tpu.memory_space<vmem>>)
      tpu.yield
    }) : () -> ()
    %dma_start3A = arith.constant 0 : i32
    %dma_start3A_5 = arith.constant 0 : i32
    %dma_start3A_6 = tpu.memref_slice %arg3[%dma_start3A, %dma_start3A_5] : memref<8192x128xf32, #tpu.memory_space<hbm>> -> memref<8192x128xf32, #tpu.memory_space<hbm>>
    tpu.enqueue_indirect_dma source(%dma_start3A_6 : memref<8192x128xf32, #tpu.memory_space<hbm>>) target(%arg6 : memref<512x128xf32, #tpu.memory_space<vmem>>) offsets(%arg5 : memref<512xi32, #tpu.memory_space<vmem>>) semaphore(%arg7 : memref<!tpu.dma_semaphore, #tpu.memory_space<semaphore_mem>>)
    %dma_wait3A = arith.constant 0 : i32
    %dma_wait3A_7 = arith.constant 0 : i32
    %dma_wait3A_8 = tpu.memref_slice %arg3[%dma_wait3A, %dma_wait3A_7] : memref<8192x128xf32, #tpu.memory_space<hbm>> -> memref<8192x128xf32, #tpu.memory_space<hbm>>
    tpu.wait_indirect_dma semaphore(%arg7 : memref<!tpu.dma_semaphore, #tpu.memory_space<semaphore_mem>>) src(%dma_wait3A_8 : memref<8192x128xf32, #tpu.memory_space<hbm>>) dst(%arg6 : memref<512x128xf32, #tpu.memory_space<vmem>>)
    "tpu.region"() ({
      %run_scoped3A = tpu.sem_alloc : memref<!tpu.dma_semaphore, #tpu.memory_space<semaphore_mem>>
      %dma_start3A_41 = arith.constant 0 : i32
      %dma_start3A_42 = tpu.memref_slice %arg4[%add3A_4, %dma_start3A_41] : memref<81920x128xf32, #tpu.memory_space<hbm>> -> memref<512x128xf32, #tpu.memory_space<hbm>>
      %dma_start3A_43 = arith.constant 0 : i32
      %dma_start3A_44 = tpu.memref_slice %arg4[%add3A_4, %dma_start3A_43] : memref<81920x128xf32, #tpu.memory_space<hbm>> -> memref<512x128xf32, #tpu.memory_space<hbm>>
      tpu.enqueue_dma source(%arg6 : memref<512x128xf32, #tpu.memory_space<vmem>>) target(%dma_start3A_44 : memref<512x128xf32, #tpu.memory_space<hbm>>) target_semaphore(%run_scoped3A : memref<!tpu.dma_semaphore, #tpu.memory_space<semaphore_mem>>)
      %dma_wait3A_45 = arith.constant 0 : i32
      %dma_wait3A_46 = tpu.memref_slice %arg4[%add3A_4, %dma_wait3A_45] : memref<81920x128xf32, #tpu.memory_space<hbm>> -> memref<512x128xf32, #tpu.memory_space<hbm>>
      %dma_wait3A_47 = arith.constant 0 : i32
      %dma_wait3A_48 = tpu.memref_slice %arg4[%add3A_4, %dma_wait3A_47] : memref<81920x128xf32, #tpu.memory_space<hbm>> -> memref<512x128xf32, #tpu.memory_space<hbm>>
      tpu.wait_dma2 semaphore(%run_scoped3A : memref<!tpu.dma_semaphore, #tpu.memory_space<semaphore_mem>>) src(%arg6 : memref<512x128xf32, #tpu.memory_space<vmem>>) dst(%dma_wait3A_48 : memref<512x128xf32, #tpu.memory_space<hbm>>)
      tpu.yield
    }) : () -> ()
    %add3A_9 = arith.constant 512 : i32
    %add3A_10 = arith.addi %mul3A_2, %add3A_9 : i32
    "tpu.region"() ({
      %run_scoped3A = tpu.sem_alloc : memref<!tpu.dma_semaphore, #tpu.memory_space<semaphore_mem>>
      %dma_start3A_41 = tpu.memref_slice %arg2[%add3A_10] : memref<81920xi32, #tpu.memory_space<hbm>> -> memref<512xi32, #tpu.memory_space<hbm>>
      %dma_start3A_42 = tpu.memref_slice %arg2[%add3A_10] : memref<81920xi32, #tpu.memory_space<hbm>> -> memref<512xi32, #tpu.memory_space<hbm>>
      tpu.enqueue_dma source(%dma_start3A_42 : memref<512xi32, #tpu.memory_space<hbm>>) target(%arg5 : memref<512xi32, #tpu.memory_space<vmem>>) target_semaphore(%run_scoped3A : memref<!tpu.dma_semaphore, #tpu.memory_space<semaphore_mem>>)
      %dma_wait3A_43 = tpu.memref_slice %arg2[%add3A_10] : memref<81920xi32, #tpu.memory_space<hbm>> -> memref<512xi32, #tpu.memory_space<hbm>>
      %dma_wait3A_44 = tpu.memref_slice %arg2[%add3A_10] : memref<81920xi32, #tpu.memory_space<hbm>> -> memref<512xi32, #tpu.memory_space<hbm>>
      tpu.wait_dma2 semaphore(%run_scoped3A : memref<!tpu.dma_semaphore, #tpu.memory_space<semaphore_mem>>) src(%dma_wait3A_44 : memref<512xi32, #tpu.memory_space<hbm>>) dst(%arg5 : memref<512xi32, #tpu.memory_space<vmem>>)
      tpu.yield
    }) : () -> ()
    %dma_start3A_11 = arith.constant 0 : i32
    %dma_start3A_12 = arith.constant 0 : i32
    %dma_start3A_13 = tpu.memref_slice %arg3[%dma_start3A_11, %dma_start3A_12] : memref<8192x128xf32, #tpu.memory_space<hbm>> -> memref<8192x128xf32, #tpu.memory_space<hbm>>
    tpu.enqueue_indirect_dma source(%dma_start3A_13 : memref<8192x128xf32, #tpu.memory_space<hbm>>) target(%arg6 : memref<512x128xf32, #tpu.memory_space<vmem>>) offsets(%arg5 : memref<512xi32, #tpu.memory_space<vmem>>) semaphore(%arg7 : memref<!tpu.dma_semaphore, #tpu.memory_space<semaphore_mem>>)
    %dma_wait3A_14 = arith.constant 0 : i32
    %dma_wait3A_15 = arith.constant 0 : i32
    %dma_wait3A_16 = tpu.memref_slice %arg3[%dma_wait3A_14, %dma_wait3A_15] : memref<8192x128xf32, #tpu.memory_space<hbm>> -> memref<8192x128xf32, #tpu.memory_space<hbm>>
    tpu.wait_indirect_dma semaphore(%arg7 : memref<!tpu.dma_semaphore, #tpu.memory_space<semaphore_mem>>) src(%dma_wait3A_16 : memref<8192x128xf32, #tpu.memory_space<hbm>>) dst(%arg6 : memref<512x128xf32, #tpu.memory_space<vmem>>)
    "tpu.region"() ({
      %run_scoped3A = tpu.sem_alloc : memref<!tpu.dma_semaphore, #tpu.memory_space<semaphore_mem>>
      %dma_start3A_41 = arith.constant 0 : i32
      %dma_start3A_42 = tpu.memref_slice %arg4[%add3A_10, %dma_start3A_41] : memref<81920x128xf32, #tpu.memory_space<hbm>> -> memref<512x128xf32, #tpu.memory_space<hbm>>
      %dma_start3A_43 = arith.constant 0 : i32
      %dma_start3A_44 = tpu.memref_slice %arg4[%add3A_10, %dma_start3A_43] : memref<81920x128xf32, #tpu.memory_space<hbm>> -> memref<512x128xf32, #tpu.memory_space<hbm>>
      tpu.enqueue_dma source(%arg6 : memref<512x128xf32, #tpu.memory_space<vmem>>) target(%dma_start3A_44 : memref<512x128xf32, #tpu.memory_space<hbm>>) target_semaphore(%run_scoped3A : memref<!tpu.dma_semaphore, #tpu.memory_space<semaphore_mem>>)
      %dma_wait3A_45 = arith.constant 0 : i32
      %dma_wait3A_46 = tpu.memref_slice %arg4[%add3A_10, %dma_wait3A_45] : memref<81920x128xf32, #tpu.memory_space<hbm>> -> memref<512x128xf32, #tpu.memory_space<hbm>>
      %dma_wait3A_47 = arith.constant 0 : i32
      %dma_wait3A_48 = tpu.memref_slice %arg4[%add3A_10, %dma_wait3A_47] : memref<81920x128xf32, #tpu.memory_space<hbm>> -> memref<512x128xf32, #tpu.memory_space<hbm>>
      tpu.wait_dma2 semaphore(%run_scoped3A : memref<!tpu.dma_semaphore, #tpu.memory_space<semaphore_mem>>) src(%arg6 : memref<512x128xf32, #tpu.memory_space<vmem>>) dst(%dma_wait3A_48 : memref<512x128xf32, #tpu.memory_space<hbm>>)
      tpu.yield
    }) : () -> ()
    %add3A_17 = arith.constant 1024 : i32
    %add3A_18 = arith.addi %mul3A_2, %add3A_17 : i32
    "tpu.region"() ({
      %run_scoped3A = tpu.sem_alloc : memref<!tpu.dma_semaphore, #tpu.memory_space<semaphore_mem>>
      %dma_start3A_41 = tpu.memref_slice %arg2[%add3A_18] : memref<81920xi32, #tpu.memory_space<hbm>> -> memref<512xi32, #tpu.memory_space<hbm>>
      %dma_start3A_42 = tpu.memref_slice %arg2[%add3A_18] : memref<81920xi32, #tpu.memory_space<hbm>> -> memref<512xi32, #tpu.memory_space<hbm>>
      tpu.enqueue_dma source(%dma_start3A_42 : memref<512xi32, #tpu.memory_space<hbm>>) target(%arg5 : memref<512xi32, #tpu.memory_space<vmem>>) target_semaphore(%run_scoped3A : memref<!tpu.dma_semaphore, #tpu.memory_space<semaphore_mem>>)
      %dma_wait3A_43 = tpu.memref_slice %arg2[%add3A_18] : memref<81920xi32, #tpu.memory_space<hbm>> -> memref<512xi32, #tpu.memory_space<hbm>>
      %dma_wait3A_44 = tpu.memref_slice %arg2[%add3A_18] : memref<81920xi32, #tpu.memory_space<hbm>> -> memref<512xi32, #tpu.memory_space<hbm>>
      tpu.wait_dma2 semaphore(%run_scoped3A : memref<!tpu.dma_semaphore, #tpu.memory_space<semaphore_mem>>) src(%dma_wait3A_44 : memref<512xi32, #tpu.memory_space<hbm>>) dst(%arg5 : memref<512xi32, #tpu.memory_space<vmem>>)
      tpu.yield
    }) : () -> ()
    %dma_start3A_19 = arith.constant 0 : i32
    %dma_start3A_20 = arith.constant 0 : i32
    %dma_start3A_21 = tpu.memref_slice %arg3[%dma_start3A_19, %dma_start3A_20] : memref<8192x128xf32, #tpu.memory_space<hbm>> -> memref<8192x128xf32, #tpu.memory_space<hbm>>
    tpu.enqueue_indirect_dma source(%dma_start3A_21 : memref<8192x128xf32, #tpu.memory_space<hbm>>) target(%arg6 : memref<512x128xf32, #tpu.memory_space<vmem>>) offsets(%arg5 : memref<512xi32, #tpu.memory_space<vmem>>) semaphore(%arg7 : memref<!tpu.dma_semaphore, #tpu.memory_space<semaphore_mem>>)
    %dma_wait3A_22 = arith.constant 0 : i32
    %dma_wait3A_23 = arith.constant 0 : i32
    %dma_wait3A_24 = tpu.memref_slice %arg3[%dma_wait3A_22, %dma_wait3A_23] : memref<8192x128xf32, #tpu.memory_space<hbm>> -> memref<8192x128xf32, #tpu.memory_space<hbm>>
    tpu.wait_indirect_dma semaphore(%arg7 : memref<!tpu.dma_semaphore, #tpu.memory_space<semaphore_mem>>) src(%dma_wait3A_24 : memref<8192x128xf32, #tpu.memory_space<hbm>>) dst(%arg6 : memref<512x128xf32, #tpu.memory_space<vmem>>)
    "tpu.region"() ({
      %run_scoped3A = tpu.sem_alloc : memref<!tpu.dma_semaphore, #tpu.memory_space<semaphore_mem>>
      %dma_start3A_41 = arith.constant 0 : i32
      %dma_start3A_42 = tpu.memref_slice %arg4[%add3A_18, %dma_start3A_41] : memref<81920x128xf32, #tpu.memory_space<hbm>> -> memref<512x128xf32, #tpu.memory_space<hbm>>
      %dma_start3A_43 = arith.constant 0 : i32
      %dma_start3A_44 = tpu.memref_slice %arg4[%add3A_18, %dma_start3A_43] : memref<81920x128xf32, #tpu.memory_space<hbm>> -> memref<512x128xf32, #tpu.memory_space<hbm>>
      tpu.enqueue_dma source(%arg6 : memref<512x128xf32, #tpu.memory_space<vmem>>) target(%dma_start3A_44 : memref<512x128xf32, #tpu.memory_space<hbm>>) target_semaphore(%run_scoped3A : memref<!tpu.dma_semaphore, #tpu.memory_space<semaphore_mem>>)
      %dma_wait3A_45 = arith.constant 0 : i32
      %dma_wait3A_46 = tpu.memref_slice %arg4[%add3A_18, %dma_wait3A_45] : memref<81920x128xf32, #tpu.memory_space<hbm>> -> memref<512x128xf32, #tpu.memory_space<hbm>>
      %dma_wait3A_47 = arith.constant 0 : i32
      %dma_wait3A_48 = tpu.memref_slice %arg4[%add3A_18, %dma_wait3A_47] : memref<81920x128xf32, #tpu.memory_space<hbm>> -> memref<512x128xf32, #tpu.memory_space<hbm>>
      tpu.wait_dma2 semaphore(%run_scoped3A : memref<!tpu.dma_semaphore, #tpu.memory_space<semaphore_mem>>) src(%arg6 : memref<512x128xf32, #tpu.memory_space<vmem>>) dst(%dma_wait3A_48 : memref<512x128xf32, #tpu.memory_space<hbm>>)
      tpu.yield
    }) : () -> ()
    %add3A_25 = arith.constant 1536 : i32
    %add3A_26 = arith.addi %mul3A_2, %add3A_25 : i32
    "tpu.region"() ({
      %run_scoped3A = tpu.sem_alloc : memref<!tpu.dma_semaphore, #tpu.memory_space<semaphore_mem>>
      %dma_start3A_41 = tpu.memref_slice %arg2[%add3A_26] : memref<81920xi32, #tpu.memory_space<hbm>> -> memref<512xi32, #tpu.memory_space<hbm>>
      %dma_start3A_42 = tpu.memref_slice %arg2[%add3A_26] : memref<81920xi32, #tpu.memory_space<hbm>> -> memref<512xi32, #tpu.memory_space<hbm>>
      tpu.enqueue_dma source(%dma_start3A_42 : memref<512xi32, #tpu.memory_space<hbm>>) target(%arg5 : memref<512xi32, #tpu.memory_space<vmem>>) target_semaphore(%run_scoped3A : memref<!tpu.dma_semaphore, #tpu.memory_space<semaphore_mem>>)
      %dma_wait3A_43 = tpu.memref_slice %arg2[%add3A_26] : memref<81920xi32, #tpu.memory_space<hbm>> -> memref<512xi32, #tpu.memory_space<hbm>>
      %dma_wait3A_44 = tpu.memref_slice %arg2[%add3A_26] : memref<81920xi32, #tpu.memory_space<hbm>> -> memref<512xi32, #tpu.memory_space<hbm>>
      tpu.wait_dma2 semaphore(%run_scoped3A : memref<!tpu.dma_semaphore, #tpu.memory_space<semaphore_mem>>) src(%dma_wait3A_44 : memref<512xi32, #tpu.memory_space<hbm>>) dst(%arg5 : memref<512xi32, #tpu.memory_space<vmem>>)
      tpu.yield
    }) : () -> ()
    %dma_start3A_27 = arith.constant 0 : i32
    %dma_start3A_28 = arith.constant 0 : i32
    %dma_start3A_29 = tpu.memref_slice %arg3[%dma_start3A_27, %dma_start3A_28] : memref<8192x128xf32, #tpu.memory_space<hbm>> -> memref<8192x128xf32, #tpu.memory_space<hbm>>
    tpu.enqueue_indirect_dma source(%dma_start3A_29 : memref<8192x128xf32, #tpu.memory_space<hbm>>) target(%arg6 : memref<512x128xf32, #tpu.memory_space<vmem>>) offsets(%arg5 : memref<512xi32, #tpu.memory_space<vmem>>) semaphore(%arg7 : memref<!tpu.dma_semaphore, #tpu.memory_space<semaphore_mem>>)
    %dma_wait3A_30 = arith.constant 0 : i32
    %dma_wait3A_31 = arith.constant 0 : i32
    %dma_wait3A_32 = tpu.memref_slice %arg3[%dma_wait3A_30, %dma_wait3A_31] : memref<8192x128xf32, #tpu.memory_space<hbm>> -> memref<8192x128xf32, #tpu.memory_space<hbm>>
    tpu.wait_indirect_dma semaphore(%arg7 : memref<!tpu.dma_semaphore, #tpu.memory_space<semaphore_mem>>) src(%dma_wait3A_32 : memref<8192x128xf32, #tpu.memory_space<hbm>>) dst(%arg6 : memref<512x128xf32, #tpu.memory_space<vmem>>)
    "tpu.region"() ({
      %run_scoped3A = tpu.sem_alloc : memref<!tpu.dma_semaphore, #tpu.memory_space<semaphore_mem>>
      %dma_start3A_41 = arith.constant 0 : i32
      %dma_start3A_42 = tpu.memref_slice %arg4[%add3A_26, %dma_start3A_41] : memref<81920x128xf32, #tpu.memory_space<hbm>> -> memref<512x128xf32, #tpu.memory_space<hbm>>
      %dma_start3A_43 = arith.constant 0 : i32
      %dma_start3A_44 = tpu.memref_slice %arg4[%add3A_26, %dma_start3A_43] : memref<81920x128xf32, #tpu.memory_space<hbm>> -> memref<512x128xf32, #tpu.memory_space<hbm>>
      tpu.enqueue_dma source(%arg6 : memref<512x128xf32, #tpu.memory_space<vmem>>) target(%dma_start3A_44 : memref<512x128xf32, #tpu.memory_space<hbm>>) target_semaphore(%run_scoped3A : memref<!tpu.dma_semaphore, #tpu.memory_space<semaphore_mem>>)
      %dma_wait3A_45 = arith.constant 0 : i32
      %dma_wait3A_46 = tpu.memref_slice %arg4[%add3A_26, %dma_wait3A_45] : memref<81920x128xf32, #tpu.memory_space<hbm>> -> memref<512x128xf32, #tpu.memory_space<hbm>>
      %dma_wait3A_47 = arith.constant 0 : i32
      %dma_wait3A_48 = tpu.memref_slice %arg4[%add3A_26, %dma_wait3A_47] : memref<81920x128xf32, #tpu.memory_space<hbm>> -> memref<512x128xf32, #tpu.memory_space<hbm>>
      tpu.wait_dma2 semaphore(%run_scoped3A : memref<!tpu.dma_semaphore, #tpu.memory_space<semaphore_mem>>) src(%arg6 : memref<512x128xf32, #tpu.memory_space<vmem>>) dst(%dma_wait3A_48 : memref<512x128xf32, #tpu.memory_space<hbm>>)
      tpu.yield
    }) : () -> ()
    %add3A_33 = arith.constant 2048 : i32
    %add3A_34 = arith.addi %mul3A_2, %add3A_33 : i32
    "tpu.region"() ({
      %run_scoped3A = tpu.sem_alloc : memref<!tpu.dma_semaphore, #tpu.memory_space<semaphore_mem>>
      %dma_start3A_41 = tpu.memref_slice %arg2[%add3A_34] : memref<81920xi32, #tpu.memory_space<hbm>> -> memref<512xi32, #tpu.memory_space<hbm>>
      %dma_start3A_42 = tpu.memref_slice %arg2[%add3A_34] : memref<81920xi32, #tpu.memory_space<hbm>> -> memref<512xi32, #tpu.memory_space<hbm>>
      tpu.enqueue_dma source(%dma_start3A_42 : memref<512xi32, #tpu.memory_space<hbm>>) target(%arg5 : memref<512xi32, #tpu.memory_space<vmem>>) target_semaphore(%run_scoped3A : memref<!tpu.dma_semaphore, #tpu.memory_space<semaphore_mem>>)
      %dma_wait3A_43 = tpu.memref_slice %arg2[%add3A_34] : memref<81920xi32, #tpu.memory_space<hbm>> -> memref<512xi32, #tpu.memory_space<hbm>>
      %dma_wait3A_44 = tpu.memref_slice %arg2[%add3A_34] : memref<81920xi32, #tpu.memory_space<hbm>> -> memref<512xi32, #tpu.memory_space<hbm>>
      tpu.wait_dma2 semaphore(%run_scoped3A : memref<!tpu.dma_semaphore, #tpu.memory_space<semaphore_mem>>) src(%dma_wait3A_44 : memref<512xi32, #tpu.memory_space<hbm>>) dst(%arg5 : memref<512xi32, #tpu.memory_space<vmem>>)
      tpu.yield
    }) : () -> ()
    %dma_start3A_35 = arith.constant 0 : i32
    %dma_start3A_36 = arith.constant 0 : i32
    %dma_start3A_37 = tpu.memref_slice %arg3[%dma_start3A_35, %dma_start3A_36] : memref<8192x128xf32, #tpu.memory_space<hbm>> -> memref<8192x128xf32, #tpu.memory_space<hbm>>
    tpu.enqueue_indirect_dma source(%dma_start3A_37 : memref<8192x128xf32, #tpu.memory_space<hbm>>) target(%arg6 : memref<512x128xf32, #tpu.memory_space<vmem>>) offsets(%arg5 : memref<512xi32, #tpu.memory_space<vmem>>) semaphore(%arg7 : memref<!tpu.dma_semaphore, #tpu.memory_space<semaphore_mem>>)
    %dma_wait3A_38 = arith.constant 0 : i32
    %dma_wait3A_39 = arith.constant 0 : i32
    %dma_wait3A_40 = tpu.memref_slice %arg3[%dma_wait3A_38, %dma_wait3A_39] : memref<8192x128xf32, #tpu.memory_space<hbm>> -> memref<8192x128xf32, #tpu.memory_space<hbm>>
    tpu.wait_indirect_dma semaphore(%arg7 : memref<!tpu.dma_semaphore, #tpu.memory_space<semaphore_mem>>) src(%dma_wait3A_40 : memref<8192x128xf32, #tpu.memory_space<hbm>>) dst(%arg6 : memref<512x128xf32, #tpu.memory_space<vmem>>)
    "tpu.region"() ({
      %run_scoped3A = tpu.sem_alloc : memref<!tpu.dma_semaphore, #tpu.memory_space<semaphore_mem>>
      %dma_start3A_41 = arith.constant 0 : i32
      %dma_start3A_42 = tpu.memref_slice %arg4[%add3A_34, %dma_start3A_41] : memref<81920x128xf32, #tpu.memory_space<hbm>> -> memref<512x128xf32, #tpu.memory_space<hbm>>
      %dma_start3A_43 = arith.constant 0 : i32
      %dma_start3A_44 = tpu.memref_slice %arg4[%add3A_34, %dma_start3A_43] : memref<81920x128xf32, #tpu.memory_space<hbm>> -> memref<512x128xf32, #tpu.memory_space<hbm>>
      tpu.enqueue_dma source(%arg6 : memref<512x128xf32, #tpu.memory_space<vmem>>) target(%dma_start3A_44 : memref<512x128xf32, #tpu.memory_space<hbm>>) target_semaphore(%run_scoped3A : memref<!tpu.dma_semaphore, #tpu.memory_space<semaphore_mem>>)
      %dma_wait3A_45 = arith.constant 0 : i32
      %dma_wait3A_46 = tpu.memref_slice %arg4[%add3A_34, %dma_wait3A_45] : memref<81920x128xf32, #tpu.memory_space<hbm>> -> memref<512x128xf32, #tpu.memory_space<hbm>>
      %dma_wait3A_47 = arith.constant 0 : i32
      %dma_wait3A_48 = tpu.memref_slice %arg4[%add3A_34, %dma_wait3A_47] : memref<81920x128xf32, #tpu.memory_space<hbm>> -> memref<512x128xf32, #tpu.memory_space<hbm>>
      tpu.wait_dma2 semaphore(%run_scoped3A : memref<!tpu.dma_semaphore, #tpu.memory_space<semaphore_mem>>) src(%arg6 : memref<512x128xf32, #tpu.memory_space<vmem>>) dst(%dma_wait3A_48 : memref<512x128xf32, #tpu.memory_space<hbm>>)
      tpu.yield
    }) : () -> ()
    return
  }
}

#map = affine_map<(d0, d1) -> (0)>
#map1 = affine_map<(d0, d1) -> (0, 0)>
module attributes {stable_mosaic.version = 14 : i64} {
  func.func @k(%arg0: i32, %arg1: i32, %arg2: memref<81920xi32, #tpu.memory_space<hbm>>, %arg3: memref<8192x128xf32, #tpu.memory_space<hbm>>, %arg4: memref<81920x128xf32, #tpu.memory_space<hbm>>, %arg5: memref<512xi32, #tpu.memory_space<vmem>>, %arg6: memref<512x128xf32, #tpu.memory_space<vmem>>, %arg7: memref<!tpu.dma_semaphore, #tpu.memory_space<semaphore_mem>>) attributes {dimension_semantics = [#tpu.dimension_semantics<core_parallel>, #tpu.dimension_semantics<subcore_parallel>], iteration_bounds = array<i64: 2, 16>, scalar_prefetch = 0 : i64, scratch_operands = 3 : i64, tpu.core_type = #tpu.core_type<sc_vector_subcore>, window_params = [{transform_indices = #map}, {transform_indices = #map1}, {transform_indices = #map1}]} {
    %mul3A = arith.constant 2 : i32
    %mul3A_0 = arith.muli %arg1, %mul3A : i32
    %add3A = arith.addi %mul3A_0, %arg0 : i32
    %mul3A_1 = arith.constant 2560 : i32
    %mul3A_2 = arith.muli %add3A, %mul3A_1 : i32
    %add3A_3 = arith.constant 0 : i32
    %add3A_4 = arith.addi %mul3A_2, %add3A_3 : i32
    "tpu.region"() ({
      %run_scoped3A = tpu.sem_alloc : memref<!tpu.dma_semaphore, #tpu.memory_space<semaphore_mem>>
      %dma_start3A_41 = tpu.memref_slice %arg2[%add3A_4] : memref<81920xi32, #tpu.memory_space<hbm>> -> memref<512xi32, #tpu.memory_space<hbm>>
      %dma_start3A_42 = tpu.memref_slice %arg2[%add3A_4] : memref<81920xi32, #tpu.memory_space<hbm>> -> memref<512xi32, #tpu.memory_space<hbm>>
      tpu.enqueue_dma source(%dma_start3A_42 : memref<512xi32, #tpu.memory_space<hbm>>) target(%arg5 : memref<512xi32, #tpu.memory_space<vmem>>) target_semaphore(%run_scoped3A : memref<!tpu.dma_semaphore, #tpu.memory_space<semaphore_mem>>)
      %dma_wait3A_43 = tpu.memref_slice %arg2[%add3A_4] : memref<81920xi32, #tpu.memory_space<hbm>> -> memref<512xi32, #tpu.memory_space<hbm>>
      %dma_wait3A_44 = tpu.memref_slice %arg2[%add3A_4] : memref<81920xi32, #tpu.memory_space<hbm>> -> memref<512xi32, #tpu.memory_space<hbm>>
      tpu.wait_dma2 semaphore(%run_scoped3A : memref<!tpu.dma_semaphore, #tpu.memory_space<semaphore_mem>>) src(%dma_wait3A_44 : memref<512xi32, #tpu.memory_space<hbm>>) dst(%arg5 : memref<512xi32, #tpu.memory_space<vmem>>)
      tpu.yield
    }) : () -> ()
    %dma_start3A = arith.constant 0 : i32
    %dma_start3A_5 = arith.constant 0 : i32
    %dma_start3A_6 = tpu.memref_slice %arg3[%dma_start3A, %dma_start3A_5] : memref<8192x128xf32, #tpu.memory_space<hbm>> -> memref<8192x128xf32, #tpu.memory_space<hbm>>
    tpu.enqueue_indirect_dma source(%dma_start3A_6 : memref<8192x128xf32, #tpu.memory_space<hbm>>) target(%arg6 : memref<512x128xf32, #tpu.memory_space<vmem>>) offsets(%arg5 : memref<512xi32, #tpu.memory_space<vmem>>) semaphore(%arg7 : memref<!tpu.dma_semaphore, #tpu.memory_space<semaphore_mem>>)
    %dma_wait3A = arith.constant 0 : i32
    %dma_wait3A_7 = arith.constant 0 : i32
    %dma_wait3A_8 = tpu.memref_slice %arg3[%dma_wait3A, %dma_wait3A_7] : memref<8192x128xf32, #tpu.memory_space<hbm>> -> memref<8192x128xf32, #tpu.memory_space<hbm>>
    tpu.wait_indirect_dma semaphore(%arg7 : memref<!tpu.dma_semaphore, #tpu.memory_space<semaphore_mem>>) src(%dma_wait3A_8 : memref<8192x128xf32, #tpu.memory_space<hbm>>) dst(%arg6 : memref<512x128xf32, #tpu.memory_space<vmem>>)
    "tpu.region"() ({
      %run_scoped3A = tpu.sem_alloc : memref<!tpu.dma_semaphore, #tpu.memory_space<semaphore_mem>>
      %dma_start3A_41 = arith.constant 0 : i32
      %dma_start3A_42 = tpu.memref_slice %arg4[%add3A_4, %dma_start3A_41] : memref<81920x128xf32, #tpu.memory_space<hbm>> -> memref<512x128xf32, #tpu.memory_space<hbm>>
      %dma_start3A_43 = arith.constant 0 : i32
      %dma_start3A_44 = tpu.memref_slice %arg4[%add3A_4, %dma_start3A_43] : memref<81920x128xf32, #tpu.memory_space<hbm>> -> memref<512x128xf32, #tpu.memory_space<hbm>>
      tpu.enqueue_dma source(%arg6 : memref<512x128xf32, #tpu.memory_space<vmem>>) target(%dma_start3A_44 : memref<512x128xf32, #tpu.memory_space<hbm>>) target_semaphore(%run_scoped3A : memref<!tpu.dma_semaphore, #tpu.memory_space<semaphore_mem>>)
      %dma_wait3A_45 = arith.constant 0 : i32
      %dma_wait3A_46 = tpu.memref_slice %arg4[%add3A_4, %dma_wait3A_45] : memref<81920x128xf32, #tpu.memory_space<hbm>> -> memref<512x128xf32, #tpu.memory_space<hbm>>
      %dma_wait3A_47 = arith.constant 0 : i32
      %dma_wait3A_48 = tpu.memref_slice %arg4[%add3A_4, %dma_wait3A_47] : memref<81920x128xf32, #tpu.memory_space<hbm>> -> memref<512x128xf32, #tpu.memory_space<hbm>>
      tpu.wait_dma2 semaphore(%run_scoped3A : memref<!tpu.dma_semaphore, #tpu.memory_space<semaphore_mem>>) src(%arg6 : memref<512x128xf32, #tpu.memory_space<vmem>>) dst(%dma_wait3A_48 : memref<512x128xf32, #tpu.memory_space<hbm>>)
      tpu.yield
    }) : () -> ()
    %add3A_9 = arith.constant 512 : i32
    %add3A_10 = arith.addi %mul3A_2, %add3A_9 : i32
    "tpu.region"() ({
      %run_scoped3A = tpu.sem_alloc : memref<!tpu.dma_semaphore, #tpu.memory_space<semaphore_mem>>
      %dma_start3A_41 = tpu.memref_slice %arg2[%add3A_10] : memref<81920xi32, #tpu.memory_space<hbm>> -> memref<512xi32, #tpu.memory_space<hbm>>
      %dma_start3A_42 = tpu.memref_slice %arg2[%add3A_10] : memref<81920xi32, #tpu.memory_space<hbm>> -> memref<512xi32, #tpu.memory_space<hbm>>
      tpu.enqueue_dma source(%dma_start3A_42 : memref<512xi32, #tpu.memory_space<hbm>>) target(%arg5 : memref<512xi32, #tpu.memory_space<vmem>>) target_semaphore(%run_scoped3A : memref<!tpu.dma_semaphore, #tpu.memory_space<semaphore_mem>>)
      %dma_wait3A_43 = tpu.memref_slice %arg2[%add3A_10] : memref<81920xi32, #tpu.memory_space<hbm>> -> memref<512xi32, #tpu.memory_space<hbm>>
      %dma_wait3A_44 = tpu.memref_slice %arg2[%add3A_10] : memref<81920xi32, #tpu.memory_space<hbm>> -> memref<512xi32, #tpu.memory_space<hbm>>
      tpu.wait_dma2 semaphore(%run_scoped3A : memref<!tpu.dma_semaphore, #tpu.memory_space<semaphore_mem>>) src(%dma_wait3A_44 : memref<512xi32, #tpu.memory_space<hbm>>) dst(%arg5 : memref<512xi32, #tpu.memory_space<vmem>>)
      tpu.yield
    }) : () -> ()
    %dma_start3A_11 = arith.constant 0 : i32
    %dma_start3A_12 = arith.constant 0 : i32
    %dma_start3A_13 = tpu.memref_slice %arg3[%dma_start3A_11, %dma_start3A_12] : memref<8192x128xf32, #tpu.memory_space<hbm>> -> memref<8192x128xf32, #tpu.memory_space<hbm>>
    tpu.enqueue_indirect_dma source(%dma_start3A_13 : memref<8192x128xf32, #tpu.memory_space<hbm>>) target(%arg6 : memref<512x128xf32, #tpu.memory_space<vmem>>) offsets(%arg5 : memref<512xi32, #tpu.memory_space<vmem>>) semaphore(%arg7 : memref<!tpu.dma_semaphore, #tpu.memory_space<semaphore_mem>>)
    %dma_wait3A_14 = arith.constant 0 : i32
    %dma_wait3A_15 = arith.constant 0 : i32
    %dma_wait3A_16 = tpu.memref_slice %arg3[%dma_wait3A_14, %dma_wait3A_15] : memref<8192x128xf32, #tpu.memory_space<hbm>> -> memref<8192x128xf32, #tpu.memory_space<hbm>>
    tpu.wait_indirect_dma semaphore(%arg7 : memref<!tpu.dma_semaphore, #tpu.memory_space<semaphore_mem>>) src(%dma_wait3A_16 : memref<8192x128xf32, #tpu.memory_space<hbm>>) dst(%arg6 : memref<512x128xf32, #tpu.memory_space<vmem>>)
    "tpu.region"() ({
      %run_scoped3A = tpu.sem_alloc : memref<!tpu.dma_semaphore, #tpu.memory_space<semaphore_mem>>
      %dma_start3A_41 = arith.constant 0 : i32
      %dma_start3A_42 = tpu.memref_slice %arg4[%add3A_10, %dma_start3A_41] : memref<81920x128xf32, #tpu.memory_space<hbm>> -> memref<512x128xf32, #tpu.memory_space<hbm>>
      %dma_start3A_43 = arith.constant 0 : i32
      %dma_start3A_44 = tpu.memref_slice %arg4[%add3A_10, %dma_start3A_43] : memref<81920x128xf32, #tpu.memory_space<hbm>> -> memref<512x128xf32, #tpu.memory_space<hbm>>
      tpu.enqueue_dma source(%arg6 : memref<512x128xf32, #tpu.memory_space<vmem>>) target(%dma_start3A_44 : memref<512x128xf32, #tpu.memory_space<hbm>>) target_semaphore(%run_scoped3A : memref<!tpu.dma_semaphore, #tpu.memory_space<semaphore_mem>>)
      %dma_wait3A_45 = arith.constant 0 : i32
      %dma_wait3A_46 = tpu.memref_slice %arg4[%add3A_10, %dma_wait3A_45] : memref<81920x128xf32, #tpu.memory_space<hbm>> -> memref<512x128xf32, #tpu.memory_space<hbm>>
      %dma_wait3A_47 = arith.constant 0 : i32
      %dma_wait3A_48 = tpu.memref_slice %arg4[%add3A_10, %dma_wait3A_47] : memref<81920x128xf32, #tpu.memory_space<hbm>> -> memref<512x128xf32, #tpu.memory_space<hbm>>
      tpu.wait_dma2 semaphore(%run_scoped3A : memref<!tpu.dma_semaphore, #tpu.memory_space<semaphore_mem>>) src(%arg6 : memref<512x128xf32, #tpu.memory_space<vmem>>) dst(%dma_wait3A_48 : memref<512x128xf32, #tpu.memory_space<hbm>>)
      tpu.yield
    }) : () -> ()
    %add3A_17 = arith.constant 1024 : i32
    %add3A_18 = arith.addi %mul3A_2, %add3A_17 : i32
    "tpu.region"() ({
      %run_scoped3A = tpu.sem_alloc : memref<!tpu.dma_semaphore, #tpu.memory_space<semaphore_mem>>
      %dma_start3A_41 = tpu.memref_slice %arg2[%add3A_18] : memref<81920xi32, #tpu.memory_space<hbm>> -> memref<512xi32, #tpu.memory_space<hbm>>
      %dma_start3A_42 = tpu.memref_slice %arg2[%add3A_18] : memref<81920xi32, #tpu.memory_space<hbm>> -> memref<512xi32, #tpu.memory_space<hbm>>
      tpu.enqueue_dma source(%dma_start3A_42 : memref<512xi32, #tpu.memory_space<hbm>>) target(%arg5 : memref<512xi32, #tpu.memory_space<vmem>>) target_semaphore(%run_scoped3A : memref<!tpu.dma_semaphore, #tpu.memory_space<semaphore_mem>>)
      %dma_wait3A_43 = tpu.memref_slice %arg2[%add3A_18] : memref<81920xi32, #tpu.memory_space<hbm>> -> memref<512xi32, #tpu.memory_space<hbm>>
      %dma_wait3A_44 = tpu.memref_slice %arg2[%add3A_18] : memref<81920xi32, #tpu.memory_space<hbm>> -> memref<512xi32, #tpu.memory_space<hbm>>
      tpu.wait_dma2 semaphore(%run_scoped3A : memref<!tpu.dma_semaphore, #tpu.memory_space<semaphore_mem>>) src(%dma_wait3A_44 : memref<512xi32, #tpu.memory_space<hbm>>) dst(%arg5 : memref<512xi32, #tpu.memory_space<vmem>>)
      tpu.yield
    }) : () -> ()
    %dma_start3A_19 = arith.constant 0 : i32
    %dma_start3A_20 = arith.constant 0 : i32
    %dma_start3A_21 = tpu.memref_slice %arg3[%dma_start3A_19, %dma_start3A_20] : memref<8192x128xf32, #tpu.memory_space<hbm>> -> memref<8192x128xf32, #tpu.memory_space<hbm>>
    tpu.enqueue_indirect_dma source(%dma_start3A_21 : memref<8192x128xf32, #tpu.memory_space<hbm>>) target(%arg6 : memref<512x128xf32, #tpu.memory_space<vmem>>) offsets(%arg5 : memref<512xi32, #tpu.memory_space<vmem>>) semaphore(%arg7 : memref<!tpu.dma_semaphore, #tpu.memory_space<semaphore_mem>>)
    %dma_wait3A_22 = arith.constant 0 : i32
    %dma_wait3A_23 = arith.constant 0 : i32
    %dma_wait3A_24 = tpu.memref_slice %arg3[%dma_wait3A_22, %dma_wait3A_23] : memref<8192x128xf32, #tpu.memory_space<hbm>> -> memref<8192x128xf32, #tpu.memory_space<hbm>>
    tpu.wait_indirect_dma semaphore(%arg7 : memref<!tpu.dma_semaphore, #tpu.memory_space<semaphore_mem>>) src(%dma_wait3A_24 : memref<8192x128xf32, #tpu.memory_space<hbm>>) dst(%arg6 : memref<512x128xf32, #tpu.memory_space<vmem>>)
    "tpu.region"() ({
      %run_scoped3A = tpu.sem_alloc : memref<!tpu.dma_semaphore, #tpu.memory_space<semaphore_mem>>
      %dma_start3A_41 = arith.constant 0 : i32
      %dma_start3A_42 = tpu.memref_slice %arg4[%add3A_18, %dma_start3A_41] : memref<81920x128xf32, #tpu.memory_space<hbm>> -> memref<512x128xf32, #tpu.memory_space<hbm>>
      %dma_start3A_43 = arith.constant 0 : i32
      %dma_start3A_44 = tpu.memref_slice %arg4[%add3A_18, %dma_start3A_43] : memref<81920x128xf32, #tpu.memory_space<hbm>> -> memref<512x128xf32, #tpu.memory_space<hbm>>
      tpu.enqueue_dma source(%arg6 : memref<512x128xf32, #tpu.memory_space<vmem>>) target(%dma_start3A_44 : memref<512x128xf32, #tpu.memory_space<hbm>>) target_semaphore(%run_scoped3A : memref<!tpu.dma_semaphore, #tpu.memory_space<semaphore_mem>>)
      %dma_wait3A_45 = arith.constant 0 : i32
      %dma_wait3A_46 = tpu.memref_slice %arg4[%add3A_18, %dma_wait3A_45] : memref<81920x128xf32, #tpu.memory_space<hbm>> -> memref<512x128xf32, #tpu.memory_space<hbm>>
      %dma_wait3A_47 = arith.constant 0 : i32
      %dma_wait3A_48 = tpu.memref_slice %arg4[%add3A_18, %dma_wait3A_47] : memref<81920x128xf32, #tpu.memory_space<hbm>> -> memref<512x128xf32, #tpu.memory_space<hbm>>
      tpu.wait_dma2 semaphore(%run_scoped3A : memref<!tpu.dma_semaphore, #tpu.memory_space<semaphore_mem>>) src(%arg6 : memref<512x128xf32, #tpu.memory_space<vmem>>) dst(%dma_wait3A_48 : memref<512x128xf32, #tpu.memory_space<hbm>>)
      tpu.yield
    }) : () -> ()
    %add3A_25 = arith.constant 1536 : i32
    %add3A_26 = arith.addi %mul3A_2, %add3A_25 : i32
    "tpu.region"() ({
      %run_scoped3A = tpu.sem_alloc : memref<!tpu.dma_semaphore, #tpu.memory_space<semaphore_mem>>
      %dma_start3A_41 = tpu.memref_slice %arg2[%add3A_26] : memref<81920xi32, #tpu.memory_space<hbm>> -> memref<512xi32, #tpu.memory_space<hbm>>
      %dma_start3A_42 = tpu.memref_slice %arg2[%add3A_26] : memref<81920xi32, #tpu.memory_space<hbm>> -> memref<512xi32, #tpu.memory_space<hbm>>
      tpu.enqueue_dma source(%dma_start3A_42 : memref<512xi32, #tpu.memory_space<hbm>>) target(%arg5 : memref<512xi32, #tpu.memory_space<vmem>>) target_semaphore(%run_scoped3A : memref<!tpu.dma_semaphore, #tpu.memory_space<semaphore_mem>>)
      %dma_wait3A_43 = tpu.memref_slice %arg2[%add3A_26] : memref<81920xi32, #tpu.memory_space<hbm>> -> memref<512xi32, #tpu.memory_space<hbm>>
      %dma_wait3A_44 = tpu.memref_slice %arg2[%add3A_26] : memref<81920xi32, #tpu.memory_space<hbm>> -> memref<512xi32, #tpu.memory_space<hbm>>
      tpu.wait_dma2 semaphore(%run_scoped3A : memref<!tpu.dma_semaphore, #tpu.memory_space<semaphore_mem>>) src(%dma_wait3A_44 : memref<512xi32, #tpu.memory_space<hbm>>) dst(%arg5 : memref<512xi32, #tpu.memory_space<vmem>>)
      tpu.yield
    }) : () -> ()
    %dma_start3A_27 = arith.constant 0 : i32
    %dma_start3A_28 = arith.constant 0 : i32
    %dma_start3A_29 = tpu.memref_slice %arg3[%dma_start3A_27, %dma_start3A_28] : memref<8192x128xf32, #tpu.memory_space<hbm>> -> memref<8192x128xf32, #tpu.memory_space<hbm>>
    tpu.enqueue_indirect_dma source(%dma_start3A_29 : memref<8192x128xf32, #tpu.memory_space<hbm>>) target(%arg6 : memref<512x128xf32, #tpu.memory_space<vmem>>) offsets(%arg5 : memref<512xi32, #tpu.memory_space<vmem>>) semaphore(%arg7 : memref<!tpu.dma_semaphore, #tpu.memory_space<semaphore_mem>>)
    %dma_wait3A_30 = arith.constant 0 : i32
    %dma_wait3A_31 = arith.constant 0 : i32
    %dma_wait3A_32 = tpu.memref_slice %arg3[%dma_wait3A_30, %dma_wait3A_31] : memref<8192x128xf32, #tpu.memory_space<hbm>> -> memref<8192x128xf32, #tpu.memory_space<hbm>>
    tpu.wait_indirect_dma semaphore(%arg7 : memref<!tpu.dma_semaphore, #tpu.memory_space<semaphore_mem>>) src(%dma_wait3A_32 : memref<8192x128xf32, #tpu.memory_space<hbm>>) dst(%arg6 : memref<512x128xf32, #tpu.memory_space<vmem>>)
    "tpu.region"() ({
      %run_scoped3A = tpu.sem_alloc : memref<!tpu.dma_semaphore, #tpu.memory_space<semaphore_mem>>
      %dma_start3A_41 = arith.constant 0 : i32
      %dma_start3A_42 = tpu.memref_slice %arg4[%add3A_26, %dma_start3A_41] : memref<81920x128xf32, #tpu.memory_space<hbm>> -> memref<512x128xf32, #tpu.memory_space<hbm>>
      %dma_start3A_43 = arith.constant 0 : i32
      %dma_start3A_44 = tpu.memref_slice %arg4[%add3A_26, %dma_start3A_43] : memref<81920x128xf32, #tpu.memory_space<hbm>> -> memref<512x128xf32, #tpu.memory_space<hbm>>
      tpu.enqueue_dma source(%arg6 : memref<512x128xf32, #tpu.memory_space<vmem>>) target(%dma_start3A_44 : memref<512x128xf32, #tpu.memory_space<hbm>>) target_semaphore(%run_scoped3A : memref<!tpu.dma_semaphore, #tpu.memory_space<semaphore_mem>>)
      %dma_wait3A_45 = arith.constant 0 : i32
      %dma_wait3A_46 = tpu.memref_slice %arg4[%add3A_26, %dma_wait3A_45] : memref<81920x128xf32, #tpu.memory_space<hbm>> -> memref<512x128xf32, #tpu.memory_space<hbm>>
      %dma_wait3A_47 = arith.constant 0 : i32
      %dma_wait3A_48 = tpu.memref_slice %arg4[%add3A_26, %dma_wait3A_47] : memref<81920x128xf32, #tpu.memory_space<hbm>> -> memref<512x128xf32, #tpu.memory_space<hbm>>
      tpu.wait_dma2 semaphore(%run_scoped3A : memref<!tpu.dma_semaphore, #tpu.memory_space<semaphore_mem>>) src(%arg6 : memref<512x128xf32, #tpu.memory_space<vmem>>) dst(%dma_wait3A_48 : memref<512x128xf32, #tpu.memory_space<hbm>>)
      tpu.yield
    }) : () -> ()
    %add3A_33 = arith.constant 2048 : i32
    %add3A_34 = arith.addi %mul3A_2, %add3A_33 : i32
    "tpu.region"() ({
      %run_scoped3A = tpu.sem_alloc : memref<!tpu.dma_semaphore, #tpu.memory_space<semaphore_mem>>
      %dma_start3A_41 = tpu.memref_slice %arg2[%add3A_34] : memref<81920xi32, #tpu.memory_space<hbm>> -> memref<512xi32, #tpu.memory_space<hbm>>
      %dma_start3A_42 = tpu.memref_slice %arg2[%add3A_34] : memref<81920xi32, #tpu.memory_space<hbm>> -> memref<512xi32, #tpu.memory_space<hbm>>
      tpu.enqueue_dma source(%dma_start3A_42 : memref<512xi32, #tpu.memory_space<hbm>>) target(%arg5 : memref<512xi32, #tpu.memory_space<vmem>>) target_semaphore(%run_scoped3A : memref<!tpu.dma_semaphore, #tpu.memory_space<semaphore_mem>>)
      %dma_wait3A_43 = tpu.memref_slice %arg2[%add3A_34] : memref<81920xi32, #tpu.memory_space<hbm>> -> memref<512xi32, #tpu.memory_space<hbm>>
      %dma_wait3A_44 = tpu.memref_slice %arg2[%add3A_34] : memref<81920xi32, #tpu.memory_space<hbm>> -> memref<512xi32, #tpu.memory_space<hbm>>
      tpu.wait_dma2 semaphore(%run_scoped3A : memref<!tpu.dma_semaphore, #tpu.memory_space<semaphore_mem>>) src(%dma_wait3A_44 : memref<512xi32, #tpu.memory_space<hbm>>) dst(%arg5 : memref<512xi32, #tpu.memory_space<vmem>>)
      tpu.yield
    }) : () -> ()
    %dma_start3A_35 = arith.constant 0 : i32
    %dma_start3A_36 = arith.constant 0 : i32
    %dma_start3A_37 = tpu.memref_slice %arg3[%dma_start3A_35, %dma_start3A_36] : memref<8192x128xf32, #tpu.memory_space<hbm>> -> memref<8192x128xf32, #tpu.memory_space<hbm>>
    tpu.enqueue_indirect_dma source(%dma_start3A_37 : memref<8192x128xf32, #tpu.memory_space<hbm>>) target(%arg6 : memref<512x128xf32, #tpu.memory_space<vmem>>) offsets(%arg5 : memref<512xi32, #tpu.memory_space<vmem>>) semaphore(%arg7 : memref<!tpu.dma_semaphore, #tpu.memory_space<semaphore_mem>>)
    %dma_wait3A_38 = arith.constant 0 : i32
    %dma_wait3A_39 = arith.constant 0 : i32
    %dma_wait3A_40 = tpu.memref_slice %arg3[%dma_wait3A_38, %dma_wait3A_39] : memref<8192x128xf32, #tpu.memory_space<hbm>> -> memref<8192x128xf32, #tpu.memory_space<hbm>>
    tpu.wait_indirect_dma semaphore(%arg7 : memref<!tpu.dma_semaphore, #tpu.memory_space<semaphore_mem>>) src(%dma_wait3A_40 : memref<8192x128xf32, #tpu.memory_space<hbm>>) dst(%arg6 : memref<512x128xf32, #tpu.memory_space<vmem>>)
    "tpu.region"() ({
      %run_scoped3A = tpu.sem_alloc : memref<!tpu.dma_semaphore, #tpu.memory_space<semaphore_mem>>
      %dma_start3A_41 = arith.constant 0 : i32
      %dma_start3A_42 = tpu.memref_slice %arg4[%add3A_34, %dma_start3A_41] : memref<81920x128xf32, #tpu.memory_space<hbm>> -> memref<512x128xf32, #tpu.memory_space<hbm>>
      %dma_start3A_43 = arith.constant 0 : i32
      %dma_start3A_44 = tpu.memref_slice %arg4[%add3A_34, %dma_start3A_43] : memref<81920x128xf32, #tpu.memory_space<hbm>> -> memref<512x128xf32, #tpu.memory_space<hbm>>
      tpu.enqueue_dma source(%arg6 : memref<512x128xf32, #tpu.memory_space<vmem>>) target(%dma_start3A_44 : memref<512x128xf32, #tpu.memory_space<hbm>>) target_semaphore(%run_scoped3A : memref<!tpu.dma_semaphore, #tpu.memory_space<semaphore_mem>>)
      %dma_wait3A_45 = arith.constant 0 : i32
      %dma_wait3A_46 = tpu.memref_slice %arg4[%add3A_34, %dma_wait3A_45] : memref<81920x128xf32, #tpu.memory_space<hbm>> -> memref<512x128xf32, #tpu.memory_space<hbm>>
      %dma_wait3A_47 = arith.constant 0 : i32
      %dma_wait3A_48 = tpu.memref_slice %arg4[%add3A_34, %dma_wait3A_47] : memref<81920x128xf32, #tpu.memory_space<hbm>> -> memref<512x128xf32, #tpu.memory_space<hbm>>
      tpu.wait_dma2 semaphore(%run_scoped3A : memref<!tpu.dma_semaphore, #tpu.memory_space<semaphore_mem>>) src(%arg6 : memref<512x128xf32, #tpu.memory_space<vmem>>) dst(%dma_wait3A_48 : memref<512x128xf32, #tpu.memory_space<hbm>>)
      tpu.yield
    }) : () -> ()
    return
  }
}

module attributes {stable_mosaic.version = 14 : i64} {
  func.func @_knn_body(%arg0: i32, %arg1: memref<256x128xf32, #tpu.memory_space<vmem>>, %arg2: memref<8192x128xf32, #tpu.memory_space<vmem>>, %arg3: memref<256x8xf32, #tpu.memory_space<vmem>>, %arg4: memref<8x8192xf32, #tpu.memory_space<vmem>>, %arg5: memref<256x8xf32, #tpu.memory_space<vmem>>, %arg6: memref<8x8192xf32, #tpu.memory_space<vmem>>, %arg7: memref<256x10xi32, #tpu.memory_space<vmem>>) attributes {dimension_semantics = [#tpu.dimension_semantics<arbitrary>], iteration_bounds = array<i64: 32>, scalar_prefetch = 0 : i64, scratch_operands = 0 : i64, tpu.core_type = #tpu.core_type<tc>, window_params = [{transform_indices = @transform_0, window_bounds = array<i64: 256, 128>}, {pipeline_mode = #tpu.pipeline_mode<synchronous>, transform_indices = @transform_1, window_bounds = array<i64: 8192, 128>}, {transform_indices = @transform_2, window_bounds = array<i64: 256, 8>}, {pipeline_mode = #tpu.pipeline_mode<synchronous>, transform_indices = @transform_3, window_bounds = array<i64: 8, 8192>}, {transform_indices = @transform_4, window_bounds = array<i64: 256, 8>}, {pipeline_mode = #tpu.pipeline_mode<synchronous>, transform_indices = @transform_5, window_bounds = array<i64: 8, 8192>}, {transform_indices = @transform_6, window_bounds = array<i64: 256, 10>}]} {
    %get3A = arith.constant 0 : index
    %get3A_0 = arith.constant 0 : index
    %get3A_1 = vector.load %arg1[%get3A, %get3A_0] : memref<256x128xf32, #tpu.memory_space<vmem>>, vector<256x128xf32>
    %get3A_2 = arith.constant 0 : index
    %get3A_3 = arith.constant 0 : index
    %get3A_4 = vector.load %arg2[%get3A_2, %get3A_3] : memref<8192x128xf32, #tpu.memory_space<vmem>>, vector<8192x128xf32>
    %dot_general3A = arith.constant dense<0.000000e+00> : vector<256x8192xf32>
    %dot_general3A_5 = tpu.matmul %get3A_1, %get3A_4, %dot_general3A {dimension_numbers = #tpu.dot_dimension_numbers<[1], [1], [0], [0], [0, 0, 1, 0], [], []>, transpose_lhs_hint = false} : vector<256x128xf32>, vector<8192x128xf32>, vector<256x8192xf32> -> vector<256x8192xf32>
    %get3A_6 = arith.constant 0 : index
    %get3A_7 = arith.constant 0 : index
    %get3A_8 = vector.load %arg3[%get3A_6, %get3A_7] : memref<256x8xf32, #tpu.memory_space<vmem>>, vector<256x1xf32>
    %get3A_9 = arith.constant 0 : index
    %get3A_10 = arith.constant 0 : index
    %get3A_11 = vector.load %arg4[%get3A_9, %get3A_10] : memref<8x8192xf32, #tpu.memory_space<vmem>>, vector<1x8192xf32>
    %add3A = vector.broadcast %get3A_8 : vector<256x1xf32> to vector<256x8192xf32>
    %add3A_12 = vector.broadcast %get3A_11 : vector<1x8192xf32> to vector<256x8192xf32>
    %add3A_13 = arith.addf %add3A, %add3A_12 : vector<256x8192xf32>
    %mul3A = arith.constant 2.000000e+00 : f32
    %mul3A_14 = vector.broadcast %mul3A : f32 to vector<256x8192xf32>
    %mul3A_15 = arith.mulf %mul3A_14, %dot_general3A_5 : vector<256x8192xf32>
    %sub3A = arith.subf %add3A_13, %mul3A_15 : vector<256x8192xf32>
    %get3A_16 = arith.constant 0 : index
    %get3A_17 = arith.constant 0 : index
    %get3A_18 = vector.load %arg5[%get3A_16, %get3A_17] : memref<256x8xf32, #tpu.memory_space<vmem>>, vector<256x1xf32>
    %get3A_19 = arith.constant 0 : index
    %get3A_20 = arith.constant 0 : index
    %get3A_21 = vector.load %arg6[%get3A_19, %get3A_20] : memref<8x8192xf32, #tpu.memory_space<vmem>>, vector<1x8192xf32>
    %ne3A = vector.broadcast %get3A_18 : vector<256x1xf32> to vector<256x8192xf32>
    %ne3A_22 = vector.broadcast %get3A_21 : vector<1x8192xf32> to vector<256x8192xf32>
    %ne3A_23 = arith.cmpf one, %ne3A, %ne3A_22 : vector<256x8192xf32>
    %jit3A = arith.constant 1.000000e+30 : f32
    %jit3A_24 = arith.constant 0.000000e+00 : f32
    %broadcast_in_dim3A = vector.broadcast %jit3A : f32 to vector<256x8192xf32>
    %broadcast_in_dim3A_25 = vector.broadcast %jit3A_24 : f32 to vector<256x8192xf32>
    %select_n3A = arith.select %ne3A_23, %broadcast_in_dim3A, %broadcast_in_dim3A_25 : vector<256x8192xi1>, vector<256x8192xf32>
    %add3A_26 = arith.addf %sub3A, %select_n3A : vector<256x8192xf32>
    %iota3A = tpu.iota {dimensions = array<i32: 1>} : vector<256x8192xi32>
    %convert_element_type3A = arith.sitofp %iota3A : vector<256x8192xi32> to vector<256x8192xf32>
    %reduce_min3A = arith.constant dense<0x7F800000> : vector<256xf32>
    %reduce_min3A_27 = vector.multi_reduction <minimumf>, %add3A_26, %reduce_min3A [1] : vector<256x8192xf32> to vector<256xf32>
    %broadcast_in_dim3A_28 = vector.shape_cast %reduce_min3A_27 : vector<256xf32> to vector<256x1xf32>
    %le3A = vector.broadcast %broadcast_in_dim3A_28 : vector<256x1xf32> to vector<256x8192xf32>
    %le3A_29 = arith.cmpf ole, %add3A_26, %le3A : vector<256x8192xf32>
    %jit3A_30 = arith.constant 1.000000e+30 : f32
    %broadcast_in_dim3A_31 = vector.broadcast %jit3A_30 : f32 to vector<256x8192xf32>
    %select_n3A_32 = arith.select %le3A_29, %convert_element_type3A, %broadcast_in_dim3A_31 : vector<256x8192xi1>, vector<256x8192xf32>
    %reduce_min3A_33 = arith.constant dense<0x7F800000> : vector<256xf32>
    %reduce_min3A_34 = vector.multi_reduction <minimumf>, %select_n3A_32, %reduce_min3A_33 [1] : vector<256x8192xf32> to vector<256xf32>
    %broadcast_in_dim3A_35 = vector.shape_cast %reduce_min3A_34 : vector<256xf32> to vector<256x1xf32>
    %convert_element_type3A_36 = arith.fptosi %broadcast_in_dim3A_35 : vector<256x1xf32> to vector<256x1xi32>
    %swap3A = arith.constant 0 : index
    %swap3A_37 = arith.constant 0 : index
    %swap3A_38 = vector.load %arg7[%swap3A, %swap3A_37] : memref<256x10xi32, #tpu.memory_space<vmem>>, vector<256x1xi32>
    tpu.vector_store %arg7[%swap3A, %swap3A_37], %convert_element_type3A_36 {strides = array<i32>} : memref<256x10xi32, #tpu.memory_space<vmem>>, vector<256x1xi32>,
    %eq3A = vector.broadcast %broadcast_in_dim3A_35 : vector<256x1xf32> to vector<256x8192xf32>
    %eq3A_39 = arith.cmpf oeq, %convert_element_type3A, %eq3A : vector<256x8192xf32>
    %jit3A_40 = arith.constant 3.000000e+38 : f32
    %broadcast_in_dim3A_41 = vector.broadcast %jit3A_40 : f32 to vector<256x8192xf32>
    %select_n3A_42 = arith.select %eq3A_39, %broadcast_in_dim3A_41, %add3A_26 : vector<256x8192xi1>, vector<256x8192xf32>
    %reduce_min3A_43 = arith.constant dense<0x7F800000> : vector<256xf32>
    %reduce_min3A_44 = vector.multi_reduction <minimumf>, %select_n3A_42, %reduce_min3A_43 [1] : vector<256x8192xf32> to vector<256xf32>
    %broadcast_in_dim3A_45 = vector.shape_cast %reduce_min3A_44 : vector<256xf32> to vector<256x1xf32>
    %le3A_46 = vector.broadcast %broadcast_in_dim3A_45 : vector<256x1xf32> to vector<256x8192xf32>
    %le3A_47 = arith.cmpf ole, %select_n3A_42, %le3A_46 : vector<256x8192xf32>
    %jit3A_48 = arith.constant 1.000000e+30 : f32
    %broadcast_in_dim3A_49 = vector.broadcast %jit3A_48 : f32 to vector<256x8192xf32>
    %select_n3A_50 = arith.select %le3A_47, %convert_element_type3A, %broadcast_in_dim3A_49 : vector<256x8192xi1>, vector<256x8192xf32>
    %reduce_min3A_51 = arith.constant dense<0x7F800000> : vector<256xf32>
    %reduce_min3A_52 = vector.multi_reduction <minimumf>, %select_n3A_50, %reduce_min3A_51 [1] : vector<256x8192xf32> to vector<256xf32>
    %broadcast_in_dim3A_53 = vector.shape_cast %reduce_min3A_52 : vector<256xf32> to vector<256x1xf32>
    %convert_element_type3A_54 = arith.fptosi %broadcast_in_dim3A_53 : vector<256x1xf32> to vector<256x1xi32>
    %swap3A_55 = arith.constant 0 : index
    %swap3A_56 = arith.constant 1 : index
    %swap3A_57 = vector.load %arg7[%swap3A_55, %swap3A_56] : memref<256x10xi32, #tpu.memory_space<vmem>>, vector<256x1xi32>
    tpu.vector_store %arg7[%swap3A_55, %swap3A_56], %convert_element_type3A_54 {strides = array<i32>} : memref<256x10xi32, #tpu.memory_space<vmem>>, vector<256x1xi32>,
    %eq3A_58 = vector.broadcast %broadcast_in_dim3A_53 : vector<256x1xf32> to vector<256x8192xf32>
    %eq3A_59 = arith.cmpf oeq, %convert_element_type3A, %eq3A_58 : vector<256x8192xf32>
    %jit3A_60 = arith.constant 3.000000e+38 : f32
    %broadcast_in_dim3A_61 = vector.broadcast %jit3A_60 : f32 to vector<256x8192xf32>
    %select_n3A_62 = arith.select %eq3A_59, %broadcast_in_dim3A_61, %select_n3A_42 : vector<256x8192xi1>, vector<256x8192xf32>
    %reduce_min3A_63 = arith.constant dense<0x7F800000> : vector<256xf32>
    %reduce_min3A_64 = vector.multi_reduction <minimumf>, %select_n3A_62, %reduce_min3A_63 [1] : vector<256x8192xf32> to vector<256xf32>
    %broadcast_in_dim3A_65 = vector.shape_cast %reduce_min3A_64 : vector<256xf32> to vector<256x1xf32>
    %le3A_66 = vector.broadcast %broadcast_in_dim3A_65 : vector<256x1xf32> to vector<256x8192xf32>
    %le3A_67 = arith.cmpf ole, %select_n3A_62, %le3A_66 : vector<256x8192xf32>
    %jit3A_68 = arith.constant 1.000000e+30 : f32
    %broadcast_in_dim3A_69 = vector.broadcast %jit3A_68 : f32 to vector<256x8192xf32>
    %select_n3A_70 = arith.select %le3A_67, %convert_element_type3A, %broadcast_in_dim3A_69 : vector<256x8192xi1>, vector<256x8192xf32>
    %reduce_min3A_71 = arith.constant dense<0x7F800000> : vector<256xf32>
    %reduce_min3A_72 = vector.multi_reduction <minimumf>, %select_n3A_70, %reduce_min3A_71 [1] : vector<256x8192xf32> to vector<256xf32>
    %broadcast_in_dim3A_73 = vector.shape_cast %reduce_min3A_72 : vector<256xf32> to vector<256x1xf32>
    %convert_element_type3A_74 = arith.fptosi %broadcast_in_dim3A_73 : vector<256x1xf32> to vector<256x1xi32>
    %swap3A_75 = arith.constant 0 : index
    %swap3A_76 = arith.constant 2 : index
    %swap3A_77 = vector.load %arg7[%swap3A_75, %swap3A_76] : memref<256x10xi32, #tpu.memory_space<vmem>>, vector<256x1xi32>
    tpu.vector_store %arg7[%swap3A_75, %swap3A_76], %convert_element_type3A_74 {strides = array<i32>} : memref<256x10xi32, #tpu.memory_space<vmem>>, vector<256x1xi32>,
    %eq3A_78 = vector.broadcast %broadcast_in_dim3A_73 : vector<256x1xf32> to vector<256x8192xf32>
    %eq3A_79 = arith.cmpf oeq, %convert_element_type3A, %eq3A_78 : vector<256x8192xf32>
    %jit3A_80 = arith.constant 3.000000e+38 : f32
    %broadcast_in_dim3A_81 = vector.broadcast %jit3A_80 : f32 to vector<256x8192xf32>
    %select_n3A_82 = arith.select %eq3A_79, %broadcast_in_dim3A_81, %select_n3A_62 : vector<256x8192xi1>, vector<256x8192xf32>
    %reduce_min3A_83 = arith.constant dense<0x7F800000> : vector<256xf32>
    %reduce_min3A_84 = vector.multi_reduction <minimumf>, %select_n3A_82, %reduce_min3A_83 [1] : vector<256x8192xf32> to vector<256xf32>
    %broadcast_in_dim3A_85 = vector.shape_cast %reduce_min3A_84 : vector<256xf32> to vector<256x1xf32>
    %le3A_86 = vector.broadcast %broadcast_in_dim3A_85 : vector<256x1xf32> to vector<256x8192xf32>
    %le3A_87 = arith.cmpf ole, %select_n3A_82, %le3A_86 : vector<256x8192xf32>
    %jit3A_88 = arith.constant 1.000000e+30 : f32
    %broadcast_in_dim3A_89 = vector.broadcast %jit3A_88 : f32 to vector<256x8192xf32>
    %select_n3A_90 = arith.select %le3A_87, %convert_element_type3A, %broadcast_in_dim3A_89 : vector<256x8192xi1>, vector<256x8192xf32>
    %reduce_min3A_91 = arith.constant dense<0x7F800000> : vector<256xf32>
    %reduce_min3A_92 = vector.multi_reduction <minimumf>, %select_n3A_90, %reduce_min3A_91 [1] : vector<256x8192xf32> to vector<256xf32>
    %broadcast_in_dim3A_93 = vector.shape_cast %reduce_min3A_92 : vector<256xf32> to vector<256x1xf32>
    %convert_element_type3A_94 = arith.fptosi %broadcast_in_dim3A_93 : vector<256x1xf32> to vector<256x1xi32>
    %swap3A_95 = arith.constant 0 : index
    %swap3A_96 = arith.constant 3 : index
    %swap3A_97 = vector.load %arg7[%swap3A_95, %swap3A_96] : memref<256x10xi32, #tpu.memory_space<vmem>>, vector<256x1xi32>
    tpu.vector_store %arg7[%swap3A_95, %swap3A_96], %convert_element_type3A_94 {strides = array<i32>} : memref<256x10xi32, #tpu.memory_space<vmem>>, vector<256x1xi32>,
    %eq3A_98 = vector.broadcast %broadcast_in_dim3A_93 : vector<256x1xf32> to vector<256x8192xf32>
    %eq3A_99 = arith.cmpf oeq, %convert_element_type3A, %eq3A_98 : vector<256x8192xf32>
    %jit3A_100 = arith.constant 3.000000e+38 : f32
    %broadcast_in_dim3A_101 = vector.broadcast %jit3A_100 : f32 to vector<256x8192xf32>
    %select_n3A_102 = arith.select %eq3A_99, %broadcast_in_dim3A_101, %select_n3A_82 : vector<256x8192xi1>, vector<256x8192xf32>
    %reduce_min3A_103 = arith.constant dense<0x7F800000> : vector<256xf32>
    %reduce_min3A_104 = vector.multi_reduction <minimumf>, %select_n3A_102, %reduce_min3A_103 [1] : vector<256x8192xf32> to vector<256xf32>
    %broadcast_in_dim3A_105 = vector.shape_cast %reduce_min3A_104 : vector<256xf32> to vector<256x1xf32>
    %le3A_106 = vector.broadcast %broadcast_in_dim3A_105 : vector<256x1xf32> to vector<256x8192xf32>
    %le3A_107 = arith.cmpf ole, %select_n3A_102, %le3A_106 : vector<256x8192xf32>
    %jit3A_108 = arith.constant 1.000000e+30 : f32
    %broadcast_in_dim3A_109 = vector.broadcast %jit3A_108 : f32 to vector<256x8192xf32>
    %select_n3A_110 = arith.select %le3A_107, %convert_element_type3A, %broadcast_in_dim3A_109 : vector<256x8192xi1>, vector<256x8192xf32>
    %reduce_min3A_111 = arith.constant dense<0x7F800000> : vector<256xf32>
    %reduce_min3A_112 = vector.multi_reduction <minimumf>, %select_n3A_110, %reduce_min3A_111 [1] : vector<256x8192xf32> to vector<256xf32>
    %broadcast_in_dim3A_113 = vector.shape_cast %reduce_min3A_112 : vector<256xf32> to vector<256x1xf32>
    %convert_element_type3A_114 = arith.fptosi %broadcast_in_dim3A_113 : vector<256x1xf32> to vector<256x1xi32>
    %swap3A_115 = arith.constant 0 : index
    %swap3A_116 = arith.constant 4 : index
    %swap3A_117 = vector.load %arg7[%swap3A_115, %swap3A_116] : memref<256x10xi32, #tpu.memory_space<vmem>>, vector<256x1xi32>
    tpu.vector_store %arg7[%swap3A_115, %swap3A_116], %convert_element_type3A_114 {strides = array<i32>} : memref<256x10xi32, #tpu.memory_space<vmem>>, vector<256x1xi32>,
    %eq3A_118 = vector.broadcast %broadcast_in_dim3A_113 : vector<256x1xf32> to vector<256x8192xf32>
    %eq3A_119 = arith.cmpf oeq, %convert_element_type3A, %eq3A_118 : vector<256x8192xf32>
    %jit3A_120 = arith.constant 3.000000e+38 : f32
    %broadcast_in_dim3A_121 = vector.broadcast %jit3A_120 : f32 to vector<256x8192xf32>
    %select_n3A_122 = arith.select %eq3A_119, %broadcast_in_dim3A_121, %select_n3A_102 : vector<256x8192xi1>, vector<256x8192xf32>
    %reduce_min3A_123 = arith.constant dense<0x7F800000> : vector<256xf32>
    %reduce_min3A_124 = vector.multi_reduction <minimumf>, %select_n3A_122, %reduce_min3A_123 [1] : vector<256x8192xf32> to vector<256xf32>
    %broadcast_in_dim3A_125 = vector.shape_cast %reduce_min3A_124 : vector<256xf32> to vector<256x1xf32>
    %le3A_126 = vector.broadcast %broadcast_in_dim3A_125 : vector<256x1xf32> to vector<256x8192xf32>
    %le3A_127 = arith.cmpf ole, %select_n3A_122, %le3A_126 : vector<256x8192xf32>
    %jit3A_128 = arith.constant 1.000000e+30 : f32
    %broadcast_in_dim3A_129 = vector.broadcast %jit3A_128 : f32 to vector<256x8192xf32>
    %select_n3A_130 = arith.select %le3A_127, %convert_element_type3A, %broadcast_in_dim3A_129 : vector<256x8192xi1>, vector<256x8192xf32>
    %reduce_min3A_131 = arith.constant dense<0x7F800000> : vector<256xf32>
    %reduce_min3A_132 = vector.multi_reduction <minimumf>, %select_n3A_130, %reduce_min3A_131 [1] : vector<256x8192xf32> to vector<256xf32>
    %broadcast_in_dim3A_133 = vector.shape_cast %reduce_min3A_132 : vector<256xf32> to vector<256x1xf32>
    %convert_element_type3A_134 = arith.fptosi %broadcast_in_dim3A_133 : vector<256x1xf32> to vector<256x1xi32>
    %swap3A_135 = arith.constant 0 : index
    %swap3A_136 = arith.constant 5 : index
    %swap3A_137 = vector.load %arg7[%swap3A_135, %swap3A_136] : memref<256x10xi32, #tpu.memory_space<vmem>>, vector<256x1xi32>
    tpu.vector_store %arg7[%swap3A_135, %swap3A_136], %convert_element_type3A_134 {strides = array<i32>} : memref<256x10xi32, #tpu.memory_space<vmem>>, vector<256x1xi32>,
    %eq3A_138 = vector.broadcast %broadcast_in_dim3A_133 : vector<256x1xf32> to vector<256x8192xf32>
    %eq3A_139 = arith.cmpf oeq, %convert_element_type3A, %eq3A_138 : vector<256x8192xf32>
    %jit3A_140 = arith.constant 3.000000e+38 : f32
    %broadcast_in_dim3A_141 = vector.broadcast %jit3A_140 : f32 to vector<256x8192xf32>
    %select_n3A_142 = arith.select %eq3A_139, %broadcast_in_dim3A_141, %select_n3A_122 : vector<256x8192xi1>, vector<256x8192xf32>
    %reduce_min3A_143 = arith.constant dense<0x7F800000> : vector<256xf32>
    %reduce_min3A_144 = vector.multi_reduction <minimumf>, %select_n3A_142, %reduce_min3A_143 [1] : vector<256x8192xf32> to vector<256xf32>
    %broadcast_in_dim3A_145 = vector.shape_cast %reduce_min3A_144 : vector<256xf32> to vector<256x1xf32>
    %le3A_146 = vector.broadcast %broadcast_in_dim3A_145 : vector<256x1xf32> to vector<256x8192xf32>
    %le3A_147 = arith.cmpf ole, %select_n3A_142, %le3A_146 : vector<256x8192xf32>
    %jit3A_148 = arith.constant 1.000000e+30 : f32
    %broadcast_in_dim3A_149 = vector.broadcast %jit3A_148 : f32 to vector<256x8192xf32>
    %select_n3A_150 = arith.select %le3A_147, %convert_element_type3A, %broadcast_in_dim3A_149 : vector<256x8192xi1>, vector<256x8192xf32>
    %reduce_min3A_151 = arith.constant dense<0x7F800000> : vector<256xf32>
    %reduce_min3A_152 = vector.multi_reduction <minimumf>, %select_n3A_150, %reduce_min3A_151 [1] : vector<256x8192xf32> to vector<256xf32>
    %broadcast_in_dim3A_153 = vector.shape_cast %reduce_min3A_152 : vector<256xf32> to vector<256x1xf32>
    %convert_element_type3A_154 = arith.fptosi %broadcast_in_dim3A_153 : vector<256x1xf32> to vector<256x1xi32>
    %swap3A_155 = arith.constant 0 : index
    %swap3A_156 = arith.constant 6 : index
    %swap3A_157 = vector.load %arg7[%swap3A_155, %swap3A_156] : memref<256x10xi32, #tpu.memory_space<vmem>>, vector<256x1xi32>
    tpu.vector_store %arg7[%swap3A_155, %swap3A_156], %convert_element_type3A_154 {strides = array<i32>} : memref<256x10xi32, #tpu.memory_space<vmem>>, vector<256x1xi32>,
    %eq3A_158 = vector.broadcast %broadcast_in_dim3A_153 : vector<256x1xf32> to vector<256x8192xf32>
    %eq3A_159 = arith.cmpf oeq, %convert_element_type3A, %eq3A_158 : vector<256x8192xf32>
    %jit3A_160 = arith.constant 3.000000e+38 : f32
    %broadcast_in_dim3A_161 = vector.broadcast %jit3A_160 : f32 to vector<256x8192xf32>
    %select_n3A_162 = arith.select %eq3A_159, %broadcast_in_dim3A_161, %select_n3A_142 : vector<256x8192xi1>, vector<256x8192xf32>
    %reduce_min3A_163 = arith.constant dense<0x7F800000> : vector<256xf32>
    %reduce_min3A_164 = vector.multi_reduction <minimumf>, %select_n3A_162, %reduce_min3A_163 [1] : vector<256x8192xf32> to vector<256xf32>
    %broadcast_in_dim3A_165 = vector.shape_cast %reduce_min3A_164 : vector<256xf32> to vector<256x1xf32>
    %le3A_166 = vector.broadcast %broadcast_in_dim3A_165 : vector<256x1xf32> to vector<256x8192xf32>
    %le3A_167 = arith.cmpf ole, %select_n3A_162, %le3A_166 : vector<256x8192xf32>
    %jit3A_168 = arith.constant 1.000000e+30 : f32
    %broadcast_in_dim3A_169 = vector.broadcast %jit3A_168 : f32 to vector<256x8192xf32>
    %select_n3A_170 = arith.select %le3A_167, %convert_element_type3A, %broadcast_in_dim3A_169 : vector<256x8192xi1>, vector<256x8192xf32>
    %reduce_min3A_171 = arith.constant dense<0x7F800000> : vector<256xf32>
    %reduce_min3A_172 = vector.multi_reduction <minimumf>, %select_n3A_170, %reduce_min3A_171 [1] : vector<256x8192xf32> to vector<256xf32>
    %broadcast_in_dim3A_173 = vector.shape_cast %reduce_min3A_172 : vector<256xf32> to vector<256x1xf32>
    %convert_element_type3A_174 = arith.fptosi %broadcast_in_dim3A_173 : vector<256x1xf32> to vector<256x1xi32>
    %swap3A_175 = arith.constant 0 : index
    %swap3A_176 = arith.constant 7 : index
    %swap3A_177 = vector.load %arg7[%swap3A_175, %swap3A_176] : memref<256x10xi32, #tpu.memory_space<vmem>>, vector<256x1xi32>
    tpu.vector_store %arg7[%swap3A_175, %swap3A_176], %convert_element_type3A_174 {strides = array<i32>} : memref<256x10xi32, #tpu.memory_space<vmem>>, vector<256x1xi32>,
    %eq3A_178 = vector.broadcast %broadcast_in_dim3A_173 : vector<256x1xf32> to vector<256x8192xf32>
    %eq3A_179 = arith.cmpf oeq, %convert_element_type3A, %eq3A_178 : vector<256x8192xf32>
    %jit3A_180 = arith.constant 3.000000e+38 : f32
    %broadcast_in_dim3A_181 = vector.broadcast %jit3A_180 : f32 to vector<256x8192xf32>
    %select_n3A_182 = arith.select %eq3A_179, %broadcast_in_dim3A_181, %select_n3A_162 : vector<256x8192xi1>, vector<256x8192xf32>
    %reduce_min3A_183 = arith.constant dense<0x7F800000> : vector<256xf32>
    %reduce_min3A_184 = vector.multi_reduction <minimumf>, %select_n3A_182, %reduce_min3A_183 [1] : vector<256x8192xf32> to vector<256xf32>
    %broadcast_in_dim3A_185 = vector.shape_cast %reduce_min3A_184 : vector<256xf32> to vector<256x1xf32>
    %le3A_186 = vector.broadcast %broadcast_in_dim3A_185 : vector<256x1xf32> to vector<256x8192xf32>
    %le3A_187 = arith.cmpf ole, %select_n3A_182, %le3A_186 : vector<256x8192xf32>
    %jit3A_188 = arith.constant 1.000000e+30 : f32
    %broadcast_in_dim3A_189 = vector.broadcast %jit3A_188 : f32 to vector<256x8192xf32>
    %select_n3A_190 = arith.select %le3A_187, %convert_element_type3A, %broadcast_in_dim3A_189 : vector<256x8192xi1>, vector<256x8192xf32>
    %reduce_min3A_191 = arith.constant dense<0x7F800000> : vector<256xf32>
    %reduce_min3A_192 = vector.multi_reduction <minimumf>, %select_n3A_190, %reduce_min3A_191 [1] : vector<256x8192xf32> to vector<256xf32>
    %broadcast_in_dim3A_193 = vector.shape_cast %reduce_min3A_192 : vector<256xf32> to vector<256x1xf32>
    %convert_element_type3A_194 = arith.fptosi %broadcast_in_dim3A_193 : vector<256x1xf32> to vector<256x1xi32>
    %swap3A_195 = arith.constant 0 : index
    %swap3A_196 = arith.constant 8 : index
    %swap3A_197 = vector.load %arg7[%swap3A_195, %swap3A_196] : memref<256x10xi32, #tpu.memory_space<vmem>>, vector<256x1xi32>
    tpu.vector_store %arg7[%swap3A_195, %swap3A_196], %convert_element_type3A_194 {strides = array<i32>} : memref<256x10xi32, #tpu.memory_space<vmem>>, vector<256x1xi32>,
    %eq3A_198 = vector.broadcast %broadcast_in_dim3A_193 : vector<256x1xf32> to vector<256x8192xf32>
    %eq3A_199 = arith.cmpf oeq, %convert_element_type3A, %eq3A_198 : vector<256x8192xf32>
    %jit3A_200 = arith.constant 3.000000e+38 : f32
    %broadcast_in_dim3A_201 = vector.broadcast %jit3A_200 : f32 to vector<256x8192xf32>
    %select_n3A_202 = arith.select %eq3A_199, %broadcast_in_dim3A_201, %select_n3A_182 : vector<256x8192xi1>, vector<256x8192xf32>
    %reduce_min3A_203 = arith.constant dense<0x7F800000> : vector<256xf32>
    %reduce_min3A_204 = vector.multi_reduction <minimumf>, %select_n3A_202, %reduce_min3A_203 [1] : vector<256x8192xf32> to vector<256xf32>
    %broadcast_in_dim3A_205 = vector.shape_cast %reduce_min3A_204 : vector<256xf32> to vector<256x1xf32>
    %le3A_206 = vector.broadcast %broadcast_in_dim3A_205 : vector<256x1xf32> to vector<256x8192xf32>
    %le3A_207 = arith.cmpf ole, %select_n3A_202, %le3A_206 : vector<256x8192xf32>
    %jit3A_208 = arith.constant 1.000000e+30 : f32
    %broadcast_in_dim3A_209 = vector.broadcast %jit3A_208 : f32 to vector<256x8192xf32>
    %select_n3A_210 = arith.select %le3A_207, %convert_element_type3A, %broadcast_in_dim3A_209 : vector<256x8192xi1>, vector<256x8192xf32>
    %reduce_min3A_211 = arith.constant dense<0x7F800000> : vector<256xf32>
    %reduce_min3A_212 = vector.multi_reduction <minimumf>, %select_n3A_210, %reduce_min3A_211 [1] : vector<256x8192xf32> to vector<256xf32>
    %broadcast_in_dim3A_213 = vector.shape_cast %reduce_min3A_212 : vector<256xf32> to vector<256x1xf32>
    %convert_element_type3A_214 = arith.fptosi %broadcast_in_dim3A_213 : vector<256x1xf32> to vector<256x1xi32>
    %swap3A_215 = arith.constant 0 : index
    %swap3A_216 = arith.constant 9 : index
    %swap3A_217 = vector.load %arg7[%swap3A_215, %swap3A_216] : memref<256x10xi32, #tpu.memory_space<vmem>>, vector<256x1xi32>
    tpu.vector_store %arg7[%swap3A_215, %swap3A_216], %convert_element_type3A_214 {strides = array<i32>} : memref<256x10xi32, #tpu.memory_space<vmem>>, vector<256x1xi32>,
    return
  }
  func.func @transform_0(%arg0: i32) -> (i32, i32) {
    %c0_i32 = arith.constant 0 : i32
    %c0_i32_0 = arith.constant 0 : i32
    return %arg0, %c0_i32 : i32, i32
  }
  func.func @transform_1(%arg0: i32) -> (i32, i32) {
    %c0_i32 = arith.constant 0 : i32
    %c0_i32_0 = arith.constant 0 : i32
    %c0_i32_1 = arith.constant 0 : i32
    return %c0_i32, %c0_i32_0 : i32, i32
  }
  func.func @transform_2(%arg0: i32) -> (i32, i32) {
    %c0_i32 = arith.constant 0 : i32
    %c0_i32_0 = arith.constant 0 : i32
    return %arg0, %c0_i32 : i32, i32
  }
  func.func @transform_3(%arg0: i32) -> (i32, i32) {
    %c0_i32 = arith.constant 0 : i32
    %c0_i32_0 = arith.constant 0 : i32
    %c0_i32_1 = arith.constant 0 : i32
    return %c0_i32, %c0_i32_0 : i32, i32
  }
  func.func @transform_4(%arg0: i32) -> (i32, i32) {
    %c0_i32 = arith.constant 0 : i32
    %c0_i32_0 = arith.constant 0 : i32
    return %arg0, %c0_i32 : i32, i32
  }
  func.func @transform_5(%arg0: i32) -> (i32, i32) {
    %c0_i32 = arith.constant 0 : i32
    %c0_i32_0 = arith.constant 0 : i32
    %c0_i32_1 = arith.constant 0 : i32
    return %c0_i32, %c0_i32_0 : i32, i32
  }
  func.func @transform_6(%arg0: i32) -> (i32, i32) {
    %c0_i32 = arith.constant 0 : i32
    %c0_i32_0 = arith.constant 0 : i32
    return %arg0, %c0_i32 : i32, i32
  }
}

module attributes {stable_mosaic.version = 14 : i64} {
  func.func @_edge_e_body(%arg0: i32, %arg1: memref<256x128xf32, #tpu.memory_space<vmem>>, %arg2: memref<10x256x128xf32, #tpu.memory_space<vmem>>, %arg3: memref<12x64xf32, #tpu.memory_space<vmem>>, %arg4: memref<8x64xf32, #tpu.memory_space<vmem>>, %arg5: memref<256x64xf32, #tpu.memory_space<vmem>>, %arg6: memref<8x64xf32, #tpu.memory_space<vmem>>) attributes {dimension_semantics = [#tpu.dimension_semantics<arbitrary>], iteration_bounds = array<i64: 32>, scalar_prefetch = 0 : i64, scratch_operands = 0 : i64, tpu.core_type = #tpu.core_type<tc>, window_params = [{transform_indices = @transform_0, window_bounds = array<i64: 256, 128>}, {transform_indices = @transform_1, window_bounds = array<i64: 10, 256, 128>}, {pipeline_mode = #tpu.pipeline_mode<synchronous>, transform_indices = @transform_2, window_bounds = array<i64: 12, 64>}, {pipeline_mode = #tpu.pipeline_mode<synchronous>, transform_indices = @transform_3, window_bounds = array<i64: 8, 64>}, {transform_indices = @transform_4, window_bounds = array<i64: 256, 64>}, {pipeline_mode = #tpu.pipeline_mode<synchronous>, transform_indices = @transform_5, window_bounds = array<i64: 8, 64>}]} {
    %get3A = arith.constant 0 : index
    %get3A_0 = arith.constant 0 : index
    %get3A_1 = vector.load %arg1[%get3A, %get3A_0] : memref<256x128xf32, #tpu.memory_space<vmem>>, vector<256x128xf32>
    %slice3A = vector.extract_strided_slice %get3A_1 {offsets = [0, 0], sizes = [256, 6], strides = [1, 1]} : vector<256x128xf32> to vector<256x6xf32>
    %get3A_2 = arith.constant 0 : index
    %get3A_3 = arith.constant 0 : index
    %get3A_4 = vector.load %arg3[%get3A_2, %get3A_3] : memref<12x64xf32, #tpu.memory_space<vmem>>, vector<12x64xf32>
    %get3A_5 = arith.constant 0 : index
    %get3A_6 = arith.constant 0 : index
    %get3A_7 = vector.load %arg4[%get3A_5, %get3A_6] : memref<8x64xf32, #tpu.memory_space<vmem>>, vector<1x64xf32>
    %get3A_8 = arith.constant 0 : index
    %get3A_9 = arith.constant 0 : index
    %get3A_10 = arith.constant 0 : index
    %get3A_11 = vector.load %arg2[%get3A_8, %get3A_9, %get3A_10] : memref<10x256x128xf32, #tpu.memory_space<vmem>>, vector<1x256x128xf32>
    %get3A_12 = vector.shape_cast %get3A_11 : vector<1x256x128xf32> to vector<256x128xf32>
    %slice3A_13 = vector.extract_strided_slice %get3A_12 {offsets = [0, 0], sizes = [256, 6], strides = [1, 1]} : vector<256x128xf32> to vector<256x6xf32>
    %sub3A = arith.subf %slice3A_13, %slice3A : vector<256x6xf32>
    %concatenate3A = tpu.concatenate %slice3A, %sub3A in 1 : vector<256x6xf32>, vector<256x6xf32> -> vector<256x12xf32>
    %dot_general3A = arith.constant dense<0.000000e+00> : vector<256x64xf32>
    %dot_general3A_14 = tpu.matmul %concatenate3A, %get3A_4, %dot_general3A {dimension_numbers = #tpu.dot_dimension_numbers<[1], [0], [0], [1], [0, 0, 1, 1], [], []>, transpose_lhs_hint = false} : vector<256x12xf32>, vector<12x64xf32>, vector<256x64xf32> -> vector<256x64xf32>
    %add3A = vector.broadcast %get3A_7 : vector<1x64xf32> to vector<256x64xf32>
    %add3A_15 = arith.addf %dot_general3A_14, %add3A : vector<256x64xf32>
    %max3A = arith.constant 0.000000e+00 : f32
    %max3A_16 = vector.broadcast %max3A : f32 to vector<256x64xf32>
    %max3A_17 = arith.maximumf %add3A_15, %max3A_16 : vector<256x64xf32>
    %reduce_sum3A = arith.constant dense<0.000000e+00> : vector<64xf32>
    %reduce_sum3A_18 = vector.multi_reduction <add>, %max3A_17, %reduce_sum3A [0] : vector<256x64xf32> to vector<64xf32>
    %broadcast_in_dim3A = vector.shape_cast %reduce_sum3A_18 : vector<64xf32> to vector<1x64xf32>
    %add3A_19 = arith.constant 0.000000e+00 : f32
    %add3A_20 = vector.broadcast %add3A_19 : f32 to vector<1x64xf32>
    %add3A_21 = arith.addf %add3A_20, %broadcast_in_dim3A : vector<1x64xf32>
    %mul3A = arith.mulf %max3A_17, %max3A_17 : vector<256x64xf32>
    %reduce_sum3A_22 = arith.constant dense<0.000000e+00> : vector<64xf32>
    %reduce_sum3A_23 = vector.multi_reduction <add>, %mul3A, %reduce_sum3A_22 [0] : vector<256x64xf32> to vector<64xf32>
    %broadcast_in_dim3A_24 = vector.shape_cast %reduce_sum3A_23 : vector<64xf32> to vector<1x64xf32>
    %add3A_25 = arith.constant 0.000000e+00 : f32
    %add3A_26 = vector.broadcast %add3A_25 : f32 to vector<1x64xf32>
    %add3A_27 = arith.addf %add3A_26, %broadcast_in_dim3A_24 : vector<1x64xf32>
    %get3A_28 = arith.constant 1 : index
    %get3A_29 = arith.constant 0 : index
    %get3A_30 = arith.constant 0 : index
    %get3A_31 = vector.load %arg2[%get3A_28, %get3A_29, %get3A_30] : memref<10x256x128xf32, #tpu.memory_space<vmem>>, vector<1x256x128xf32>
    %get3A_32 = vector.shape_cast %get3A_31 : vector<1x256x128xf32> to vector<256x128xf32>
    %slice3A_33 = vector.extract_strided_slice %get3A_32 {offsets = [0, 0], sizes = [256, 6], strides = [1, 1]} : vector<256x128xf32> to vector<256x6xf32>
    %sub3A_34 = arith.subf %slice3A_33, %slice3A : vector<256x6xf32>
    %concatenate3A_35 = tpu.concatenate %slice3A, %sub3A_34 in 1 : vector<256x6xf32>, vector<256x6xf32> -> vector<256x12xf32>
    %dot_general3A_36 = arith.constant dense<0.000000e+00> : vector<256x64xf32>
    %dot_general3A_37 = tpu.matmul %concatenate3A_35, %get3A_4, %dot_general3A_36 {dimension_numbers = #tpu.dot_dimension_numbers<[1], [0], [0], [1], [0, 0, 1, 1], [], []>, transpose_lhs_hint = false} : vector<256x12xf32>, vector<12x64xf32>, vector<256x64xf32> -> vector<256x64xf32>
    %add3A_38 = vector.broadcast %get3A_7 : vector<1x64xf32> to vector<256x64xf32>
    %add3A_39 = arith.addf %dot_general3A_37, %add3A_38 : vector<256x64xf32>
    %max3A_40 = arith.constant 0.000000e+00 : f32
    %max3A_41 = vector.broadcast %max3A_40 : f32 to vector<256x64xf32>
    %max3A_42 = arith.maximumf %add3A_39, %max3A_41 : vector<256x64xf32>
    %max3A_43 = arith.maximumf %max3A_17, %max3A_42 : vector<256x64xf32>
    %reduce_sum3A_44 = arith.constant dense<0.000000e+00> : vector<64xf32>
    %reduce_sum3A_45 = vector.multi_reduction <add>, %max3A_42, %reduce_sum3A_44 [0] : vector<256x64xf32> to vector<64xf32>
    %broadcast_in_dim3A_46 = vector.shape_cast %reduce_sum3A_45 : vector<64xf32> to vector<1x64xf32>
    %add3A_47 = arith.addf %add3A_21, %broadcast_in_dim3A_46 : vector<1x64xf32>
    %mul3A_48 = arith.mulf %max3A_42, %max3A_42 : vector<256x64xf32>
    %reduce_sum3A_49 = arith.constant dense<0.000000e+00> : vector<64xf32>
    %reduce_sum3A_50 = vector.multi_reduction <add>, %mul3A_48, %reduce_sum3A_49 [0] : vector<256x64xf32> to vector<64xf32>
    %broadcast_in_dim3A_51 = vector.shape_cast %reduce_sum3A_50 : vector<64xf32> to vector<1x64xf32>
    %add3A_52 = arith.addf %add3A_27, %broadcast_in_dim3A_51 : vector<1x64xf32>
    %get3A_53 = arith.constant 2 : index
    %get3A_54 = arith.constant 0 : index
    %get3A_55 = arith.constant 0 : index
    %get3A_56 = vector.load %arg2[%get3A_53, %get3A_54, %get3A_55] : memref<10x256x128xf32, #tpu.memory_space<vmem>>, vector<1x256x128xf32>
    %get3A_57 = vector.shape_cast %get3A_56 : vector<1x256x128xf32> to vector<256x128xf32>
    %slice3A_58 = vector.extract_strided_slice %get3A_57 {offsets = [0, 0], sizes = [256, 6], strides = [1, 1]} : vector<256x128xf32> to vector<256x6xf32>
    %sub3A_59 = arith.subf %slice3A_58, %slice3A : vector<256x6xf32>
    %concatenate3A_60 = tpu.concatenate %slice3A, %sub3A_59 in 1 : vector<256x6xf32>, vector<256x6xf32> -> vector<256x12xf32>
    %dot_general3A_61 = arith.constant dense<0.000000e+00> : vector<256x64xf32>
    %dot_general3A_62 = tpu.matmul %concatenate3A_60, %get3A_4, %dot_general3A_61 {dimension_numbers = #tpu.dot_dimension_numbers<[1], [0], [0], [1], [0, 0, 1, 1], [], []>, transpose_lhs_hint = false} : vector<256x12xf32>, vector<12x64xf32>, vector<256x64xf32> -> vector<256x64xf32>
    %add3A_63 = vector.broadcast %get3A_7 : vector<1x64xf32> to vector<256x64xf32>
    %add3A_64 = arith.addf %dot_general3A_62, %add3A_63 : vector<256x64xf32>
    %max3A_65 = arith.constant 0.000000e+00 : f32
    %max3A_66 = vector.broadcast %max3A_65 : f32 to vector<256x64xf32>
    %max3A_67 = arith.maximumf %add3A_64, %max3A_66 : vector<256x64xf32>
    %max3A_68 = arith.maximumf %max3A_43, %max3A_67 : vector<256x64xf32>
    %reduce_sum3A_69 = arith.constant dense<0.000000e+00> : vector<64xf32>
    %reduce_sum3A_70 = vector.multi_reduction <add>, %max3A_67, %reduce_sum3A_69 [0] : vector<256x64xf32> to vector<64xf32>
    %broadcast_in_dim3A_71 = vector.shape_cast %reduce_sum3A_70 : vector<64xf32> to vector<1x64xf32>
    %add3A_72 = arith.addf %add3A_47, %broadcast_in_dim3A_71 : vector<1x64xf32>
    %mul3A_73 = arith.mulf %max3A_67, %max3A_67 : vector<256x64xf32>
    %reduce_sum3A_74 = arith.constant dense<0.000000e+00> : vector<64xf32>
    %reduce_sum3A_75 = vector.multi_reduction <add>, %mul3A_73, %reduce_sum3A_74 [0] : vector<256x64xf32> to vector<64xf32>
    %broadcast_in_dim3A_76 = vector.shape_cast %reduce_sum3A_75 : vector<64xf32> to vector<1x64xf32>
    %add3A_77 = arith.addf %add3A_52, %broadcast_in_dim3A_76 : vector<1x64xf32>
    %get3A_78 = arith.constant 3 : index
    %get3A_79 = arith.constant 0 : index
    %get3A_80 = arith.constant 0 : index
    %get3A_81 = vector.load %arg2[%get3A_78, %get3A_79, %get3A_80] : memref<10x256x128xf32, #tpu.memory_space<vmem>>, vector<1x256x128xf32>
    %get3A_82 = vector.shape_cast %get3A_81 : vector<1x256x128xf32> to vector<256x128xf32>
    %slice3A_83 = vector.extract_strided_slice %get3A_82 {offsets = [0, 0], sizes = [256, 6], strides = [1, 1]} : vector<256x128xf32> to vector<256x6xf32>
    %sub3A_84 = arith.subf %slice3A_83, %slice3A : vector<256x6xf32>
    %concatenate3A_85 = tpu.concatenate %slice3A, %sub3A_84 in 1 : vector<256x6xf32>, vector<256x6xf32> -> vector<256x12xf32>
    %dot_general3A_86 = arith.constant dense<0.000000e+00> : vector<256x64xf32>
    %dot_general3A_87 = tpu.matmul %concatenate3A_85, %get3A_4, %dot_general3A_86 {dimension_numbers = #tpu.dot_dimension_numbers<[1], [0], [0], [1], [0, 0, 1, 1], [], []>, transpose_lhs_hint = false} : vector<256x12xf32>, vector<12x64xf32>, vector<256x64xf32> -> vector<256x64xf32>
    %add3A_88 = vector.broadcast %get3A_7 : vector<1x64xf32> to vector<256x64xf32>
    %add3A_89 = arith.addf %dot_general3A_87, %add3A_88 : vector<256x64xf32>
    %max3A_90 = arith.constant 0.000000e+00 : f32
    %max3A_91 = vector.broadcast %max3A_90 : f32 to vector<256x64xf32>
    %max3A_92 = arith.maximumf %add3A_89, %max3A_91 : vector<256x64xf32>
    %max3A_93 = arith.maximumf %max3A_68, %max3A_92 : vector<256x64xf32>
    %reduce_sum3A_94 = arith.constant dense<0.000000e+00> : vector<64xf32>
    %reduce_sum3A_95 = vector.multi_reduction <add>, %max3A_92, %reduce_sum3A_94 [0] : vector<256x64xf32> to vector<64xf32>
    %broadcast_in_dim3A_96 = vector.shape_cast %reduce_sum3A_95 : vector<64xf32> to vector<1x64xf32>
    %add3A_97 = arith.addf %add3A_72, %broadcast_in_dim3A_96 : vector<1x64xf32>
    %mul3A_98 = arith.mulf %max3A_92, %max3A_92 : vector<256x64xf32>
    %reduce_sum3A_99 = arith.constant dense<0.000000e+00> : vector<64xf32>
    %reduce_sum3A_100 = vector.multi_reduction <add>, %mul3A_98, %reduce_sum3A_99 [0] : vector<256x64xf32> to vector<64xf32>
    %broadcast_in_dim3A_101 = vector.shape_cast %reduce_sum3A_100 : vector<64xf32> to vector<1x64xf32>
    %add3A_102 = arith.addf %add3A_77, %broadcast_in_dim3A_101 : vector<1x64xf32>
    %get3A_103 = arith.constant 4 : index
    %get3A_104 = arith.constant 0 : index
    %get3A_105 = arith.constant 0 : index
    %get3A_106 = vector.load %arg2[%get3A_103, %get3A_104, %get3A_105] : memref<10x256x128xf32, #tpu.memory_space<vmem>>, vector<1x256x128xf32>
    %get3A_107 = vector.shape_cast %get3A_106 : vector<1x256x128xf32> to vector<256x128xf32>
    %slice3A_108 = vector.extract_strided_slice %get3A_107 {offsets = [0, 0], sizes = [256, 6], strides = [1, 1]} : vector<256x128xf32> to vector<256x6xf32>
    %sub3A_109 = arith.subf %slice3A_108, %slice3A : vector<256x6xf32>
    %concatenate3A_110 = tpu.concatenate %slice3A, %sub3A_109 in 1 : vector<256x6xf32>, vector<256x6xf32> -> vector<256x12xf32>
    %dot_general3A_111 = arith.constant dense<0.000000e+00> : vector<256x64xf32>
    %dot_general3A_112 = tpu.matmul %concatenate3A_110, %get3A_4, %dot_general3A_111 {dimension_numbers = #tpu.dot_dimension_numbers<[1], [0], [0], [1], [0, 0, 1, 1], [], []>, transpose_lhs_hint = false} : vector<256x12xf32>, vector<12x64xf32>, vector<256x64xf32> -> vector<256x64xf32>
    %add3A_113 = vector.broadcast %get3A_7 : vector<1x64xf32> to vector<256x64xf32>
    %add3A_114 = arith.addf %dot_general3A_112, %add3A_113 : vector<256x64xf32>
    %max3A_115 = arith.constant 0.000000e+00 : f32
    %max3A_116 = vector.broadcast %max3A_115 : f32 to vector<256x64xf32>
    %max3A_117 = arith.maximumf %add3A_114, %max3A_116 : vector<256x64xf32>
    %max3A_118 = arith.maximumf %max3A_93, %max3A_117 : vector<256x64xf32>
    %reduce_sum3A_119 = arith.constant dense<0.000000e+00> : vector<64xf32>
    %reduce_sum3A_120 = vector.multi_reduction <add>, %max3A_117, %reduce_sum3A_119 [0] : vector<256x64xf32> to vector<64xf32>
    %broadcast_in_dim3A_121 = vector.shape_cast %reduce_sum3A_120 : vector<64xf32> to vector<1x64xf32>
    %add3A_122 = arith.addf %add3A_97, %broadcast_in_dim3A_121 : vector<1x64xf32>
    %mul3A_123 = arith.mulf %max3A_117, %max3A_117 : vector<256x64xf32>
    %reduce_sum3A_124 = arith.constant dense<0.000000e+00> : vector<64xf32>
    %reduce_sum3A_125 = vector.multi_reduction <add>, %mul3A_123, %reduce_sum3A_124 [0] : vector<256x64xf32> to vector<64xf32>
    %broadcast_in_dim3A_126 = vector.shape_cast %reduce_sum3A_125 : vector<64xf32> to vector<1x64xf32>
    %add3A_127 = arith.addf %add3A_102, %broadcast_in_dim3A_126 : vector<1x64xf32>
    %get3A_128 = arith.constant 5 : index
    %get3A_129 = arith.constant 0 : index
    %get3A_130 = arith.constant 0 : index
    %get3A_131 = vector.load %arg2[%get3A_128, %get3A_129, %get3A_130] : memref<10x256x128xf32, #tpu.memory_space<vmem>>, vector<1x256x128xf32>
    %get3A_132 = vector.shape_cast %get3A_131 : vector<1x256x128xf32> to vector<256x128xf32>
    %slice3A_133 = vector.extract_strided_slice %get3A_132 {offsets = [0, 0], sizes = [256, 6], strides = [1, 1]} : vector<256x128xf32> to vector<256x6xf32>
    %sub3A_134 = arith.subf %slice3A_133, %slice3A : vector<256x6xf32>
    %concatenate3A_135 = tpu.concatenate %slice3A, %sub3A_134 in 1 : vector<256x6xf32>, vector<256x6xf32> -> vector<256x12xf32>
    %dot_general3A_136 = arith.constant dense<0.000000e+00> : vector<256x64xf32>
    %dot_general3A_137 = tpu.matmul %concatenate3A_135, %get3A_4, %dot_general3A_136 {dimension_numbers = #tpu.dot_dimension_numbers<[1], [0], [0], [1], [0, 0, 1, 1], [], []>, transpose_lhs_hint = false} : vector<256x12xf32>, vector<12x64xf32>, vector<256x64xf32> -> vector<256x64xf32>
    %add3A_138 = vector.broadcast %get3A_7 : vector<1x64xf32> to vector<256x64xf32>
    %add3A_139 = arith.addf %dot_general3A_137, %add3A_138 : vector<256x64xf32>
    %max3A_140 = arith.constant 0.000000e+00 : f32
    %max3A_141 = vector.broadcast %max3A_140 : f32 to vector<256x64xf32>
    %max3A_142 = arith.maximumf %add3A_139, %max3A_141 : vector<256x64xf32>
    %max3A_143 = arith.maximumf %max3A_118, %max3A_142 : vector<256x64xf32>
    %reduce_sum3A_144 = arith.constant dense<0.000000e+00> : vector<64xf32>
    %reduce_sum3A_145 = vector.multi_reduction <add>, %max3A_142, %reduce_sum3A_144 [0] : vector<256x64xf32> to vector<64xf32>
    %broadcast_in_dim3A_146 = vector.shape_cast %reduce_sum3A_145 : vector<64xf32> to vector<1x64xf32>
    %add3A_147 = arith.addf %add3A_122, %broadcast_in_dim3A_146 : vector<1x64xf32>
    %mul3A_148 = arith.mulf %max3A_142, %max3A_142 : vector<256x64xf32>
    %reduce_sum3A_149 = arith.constant dense<0.000000e+00> : vector<64xf32>
    %reduce_sum3A_150 = vector.multi_reduction <add>, %mul3A_148, %reduce_sum3A_149 [0] : vector<256x64xf32> to vector<64xf32>
    %broadcast_in_dim3A_151 = vector.shape_cast %reduce_sum3A_150 : vector<64xf32> to vector<1x64xf32>
    %add3A_152 = arith.addf %add3A_127, %broadcast_in_dim3A_151 : vector<1x64xf32>
    %get3A_153 = arith.constant 6 : index
    %get3A_154 = arith.constant 0 : index
    %get3A_155 = arith.constant 0 : index
    %get3A_156 = vector.load %arg2[%get3A_153, %get3A_154, %get3A_155] : memref<10x256x128xf32, #tpu.memory_space<vmem>>, vector<1x256x128xf32>
    %get3A_157 = vector.shape_cast %get3A_156 : vector<1x256x128xf32> to vector<256x128xf32>
    %slice3A_158 = vector.extract_strided_slice %get3A_157 {offsets = [0, 0], sizes = [256, 6], strides = [1, 1]} : vector<256x128xf32> to vector<256x6xf32>
    %sub3A_159 = arith.subf %slice3A_158, %slice3A : vector<256x6xf32>
    %concatenate3A_160 = tpu.concatenate %slice3A, %sub3A_159 in 1 : vector<256x6xf32>, vector<256x6xf32> -> vector<256x12xf32>
    %dot_general3A_161 = arith.constant dense<0.000000e+00> : vector<256x64xf32>
    %dot_general3A_162 = tpu.matmul %concatenate3A_160, %get3A_4, %dot_general3A_161 {dimension_numbers = #tpu.dot_dimension_numbers<[1], [0], [0], [1], [0, 0, 1, 1], [], []>, transpose_lhs_hint = false} : vector<256x12xf32>, vector<12x64xf32>, vector<256x64xf32> -> vector<256x64xf32>
    %add3A_163 = vector.broadcast %get3A_7 : vector<1x64xf32> to vector<256x64xf32>
    %add3A_164 = arith.addf %dot_general3A_162, %add3A_163 : vector<256x64xf32>
    %max3A_165 = arith.constant 0.000000e+00 : f32
    %max3A_166 = vector.broadcast %max3A_165 : f32 to vector<256x64xf32>
    %max3A_167 = arith.maximumf %add3A_164, %max3A_166 : vector<256x64xf32>
    %max3A_168 = arith.maximumf %max3A_143, %max3A_167 : vector<256x64xf32>
    %reduce_sum3A_169 = arith.constant dense<0.000000e+00> : vector<64xf32>
    %reduce_sum3A_170 = vector.multi_reduction <add>, %max3A_167, %reduce_sum3A_169 [0] : vector<256x64xf32> to vector<64xf32>
    %broadcast_in_dim3A_171 = vector.shape_cast %reduce_sum3A_170 : vector<64xf32> to vector<1x64xf32>
    %add3A_172 = arith.addf %add3A_147, %broadcast_in_dim3A_171 : vector<1x64xf32>
    %mul3A_173 = arith.mulf %max3A_167, %max3A_167 : vector<256x64xf32>
    %reduce_sum3A_174 = arith.constant dense<0.000000e+00> : vector<64xf32>
    %reduce_sum3A_175 = vector.multi_reduction <add>, %mul3A_173, %reduce_sum3A_174 [0] : vector<256x64xf32> to vector<64xf32>
    %broadcast_in_dim3A_176 = vector.shape_cast %reduce_sum3A_175 : vector<64xf32> to vector<1x64xf32>
    %add3A_177 = arith.addf %add3A_152, %broadcast_in_dim3A_176 : vector<1x64xf32>
    %get3A_178 = arith.constant 7 : index
    %get3A_179 = arith.constant 0 : index
    %get3A_180 = arith.constant 0 : index
    %get3A_181 = vector.load %arg2[%get3A_178, %get3A_179, %get3A_180] : memref<10x256x128xf32, #tpu.memory_space<vmem>>, vector<1x256x128xf32>
    %get3A_182 = vector.shape_cast %get3A_181 : vector<1x256x128xf32> to vector<256x128xf32>
    %slice3A_183 = vector.extract_strided_slice %get3A_182 {offsets = [0, 0], sizes = [256, 6], strides = [1, 1]} : vector<256x128xf32> to vector<256x6xf32>
    %sub3A_184 = arith.subf %slice3A_183, %slice3A : vector<256x6xf32>
    %concatenate3A_185 = tpu.concatenate %slice3A, %sub3A_184 in 1 : vector<256x6xf32>, vector<256x6xf32> -> vector<256x12xf32>
    %dot_general3A_186 = arith.constant dense<0.000000e+00> : vector<256x64xf32>
    %dot_general3A_187 = tpu.matmul %concatenate3A_185, %get3A_4, %dot_general3A_186 {dimension_numbers = #tpu.dot_dimension_numbers<[1], [0], [0], [1], [0, 0, 1, 1], [], []>, transpose_lhs_hint = false} : vector<256x12xf32>, vector<12x64xf32>, vector<256x64xf32> -> vector<256x64xf32>
    %add3A_188 = vector.broadcast %get3A_7 : vector<1x64xf32> to vector<256x64xf32>
    %add3A_189 = arith.addf %dot_general3A_187, %add3A_188 : vector<256x64xf32>
    %max3A_190 = arith.constant 0.000000e+00 : f32
    %max3A_191 = vector.broadcast %max3A_190 : f32 to vector<256x64xf32>
    %max3A_192 = arith.maximumf %add3A_189, %max3A_191 : vector<256x64xf32>
    %max3A_193 = arith.maximumf %max3A_168, %max3A_192 : vector<256x64xf32>
    %reduce_sum3A_194 = arith.constant dense<0.000000e+00> : vector<64xf32>
    %reduce_sum3A_195 = vector.multi_reduction <add>, %max3A_192, %reduce_sum3A_194 [0] : vector<256x64xf32> to vector<64xf32>
    %broadcast_in_dim3A_196 = vector.shape_cast %reduce_sum3A_195 : vector<64xf32> to vector<1x64xf32>
    %add3A_197 = arith.addf %add3A_172, %broadcast_in_dim3A_196 : vector<1x64xf32>
    %mul3A_198 = arith.mulf %max3A_192, %max3A_192 : vector<256x64xf32>
    %reduce_sum3A_199 = arith.constant dense<0.000000e+00> : vector<64xf32>
    %reduce_sum3A_200 = vector.multi_reduction <add>, %mul3A_198, %reduce_sum3A_199 [0] : vector<256x64xf32> to vector<64xf32>
    %broadcast_in_dim3A_201 = vector.shape_cast %reduce_sum3A_200 : vector<64xf32> to vector<1x64xf32>
    %add3A_202 = arith.addf %add3A_177, %broadcast_in_dim3A_201 : vector<1x64xf32>
    %get3A_203 = arith.constant 8 : index
    %get3A_204 = arith.constant 0 : index
    %get3A_205 = arith.constant 0 : index
    %get3A_206 = vector.load %arg2[%get3A_203, %get3A_204, %get3A_205] : memref<10x256x128xf32, #tpu.memory_space<vmem>>, vector<1x256x128xf32>
    %get3A_207 = vector.shape_cast %get3A_206 : vector<1x256x128xf32> to vector<256x128xf32>
    %slice3A_208 = vector.extract_strided_slice %get3A_207 {offsets = [0, 0], sizes = [256, 6], strides = [1, 1]} : vector<256x128xf32> to vector<256x6xf32>
    %sub3A_209 = arith.subf %slice3A_208, %slice3A : vector<256x6xf32>
    %concatenate3A_210 = tpu.concatenate %slice3A, %sub3A_209 in 1 : vector<256x6xf32>, vector<256x6xf32> -> vector<256x12xf32>
    %dot_general3A_211 = arith.constant dense<0.000000e+00> : vector<256x64xf32>
    %dot_general3A_212 = tpu.matmul %concatenate3A_210, %get3A_4, %dot_general3A_211 {dimension_numbers = #tpu.dot_dimension_numbers<[1], [0], [0], [1], [0, 0, 1, 1], [], []>, transpose_lhs_hint = false} : vector<256x12xf32>, vector<12x64xf32>, vector<256x64xf32> -> vector<256x64xf32>
    %add3A_213 = vector.broadcast %get3A_7 : vector<1x64xf32> to vector<256x64xf32>
    %add3A_214 = arith.addf %dot_general3A_212, %add3A_213 : vector<256x64xf32>
    %max3A_215 = arith.constant 0.000000e+00 : f32
    %max3A_216 = vector.broadcast %max3A_215 : f32 to vector<256x64xf32>
    %max3A_217 = arith.maximumf %add3A_214, %max3A_216 : vector<256x64xf32>
    %max3A_218 = arith.maximumf %max3A_193, %max3A_217 : vector<256x64xf32>
    %reduce_sum3A_219 = arith.constant dense<0.000000e+00> : vector<64xf32>
    %reduce_sum3A_220 = vector.multi_reduction <add>, %max3A_217, %reduce_sum3A_219 [0] : vector<256x64xf32> to vector<64xf32>
    %broadcast_in_dim3A_221 = vector.shape_cast %reduce_sum3A_220 : vector<64xf32> to vector<1x64xf32>
    %add3A_222 = arith.addf %add3A_197, %broadcast_in_dim3A_221 : vector<1x64xf32>
    %mul3A_223 = arith.mulf %max3A_217, %max3A_217 : vector<256x64xf32>
    %reduce_sum3A_224 = arith.constant dense<0.000000e+00> : vector<64xf32>
    %reduce_sum3A_225 = vector.multi_reduction <add>, %mul3A_223, %reduce_sum3A_224 [0] : vector<256x64xf32> to vector<64xf32>
    %broadcast_in_dim3A_226 = vector.shape_cast %reduce_sum3A_225 : vector<64xf32> to vector<1x64xf32>
    %add3A_227 = arith.addf %add3A_202, %broadcast_in_dim3A_226 : vector<1x64xf32>
    %get3A_228 = arith.constant 9 : index
    %get3A_229 = arith.constant 0 : index
    %get3A_230 = arith.constant 0 : index
    %get3A_231 = vector.load %arg2[%get3A_228, %get3A_229, %get3A_230] : memref<10x256x128xf32, #tpu.memory_space<vmem>>, vector<1x256x128xf32>
    %get3A_232 = vector.shape_cast %get3A_231 : vector<1x256x128xf32> to vector<256x128xf32>
    %slice3A_233 = vector.extract_strided_slice %get3A_232 {offsets = [0, 0], sizes = [256, 6], strides = [1, 1]} : vector<256x128xf32> to vector<256x6xf32>
    %sub3A_234 = arith.subf %slice3A_233, %slice3A : vector<256x6xf32>
    %concatenate3A_235 = tpu.concatenate %slice3A, %sub3A_234 in 1 : vector<256x6xf32>, vector<256x6xf32> -> vector<256x12xf32>
    %dot_general3A_236 = arith.constant dense<0.000000e+00> : vector<256x64xf32>
    %dot_general3A_237 = tpu.matmul %concatenate3A_235, %get3A_4, %dot_general3A_236 {dimension_numbers = #tpu.dot_dimension_numbers<[1], [0], [0], [1], [0, 0, 1, 1], [], []>, transpose_lhs_hint = false} : vector<256x12xf32>, vector<12x64xf32>, vector<256x64xf32> -> vector<256x64xf32>
    %add3A_238 = vector.broadcast %get3A_7 : vector<1x64xf32> to vector<256x64xf32>
    %add3A_239 = arith.addf %dot_general3A_237, %add3A_238 : vector<256x64xf32>
    %max3A_240 = arith.constant 0.000000e+00 : f32
    %max3A_241 = vector.broadcast %max3A_240 : f32 to vector<256x64xf32>
    %max3A_242 = arith.maximumf %add3A_239, %max3A_241 : vector<256x64xf32>
    %max3A_243 = arith.maximumf %max3A_218, %max3A_242 : vector<256x64xf32>
    %reduce_sum3A_244 = arith.constant dense<0.000000e+00> : vector<64xf32>
    %reduce_sum3A_245 = vector.multi_reduction <add>, %max3A_242, %reduce_sum3A_244 [0] : vector<256x64xf32> to vector<64xf32>
    %broadcast_in_dim3A_246 = vector.shape_cast %reduce_sum3A_245 : vector<64xf32> to vector<1x64xf32>
    %add3A_247 = arith.addf %add3A_222, %broadcast_in_dim3A_246 : vector<1x64xf32>
    %mul3A_248 = arith.mulf %max3A_242, %max3A_242 : vector<256x64xf32>
    %reduce_sum3A_249 = arith.constant dense<0.000000e+00> : vector<64xf32>
    %reduce_sum3A_250 = vector.multi_reduction <add>, %mul3A_248, %reduce_sum3A_249 [0] : vector<256x64xf32> to vector<64xf32>
    %broadcast_in_dim3A_251 = vector.shape_cast %reduce_sum3A_250 : vector<64xf32> to vector<1x64xf32>
    %add3A_252 = arith.addf %add3A_227, %broadcast_in_dim3A_251 : vector<1x64xf32>
    %swap3A = arith.constant 0 : index
    %swap3A_253 = arith.constant 0 : index
    %swap3A_254 = vector.load %arg5[%swap3A, %swap3A_253] : memref<256x64xf32, #tpu.memory_space<vmem>>, vector<256x64xf32>
    tpu.vector_store %arg5[%swap3A, %swap3A_253], %max3A_243 {strides = array<i32>} : memref<256x64xf32, #tpu.memory_space<vmem>>, vector<256x64xf32>,
    %eq3A = arith.constant 0 : i32
    %eq3A_255 = arith.cmpi eq, %arg0, %eq3A : i32
    %convert_element_type3A = arith.extui %eq3A_255 : i1 to i32
    %cond3A = arith.constant 0 : i32
    %cond3A_256 = arith.cmpi ne, %convert_element_type3A, %cond3A : i32
    scf.if %cond3A_256 {
      %broadcast_in_dim3A_271 = arith.constant 0.000000e+00 : f32
      %broadcast_in_dim3A_272 = vector.broadcast %broadcast_in_dim3A_271 : f32 to vector<8x64xf32>
      %swap3A_273 = arith.constant 0 : index
      %swap3A_274 = arith.constant 0 : index
      %swap3A_275 = vector.load %arg6[%swap3A_273, %swap3A_274] : memref<8x64xf32, #tpu.memory_space<vmem>>, vector<8x64xf32>
      tpu.vector_store %arg6[%swap3A_273, %swap3A_274], %broadcast_in_dim3A_272 {strides = array<i32>} : memref<8x64xf32, #tpu.memory_space<vmem>>, vector<8x64xf32>,
    } else {
    }
    %get3A_257 = arith.constant 0 : index
    %get3A_258 = arith.constant 0 : index
    %get3A_259 = vector.load %arg6[%get3A_257, %get3A_258] : memref<8x64xf32, #tpu.memory_space<vmem>>, vector<1x64xf32>
    %add3A_260 = arith.addf %get3A_259, %add3A_247 : vector<1x64xf32>
    %swap3A_261 = arith.constant 0 : index
    %swap3A_262 = arith.constant 0 : index
    %swap3A_263 = vector.load %arg6[%swap3A_261, %swap3A_262] : memref<8x64xf32, #tpu.memory_space<vmem>>, vector<1x64xf32>
    tpu.vector_store %arg6[%swap3A_261, %swap3A_262], %add3A_260 {strides = array<i32>} : memref<8x64xf32, #tpu.memory_space<vmem>>, vector<1x64xf32>,
    %get3A_264 = arith.constant 1 : index
    %get3A_265 = arith.constant 0 : index
    %get3A_266 = vector.load %arg6[%get3A_264, %get3A_265] : memref<8x64xf32, #tpu.memory_space<vmem>>, vector<1x64xf32>
    %add3A_267 = arith.addf %get3A_266, %add3A_252 : vector<1x64xf32>
    %swap3A_268 = arith.constant 1 : index
    %swap3A_269 = arith.constant 0 : index
    %swap3A_270 = vector.load %arg6[%swap3A_268, %swap3A_269] : memref<8x64xf32, #tpu.memory_space<vmem>>, vector<1x64xf32>
    tpu.vector_store %arg6[%swap3A_268, %swap3A_269], %add3A_267 {strides = array<i32>} : memref<8x64xf32, #tpu.memory_space<vmem>>, vector<1x64xf32>,
    return
  }
  func.func @transform_0(%arg0: i32) -> (i32, i32) {
    %c0_i32 = arith.constant 0 : i32
    %c0_i32_0 = arith.constant 0 : i32
    return %arg0, %c0_i32 : i32, i32
  }
  func.func @transform_1(%arg0: i32) -> (i32, i32, i32) {
    %c0_i32 = arith.constant 0 : i32
    %c0_i32_0 = arith.constant 0 : i32
    %c0_i32_1 = arith.constant 0 : i32
    return %c0_i32, %arg0, %c0_i32_0 : i32, i32, i32
  }
  func.func @transform_2(%arg0: i32) -> (i32, i32) {
    %c0_i32 = arith.constant 0 : i32
    %c0_i32_0 = arith.constant 0 : i32
    %c0_i32_1 = arith.constant 0 : i32
    return %c0_i32, %c0_i32_0 : i32, i32
  }
  func.func @transform_3(%arg0: i32) -> (i32, i32) {
    %c0_i32 = arith.constant 0 : i32
    %c0_i32_0 = arith.constant 0 : i32
    %c0_i32_1 = arith.constant 0 : i32
    return %c0_i32, %c0_i32_0 : i32, i32
  }
  func.func @transform_4(%arg0: i32) -> (i32, i32) {
    %c0_i32 = arith.constant 0 : i32
    %c0_i32_0 = arith.constant 0 : i32
    return %arg0, %c0_i32 : i32, i32
  }
  func.func @transform_5(%arg0: i32) -> (i32, i32) {
    %c0_i32 = arith.constant 0 : i32
    %c0_i32_0 = arith.constant 0 : i32
    %c0_i32_1 = arith.constant 0 : i32
    return %c0_i32, %c0_i32_0 : i32, i32
  }
}

module attributes {stable_mosaic.version = 14 : i64} {
  func.func @_edge_mm_body(%arg0: i32, %arg1: memref<10x256x64xf32, #tpu.memory_space<vmem>>, %arg2: memref<8x64xf32, #tpu.memory_space<vmem>>, %arg3: memref<8x64xf32, #tpu.memory_space<vmem>>, %arg4: memref<8x64xf32, #tpu.memory_space<vmem>>, %arg5: memref<8x64xf32, #tpu.memory_space<vmem>>, %arg6: memref<64x64xf32, #tpu.memory_space<vmem>>, %arg7: memref<8x64xf32, #tpu.memory_space<vmem>>, %arg8: memref<10x256x64xf32, #tpu.memory_space<vmem>>, %arg9: memref<8x64xf32, #tpu.memory_space<vmem>>) attributes {dimension_semantics = [#tpu.dimension_semantics<arbitrary>], iteration_bounds = array<i64: 32>, scalar_prefetch = 0 : i64, scratch_operands = 0 : i64, tpu.core_type = #tpu.core_type<tc>, window_params = [{transform_indices = @transform_0, window_bounds = array<i64: 10, 256, 64>}, {pipeline_mode = #tpu.pipeline_mode<synchronous>, transform_indices = @transform_1, window_bounds = array<i64: 8, 64>}, {pipeline_mode = #tpu.pipeline_mode<synchronous>, transform_indices = @transform_2, window_bounds = array<i64: 8, 64>}, {pipeline_mode = #tpu.pipeline_mode<synchronous>, transform_indices = @transform_3, window_bounds = array<i64: 8, 64>}, {pipeline_mode = #tpu.pipeline_mode<synchronous>, transform_indices = @transform_4, window_bounds = array<i64: 8, 64>}, {pipeline_mode = #tpu.pipeline_mode<synchronous>, transform_indices = @transform_5, window_bounds = array<i64: 64, 64>}, {pipeline_mode = #tpu.pipeline_mode<synchronous>, transform_indices = @transform_6, window_bounds = array<i64: 8, 64>}, {transform_indices = @transform_7, window_bounds = array<i64: 10, 256, 64>}, {pipeline_mode = #tpu.pipeline_mode<synchronous>, transform_indices = @transform_8, window_bounds = array<i64: 8, 64>}]} {
    %get3A = arith.constant 0 : index
    %get3A_0 = arith.constant 0 : index
    %get3A_1 = vector.load %arg6[%get3A, %get3A_0] : memref<64x64xf32, #tpu.memory_space<vmem>>, vector<64x64xf32>
    %get3A_2 = arith.constant 0 : index
    %get3A_3 = arith.constant 0 : index
    %get3A_4 = vector.load %arg7[%get3A_2, %get3A_3] : memref<8x64xf32, #tpu.memory_space<vmem>>, vector<1x64xf32>
    %get3A_5 = arith.constant 0 : index
    %get3A_6 = arith.constant 0 : index
    %get3A_7 = vector.load %arg2[%get3A_5, %get3A_6] : memref<8x64xf32, #tpu.memory_space<vmem>>, vector<1x64xf32>
    %get3A_8 = arith.constant 0 : index
    %get3A_9 = arith.constant 0 : index
    %get3A_10 = vector.load %arg3[%get3A_8, %get3A_9] : memref<8x64xf32, #tpu.memory_space<vmem>>, vector<1x64xf32>
    %get3A_11 = arith.constant 0 : index
    %get3A_12 = arith.constant 0 : index
    %get3A_13 = vector.load %arg4[%get3A_11, %get3A_12] : memref<8x64xf32, #tpu.memory_space<vmem>>, vector<1x64xf32>
    %get3A_14 = arith.constant 0 : index
    %get3A_15 = arith.constant 0 : index
    %get3A_16 = vector.load %arg5[%get3A_14, %get3A_15] : memref<8x64xf32, #tpu.memory_space<vmem>>, vector<1x64xf32>
    %get3A_17 = arith.constant 0 : index
    %get3A_18 = arith.constant 0 : index
    %get3A_19 = arith.constant 0 : index
    %get3A_20 = vector.load %arg1[%get3A_17, %get3A_18, %get3A_19] : memref<10x256x64xf32, #tpu.memory_space<vmem>>, vector<1x256x64xf32>
    %get3A_21 = vector.shape_cast %get3A_20 : vector<1x256x64xf32> to vector<256x64xf32>
    %sub3A = vector.broadcast %get3A_7 : vector<1x64xf32> to vector<256x64xf32>
    %sub3A_22 = arith.subf %get3A_21, %sub3A : vector<256x64xf32>
    %mul3A = vector.broadcast %get3A_10 : vector<1x64xf32> to vector<256x64xf32>
    %mul3A_23 = arith.mulf %mul3A, %sub3A_22 : vector<256x64xf32>
    %div3A = vector.broadcast %get3A_13 : vector<1x64xf32> to vector<256x64xf32>
    %div3A_24 = arith.divf %mul3A_23, %div3A : vector<256x64xf32>
    %add3A = vector.broadcast %get3A_16 : vector<1x64xf32> to vector<256x64xf32>
    %add3A_25 = arith.addf %div3A_24, %add3A : vector<256x64xf32>
    %dot_general3A = arith.constant dense<0.000000e+00> : vector<256x64xf32>
    %dot_general3A_26 = tpu.matmul %add3A_25, %get3A_1, %dot_general3A {dimension_numbers = #tpu.dot_dimension_numbers<[1], [0], [0], [1], [0, 0, 1, 1], [], []>, transpose_lhs_hint = false} : vector<256x64xf32>, vector<64x64xf32>, vector<256x64xf32> -> vector<256x64xf32>
    %add3A_27 = vector.broadcast %get3A_4 : vector<1x64xf32> to vector<256x64xf32>
    %add3A_28 = arith.addf %dot_general3A_26, %add3A_27 : vector<256x64xf32>
    %max3A = arith.constant 0.000000e+00 : f32
    %max3A_29 = vector.broadcast %max3A : f32 to vector<256x64xf32>
    %max3A_30 = arith.maximumf %add3A_28, %max3A_29 : vector<256x64xf32>
    %swap3A = arith.constant 0 : index
    %swap3A_31 = arith.constant 0 : index
    %swap3A_32 = arith.constant 0 : index
    %swap3A_33 = vector.load %arg8[%swap3A, %swap3A_31, %swap3A_32] : memref<10x256x64xf32, #tpu.memory_space<vmem>>, vector<1x256x64xf32>
    %swap3A_34 = vector.shape_cast %swap3A_33 : vector<1x256x64xf32> to vector<256x64xf32>
    %swap3A_35 = vector.shape_cast %max3A_30 : vector<256x64xf32> to vector<1x256x64xf32>
    tpu.vector_store %arg8[%swap3A, %swap3A_31, %swap3A_32], %swap3A_35 {strides = array<i32>} : memref<10x256x64xf32, #tpu.memory_space<vmem>>, vector<1x256x64xf32>,
    %reduce_sum3A = arith.constant dense<0.000000e+00> : vector<64xf32>
    %reduce_sum3A_36 = vector.multi_reduction <add>, %max3A_30, %reduce_sum3A [0] : vector<256x64xf32> to vector<64xf32>
    %broadcast_in_dim3A = vector.shape_cast %reduce_sum3A_36 : vector<64xf32> to vector<1x64xf32>
    %add3A_37 = arith.constant 0.000000e+00 : f32
    %add3A_38 = vector.broadcast %add3A_37 : f32 to vector<1x64xf32>
    %add3A_39 = arith.addf %add3A_38, %broadcast_in_dim3A : vector<1x64xf32>
    %mul3A_40 = arith.mulf %max3A_30, %max3A_30 : vector<256x64xf32>
    %reduce_sum3A_41 = arith.constant dense<0.000000e+00> : vector<64xf32>
    %reduce_sum3A_42 = vector.multi_reduction <add>, %mul3A_40, %reduce_sum3A_41 [0] : vector<256x64xf32> to vector<64xf32>
    %broadcast_in_dim3A_43 = vector.shape_cast %reduce_sum3A_42 : vector<64xf32> to vector<1x64xf32>
    %add3A_44 = arith.constant 0.000000e+00 : f32
    %add3A_45 = vector.broadcast %add3A_44 : f32 to vector<1x64xf32>
    %add3A_46 = arith.addf %add3A_45, %broadcast_in_dim3A_43 : vector<1x64xf32>
    %get3A_47 = arith.constant 1 : index
    %get3A_48 = arith.constant 0 : index
    %get3A_49 = arith.constant 0 : index
    %get3A_50 = vector.load %arg1[%get3A_47, %get3A_48, %get3A_49] : memref<10x256x64xf32, #tpu.memory_space<vmem>>, vector<1x256x64xf32>
    %get3A_51 = vector.shape_cast %get3A_50 : vector<1x256x64xf32> to vector<256x64xf32>
    %sub3A_52 = vector.broadcast %get3A_7 : vector<1x64xf32> to vector<256x64xf32>
    %sub3A_53 = arith.subf %get3A_51, %sub3A_52 : vector<256x64xf32>
    %mul3A_54 = vector.broadcast %get3A_10 : vector<1x64xf32> to vector<256x64xf32>
    %mul3A_55 = arith.mulf %mul3A_54, %sub3A_53 : vector<256x64xf32>
    %div3A_56 = vector.broadcast %get3A_13 : vector<1x64xf32> to vector<256x64xf32>
    %div3A_57 = arith.divf %mul3A_55, %div3A_56 : vector<256x64xf32>
    %add3A_58 = vector.broadcast %get3A_16 : vector<1x64xf32> to vector<256x64xf32>
    %add3A_59 = arith.addf %div3A_57, %add3A_58 : vector<256x64xf32>
    %dot_general3A_60 = arith.constant dense<0.000000e+00> : vector<256x64xf32>
    %dot_general3A_61 = tpu.matmul %add3A_59, %get3A_1, %dot_general3A_60 {dimension_numbers = #tpu.dot_dimension_numbers<[1], [0], [0], [1], [0, 0, 1, 1], [], []>, transpose_lhs_hint = false} : vector<256x64xf32>, vector<64x64xf32>, vector<256x64xf32> -> vector<256x64xf32>
    %add3A_62 = vector.broadcast %get3A_4 : vector<1x64xf32> to vector<256x64xf32>
    %add3A_63 = arith.addf %dot_general3A_61, %add3A_62 : vector<256x64xf32>
    %max3A_64 = arith.constant 0.000000e+00 : f32
    %max3A_65 = vector.broadcast %max3A_64 : f32 to vector<256x64xf32>
    %max3A_66 = arith.maximumf %add3A_63, %max3A_65 : vector<256x64xf32>
    %swap3A_67 = arith.constant 1 : index
    %swap3A_68 = arith.constant 0 : index
    %swap3A_69 = arith.constant 0 : index
    %swap3A_70 = vector.load %arg8[%swap3A_67, %swap3A_68, %swap3A_69] : memref<10x256x64xf32, #tpu.memory_space<vmem>>, vector<1x256x64xf32>
    %swap3A_71 = vector.shape_cast %swap3A_70 : vector<1x256x64xf32> to vector<256x64xf32>
    %swap3A_72 = vector.shape_cast %max3A_66 : vector<256x64xf32> to vector<1x256x64xf32>
    tpu.vector_store %arg8[%swap3A_67, %swap3A_68, %swap3A_69], %swap3A_72 {strides = array<i32>} : memref<10x256x64xf32, #tpu.memory_space<vmem>>, vector<1x256x64xf32>,
    %reduce_sum3A_73 = arith.constant dense<0.000000e+00> : vector<64xf32>
    %reduce_sum3A_74 = vector.multi_reduction <add>, %max3A_66, %reduce_sum3A_73 [0] : vector<256x64xf32> to vector<64xf32>
    %broadcast_in_dim3A_75 = vector.shape_cast %reduce_sum3A_74 : vector<64xf32> to vector<1x64xf32>
    %add3A_76 = arith.addf %add3A_39, %broadcast_in_dim3A_75 : vector<1x64xf32>
    %mul3A_77 = arith.mulf %max3A_66, %max3A_66 : vector<256x64xf32>
    %reduce_sum3A_78 = arith.constant dense<0.000000e+00> : vector<64xf32>
    %reduce_sum3A_79 = vector.multi_reduction <add>, %mul3A_77, %reduce_sum3A_78 [0] : vector<256x64xf32> to vector<64xf32>
    %broadcast_in_dim3A_80 = vector.shape_cast %reduce_sum3A_79 : vector<64xf32> to vector<1x64xf32>
    %add3A_81 = arith.addf %add3A_46, %broadcast_in_dim3A_80 : vector<1x64xf32>
    %get3A_82 = arith.constant 2 : index
    %get3A_83 = arith.constant 0 : index
    %get3A_84 = arith.constant 0 : index
    %get3A_85 = vector.load %arg1[%get3A_82, %get3A_83, %get3A_84] : memref<10x256x64xf32, #tpu.memory_space<vmem>>, vector<1x256x64xf32>
    %get3A_86 = vector.shape_cast %get3A_85 : vector<1x256x64xf32> to vector<256x64xf32>
    %sub3A_87 = vector.broadcast %get3A_7 : vector<1x64xf32> to vector<256x64xf32>
    %sub3A_88 = arith.subf %get3A_86, %sub3A_87 : vector<256x64xf32>
    %mul3A_89 = vector.broadcast %get3A_10 : vector<1x64xf32> to vector<256x64xf32>
    %mul3A_90 = arith.mulf %mul3A_89, %sub3A_88 : vector<256x64xf32>
    %div3A_91 = vector.broadcast %get3A_13 : vector<1x64xf32> to vector<256x64xf32>
    %div3A_92 = arith.divf %mul3A_90, %div3A_91 : vector<256x64xf32>
    %add3A_93 = vector.broadcast %get3A_16 : vector<1x64xf32> to vector<256x64xf32>
    %add3A_94 = arith.addf %div3A_92, %add3A_93 : vector<256x64xf32>
    %dot_general3A_95 = arith.constant dense<0.000000e+00> : vector<256x64xf32>
    %dot_general3A_96 = tpu.matmul %add3A_94, %get3A_1, %dot_general3A_95 {dimension_numbers = #tpu.dot_dimension_numbers<[1], [0], [0], [1], [0, 0, 1, 1], [], []>, transpose_lhs_hint = false} : vector<256x64xf32>, vector<64x64xf32>, vector<256x64xf32> -> vector<256x64xf32>
    %add3A_97 = vector.broadcast %get3A_4 : vector<1x64xf32> to vector<256x64xf32>
    %add3A_98 = arith.addf %dot_general3A_96, %add3A_97 : vector<256x64xf32>
    %max3A_99 = arith.constant 0.000000e+00 : f32
    %max3A_100 = vector.broadcast %max3A_99 : f32 to vector<256x64xf32>
    %max3A_101 = arith.maximumf %add3A_98, %max3A_100 : vector<256x64xf32>
    %swap3A_102 = arith.constant 2 : index
    %swap3A_103 = arith.constant 0 : index
    %swap3A_104 = arith.constant 0 : index
    %swap3A_105 = vector.load %arg8[%swap3A_102, %swap3A_103, %swap3A_104] : memref<10x256x64xf32, #tpu.memory_space<vmem>>, vector<1x256x64xf32>
    %swap3A_106 = vector.shape_cast %swap3A_105 : vector<1x256x64xf32> to vector<256x64xf32>
    %swap3A_107 = vector.shape_cast %max3A_101 : vector<256x64xf32> to vector<1x256x64xf32>
    tpu.vector_store %arg8[%swap3A_102, %swap3A_103, %swap3A_104], %swap3A_107 {strides = array<i32>} : memref<10x256x64xf32, #tpu.memory_space<vmem>>, vector<1x256x64xf32>,
    %reduce_sum3A_108 = arith.constant dense<0.000000e+00> : vector<64xf32>
    %reduce_sum3A_109 = vector.multi_reduction <add>, %max3A_101, %reduce_sum3A_108 [0] : vector<256x64xf32> to vector<64xf32>
    %broadcast_in_dim3A_110 = vector.shape_cast %reduce_sum3A_109 : vector<64xf32> to vector<1x64xf32>
    %add3A_111 = arith.addf %add3A_76, %broadcast_in_dim3A_110 : vector<1x64xf32>
    %mul3A_112 = arith.mulf %max3A_101, %max3A_101 : vector<256x64xf32>
    %reduce_sum3A_113 = arith.constant dense<0.000000e+00> : vector<64xf32>
    %reduce_sum3A_114 = vector.multi_reduction <add>, %mul3A_112, %reduce_sum3A_113 [0] : vector<256x64xf32> to vector<64xf32>
    %broadcast_in_dim3A_115 = vector.shape_cast %reduce_sum3A_114 : vector<64xf32> to vector<1x64xf32>
    %add3A_116 = arith.addf %add3A_81, %broadcast_in_dim3A_115 : vector<1x64xf32>
    %get3A_117 = arith.constant 3 : index
    %get3A_118 = arith.constant 0 : index
    %get3A_119 = arith.constant 0 : index
    %get3A_120 = vector.load %arg1[%get3A_117, %get3A_118, %get3A_119] : memref<10x256x64xf32, #tpu.memory_space<vmem>>, vector<1x256x64xf32>
    %get3A_121 = vector.shape_cast %get3A_120 : vector<1x256x64xf32> to vector<256x64xf32>
    %sub3A_122 = vector.broadcast %get3A_7 : vector<1x64xf32> to vector<256x64xf32>
    %sub3A_123 = arith.subf %get3A_121, %sub3A_122 : vector<256x64xf32>
    %mul3A_124 = vector.broadcast %get3A_10 : vector<1x64xf32> to vector<256x64xf32>
    %mul3A_125 = arith.mulf %mul3A_124, %sub3A_123 : vector<256x64xf32>
    %div3A_126 = vector.broadcast %get3A_13 : vector<1x64xf32> to vector<256x64xf32>
    %div3A_127 = arith.divf %mul3A_125, %div3A_126 : vector<256x64xf32>
    %add3A_128 = vector.broadcast %get3A_16 : vector<1x64xf32> to vector<256x64xf32>
    %add3A_129 = arith.addf %div3A_127, %add3A_128 : vector<256x64xf32>
    %dot_general3A_130 = arith.constant dense<0.000000e+00> : vector<256x64xf32>
    %dot_general3A_131 = tpu.matmul %add3A_129, %get3A_1, %dot_general3A_130 {dimension_numbers = #tpu.dot_dimension_numbers<[1], [0], [0], [1], [0, 0, 1, 1], [], []>, transpose_lhs_hint = false} : vector<256x64xf32>, vector<64x64xf32>, vector<256x64xf32> -> vector<256x64xf32>
    %add3A_132 = vector.broadcast %get3A_4 : vector<1x64xf32> to vector<256x64xf32>
    %add3A_133 = arith.addf %dot_general3A_131, %add3A_132 : vector<256x64xf32>
    %max3A_134 = arith.constant 0.000000e+00 : f32
    %max3A_135 = vector.broadcast %max3A_134 : f32 to vector<256x64xf32>
    %max3A_136 = arith.maximumf %add3A_133, %max3A_135 : vector<256x64xf32>
    %swap3A_137 = arith.constant 3 : index
    %swap3A_138 = arith.constant 0 : index
    %swap3A_139 = arith.constant 0 : index
    %swap3A_140 = vector.load %arg8[%swap3A_137, %swap3A_138, %swap3A_139] : memref<10x256x64xf32, #tpu.memory_space<vmem>>, vector<1x256x64xf32>
    %swap3A_141 = vector.shape_cast %swap3A_140 : vector<1x256x64xf32> to vector<256x64xf32>
    %swap3A_142 = vector.shape_cast %max3A_136 : vector<256x64xf32> to vector<1x256x64xf32>
    tpu.vector_store %arg8[%swap3A_137, %swap3A_138, %swap3A_139], %swap3A_142 {strides = array<i32>} : memref<10x256x64xf32, #tpu.memory_space<vmem>>, vector<1x256x64xf32>,
    %reduce_sum3A_143 = arith.constant dense<0.000000e+00> : vector<64xf32>
    %reduce_sum3A_144 = vector.multi_reduction <add>, %max3A_136, %reduce_sum3A_143 [0] : vector<256x64xf32> to vector<64xf32>
    %broadcast_in_dim3A_145 = vector.shape_cast %reduce_sum3A_144 : vector<64xf32> to vector<1x64xf32>
    %add3A_146 = arith.addf %add3A_111, %broadcast_in_dim3A_145 : vector<1x64xf32>
    %mul3A_147 = arith.mulf %max3A_136, %max3A_136 : vector<256x64xf32>
    %reduce_sum3A_148 = arith.constant dense<0.000000e+00> : vector<64xf32>
    %reduce_sum3A_149 = vector.multi_reduction <add>, %mul3A_147, %reduce_sum3A_148 [0] : vector<256x64xf32> to vector<64xf32>
    %broadcast_in_dim3A_150 = vector.shape_cast %reduce_sum3A_149 : vector<64xf32> to vector<1x64xf32>
    %add3A_151 = arith.addf %add3A_116, %broadcast_in_dim3A_150 : vector<1x64xf32>
    %get3A_152 = arith.constant 4 : index
    %get3A_153 = arith.constant 0 : index
    %get3A_154 = arith.constant 0 : index
    %get3A_155 = vector.load %arg1[%get3A_152, %get3A_153, %get3A_154] : memref<10x256x64xf32, #tpu.memory_space<vmem>>, vector<1x256x64xf32>
    %get3A_156 = vector.shape_cast %get3A_155 : vector<1x256x64xf32> to vector<256x64xf32>
    %sub3A_157 = vector.broadcast %get3A_7 : vector<1x64xf32> to vector<256x64xf32>
    %sub3A_158 = arith.subf %get3A_156, %sub3A_157 : vector<256x64xf32>
    %mul3A_159 = vector.broadcast %get3A_10 : vector<1x64xf32> to vector<256x64xf32>
    %mul3A_160 = arith.mulf %mul3A_159, %sub3A_158 : vector<256x64xf32>
    %div3A_161 = vector.broadcast %get3A_13 : vector<1x64xf32> to vector<256x64xf32>
    %div3A_162 = arith.divf %mul3A_160, %div3A_161 : vector<256x64xf32>
    %add3A_163 = vector.broadcast %get3A_16 : vector<1x64xf32> to vector<256x64xf32>
    %add3A_164 = arith.addf %div3A_162, %add3A_163 : vector<256x64xf32>
    %dot_general3A_165 = arith.constant dense<0.000000e+00> : vector<256x64xf32>
    %dot_general3A_166 = tpu.matmul %add3A_164, %get3A_1, %dot_general3A_165 {dimension_numbers = #tpu.dot_dimension_numbers<[1], [0], [0], [1], [0, 0, 1, 1], [], []>, transpose_lhs_hint = false} : vector<256x64xf32>, vector<64x64xf32>, vector<256x64xf32> -> vector<256x64xf32>
    %add3A_167 = vector.broadcast %get3A_4 : vector<1x64xf32> to vector<256x64xf32>
    %add3A_168 = arith.addf %dot_general3A_166, %add3A_167 : vector<256x64xf32>
    %max3A_169 = arith.constant 0.000000e+00 : f32
    %max3A_170 = vector.broadcast %max3A_169 : f32 to vector<256x64xf32>
    %max3A_171 = arith.maximumf %add3A_168, %max3A_170 : vector<256x64xf32>
    %swap3A_172 = arith.constant 4 : index
    %swap3A_173 = arith.constant 0 : index
    %swap3A_174 = arith.constant 0 : index
    %swap3A_175 = vector.load %arg8[%swap3A_172, %swap3A_173, %swap3A_174] : memref<10x256x64xf32, #tpu.memory_space<vmem>>, vector<1x256x64xf32>
    %swap3A_176 = vector.shape_cast %swap3A_175 : vector<1x256x64xf32> to vector<256x64xf32>
    %swap3A_177 = vector.shape_cast %max3A_171 : vector<256x64xf32> to vector<1x256x64xf32>
    tpu.vector_store %arg8[%swap3A_172, %swap3A_173, %swap3A_174], %swap3A_177 {strides = array<i32>} : memref<10x256x64xf32, #tpu.memory_space<vmem>>, vector<1x256x64xf32>,
    %reduce_sum3A_178 = arith.constant dense<0.000000e+00> : vector<64xf32>
    %reduce_sum3A_179 = vector.multi_reduction <add>, %max3A_171, %reduce_sum3A_178 [0] : vector<256x64xf32> to vector<64xf32>
    %broadcast_in_dim3A_180 = vector.shape_cast %reduce_sum3A_179 : vector<64xf32> to vector<1x64xf32>
    %add3A_181 = arith.addf %add3A_146, %broadcast_in_dim3A_180 : vector<1x64xf32>
    %mul3A_182 = arith.mulf %max3A_171, %max3A_171 : vector<256x64xf32>
    %reduce_sum3A_183 = arith.constant dense<0.000000e+00> : vector<64xf32>
    %reduce_sum3A_184 = vector.multi_reduction <add>, %mul3A_182, %reduce_sum3A_183 [0] : vector<256x64xf32> to vector<64xf32>
    %broadcast_in_dim3A_185 = vector.shape_cast %reduce_sum3A_184 : vector<64xf32> to vector<1x64xf32>
    %add3A_186 = arith.addf %add3A_151, %broadcast_in_dim3A_185 : vector<1x64xf32>
    %get3A_187 = arith.constant 5 : index
    %get3A_188 = arith.constant 0 : index
    %get3A_189 = arith.constant 0 : index
    %get3A_190 = vector.load %arg1[%get3A_187, %get3A_188, %get3A_189] : memref<10x256x64xf32, #tpu.memory_space<vmem>>, vector<1x256x64xf32>
    %get3A_191 = vector.shape_cast %get3A_190 : vector<1x256x64xf32> to vector<256x64xf32>
    %sub3A_192 = vector.broadcast %get3A_7 : vector<1x64xf32> to vector<256x64xf32>
    %sub3A_193 = arith.subf %get3A_191, %sub3A_192 : vector<256x64xf32>
    %mul3A_194 = vector.broadcast %get3A_10 : vector<1x64xf32> to vector<256x64xf32>
    %mul3A_195 = arith.mulf %mul3A_194, %sub3A_193 : vector<256x64xf32>
    %div3A_196 = vector.broadcast %get3A_13 : vector<1x64xf32> to vector<256x64xf32>
    %div3A_197 = arith.divf %mul3A_195, %div3A_196 : vector<256x64xf32>
    %add3A_198 = vector.broadcast %get3A_16 : vector<1x64xf32> to vector<256x64xf32>
    %add3A_199 = arith.addf %div3A_197, %add3A_198 : vector<256x64xf32>
    %dot_general3A_200 = arith.constant dense<0.000000e+00> : vector<256x64xf32>
    %dot_general3A_201 = tpu.matmul %add3A_199, %get3A_1, %dot_general3A_200 {dimension_numbers = #tpu.dot_dimension_numbers<[1], [0], [0], [1], [0, 0, 1, 1], [], []>, transpose_lhs_hint = false} : vector<256x64xf32>, vector<64x64xf32>, vector<256x64xf32> -> vector<256x64xf32>
    %add3A_202 = vector.broadcast %get3A_4 : vector<1x64xf32> to vector<256x64xf32>
    %add3A_203 = arith.addf %dot_general3A_201, %add3A_202 : vector<256x64xf32>
    %max3A_204 = arith.constant 0.000000e+00 : f32
    %max3A_205 = vector.broadcast %max3A_204 : f32 to vector<256x64xf32>
    %max3A_206 = arith.maximumf %add3A_203, %max3A_205 : vector<256x64xf32>
    %swap3A_207 = arith.constant 5 : index
    %swap3A_208 = arith.constant 0 : index
    %swap3A_209 = arith.constant 0 : index
    %swap3A_210 = vector.load %arg8[%swap3A_207, %swap3A_208, %swap3A_209] : memref<10x256x64xf32, #tpu.memory_space<vmem>>, vector<1x256x64xf32>
    %swap3A_211 = vector.shape_cast %swap3A_210 : vector<1x256x64xf32> to vector<256x64xf32>
    %swap3A_212 = vector.shape_cast %max3A_206 : vector<256x64xf32> to vector<1x256x64xf32>
    tpu.vector_store %arg8[%swap3A_207, %swap3A_208, %swap3A_209], %swap3A_212 {strides = array<i32>} : memref<10x256x64xf32, #tpu.memory_space<vmem>>, vector<1x256x64xf32>,
    %reduce_sum3A_213 = arith.constant dense<0.000000e+00> : vector<64xf32>
    %reduce_sum3A_214 = vector.multi_reduction <add>, %max3A_206, %reduce_sum3A_213 [0] : vector<256x64xf32> to vector<64xf32>
    %broadcast_in_dim3A_215 = vector.shape_cast %reduce_sum3A_214 : vector<64xf32> to vector<1x64xf32>
    %add3A_216 = arith.addf %add3A_181, %broadcast_in_dim3A_215 : vector<1x64xf32>
    %mul3A_217 = arith.mulf %max3A_206, %max3A_206 : vector<256x64xf32>
    %reduce_sum3A_218 = arith.constant dense<0.000000e+00> : vector<64xf32>
    %reduce_sum3A_219 = vector.multi_reduction <add>, %mul3A_217, %reduce_sum3A_218 [0] : vector<256x64xf32> to vector<64xf32>
    %broadcast_in_dim3A_220 = vector.shape_cast %reduce_sum3A_219 : vector<64xf32> to vector<1x64xf32>
    %add3A_221 = arith.addf %add3A_186, %broadcast_in_dim3A_220 : vector<1x64xf32>
    %get3A_222 = arith.constant 6 : index
    %get3A_223 = arith.constant 0 : index
    %get3A_224 = arith.constant 0 : index
    %get3A_225 = vector.load %arg1[%get3A_222, %get3A_223, %get3A_224] : memref<10x256x64xf32, #tpu.memory_space<vmem>>, vector<1x256x64xf32>
    %get3A_226 = vector.shape_cast %get3A_225 : vector<1x256x64xf32> to vector<256x64xf32>
    %sub3A_227 = vector.broadcast %get3A_7 : vector<1x64xf32> to vector<256x64xf32>
    %sub3A_228 = arith.subf %get3A_226, %sub3A_227 : vector<256x64xf32>
    %mul3A_229 = vector.broadcast %get3A_10 : vector<1x64xf32> to vector<256x64xf32>
    %mul3A_230 = arith.mulf %mul3A_229, %sub3A_228 : vector<256x64xf32>
    %div3A_231 = vector.broadcast %get3A_13 : vector<1x64xf32> to vector<256x64xf32>
    %div3A_232 = arith.divf %mul3A_230, %div3A_231 : vector<256x64xf32>
    %add3A_233 = vector.broadcast %get3A_16 : vector<1x64xf32> to vector<256x64xf32>
    %add3A_234 = arith.addf %div3A_232, %add3A_233 : vector<256x64xf32>
    %dot_general3A_235 = arith.constant dense<0.000000e+00> : vector<256x64xf32>
    %dot_general3A_236 = tpu.matmul %add3A_234, %get3A_1, %dot_general3A_235 {dimension_numbers = #tpu.dot_dimension_numbers<[1], [0], [0], [1], [0, 0, 1, 1], [], []>, transpose_lhs_hint = false} : vector<256x64xf32>, vector<64x64xf32>, vector<256x64xf32> -> vector<256x64xf32>
    %add3A_237 = vector.broadcast %get3A_4 : vector<1x64xf32> to vector<256x64xf32>
    %add3A_238 = arith.addf %dot_general3A_236, %add3A_237 : vector<256x64xf32>
    %max3A_239 = arith.constant 0.000000e+00 : f32
    %max3A_240 = vector.broadcast %max3A_239 : f32 to vector<256x64xf32>
    %max3A_241 = arith.maximumf %add3A_238, %max3A_240 : vector<256x64xf32>
    %swap3A_242 = arith.constant 6 : index
    %swap3A_243 = arith.constant 0 : index
    %swap3A_244 = arith.constant 0 : index
    %swap3A_245 = vector.load %arg8[%swap3A_242, %swap3A_243, %swap3A_244] : memref<10x256x64xf32, #tpu.memory_space<vmem>>, vector<1x256x64xf32>
    %swap3A_246 = vector.shape_cast %swap3A_245 : vector<1x256x64xf32> to vector<256x64xf32>
    %swap3A_247 = vector.shape_cast %max3A_241 : vector<256x64xf32> to vector<1x256x64xf32>
    tpu.vector_store %arg8[%swap3A_242, %swap3A_243, %swap3A_244], %swap3A_247 {strides = array<i32>} : memref<10x256x64xf32, #tpu.memory_space<vmem>>, vector<1x256x64xf32>,
    %reduce_sum3A_248 = arith.constant dense<0.000000e+00> : vector<64xf32>
    %reduce_sum3A_249 = vector.multi_reduction <add>, %max3A_241, %reduce_sum3A_248 [0] : vector<256x64xf32> to vector<64xf32>
    %broadcast_in_dim3A_250 = vector.shape_cast %reduce_sum3A_249 : vector<64xf32> to vector<1x64xf32>
    %add3A_251 = arith.addf %add3A_216, %broadcast_in_dim3A_250 : vector<1x64xf32>
    %mul3A_252 = arith.mulf %max3A_241, %max3A_241 : vector<256x64xf32>
    %reduce_sum3A_253 = arith.constant dense<0.000000e+00> : vector<64xf32>
    %reduce_sum3A_254 = vector.multi_reduction <add>, %mul3A_252, %reduce_sum3A_253 [0] : vector<256x64xf32> to vector<64xf32>
    %broadcast_in_dim3A_255 = vector.shape_cast %reduce_sum3A_254 : vector<64xf32> to vector<1x64xf32>
    %add3A_256 = arith.addf %add3A_221, %broadcast_in_dim3A_255 : vector<1x64xf32>
    %get3A_257 = arith.constant 7 : index
    %get3A_258 = arith.constant 0 : index
    %get3A_259 = arith.constant 0 : index
    %get3A_260 = vector.load %arg1[%get3A_257, %get3A_258, %get3A_259] : memref<10x256x64xf32, #tpu.memory_space<vmem>>, vector<1x256x64xf32>
    %get3A_261 = vector.shape_cast %get3A_260 : vector<1x256x64xf32> to vector<256x64xf32>
    %sub3A_262 = vector.broadcast %get3A_7 : vector<1x64xf32> to vector<256x64xf32>
    %sub3A_263 = arith.subf %get3A_261, %sub3A_262 : vector<256x64xf32>
    %mul3A_264 = vector.broadcast %get3A_10 : vector<1x64xf32> to vector<256x64xf32>
    %mul3A_265 = arith.mulf %mul3A_264, %sub3A_263 : vector<256x64xf32>
    %div3A_266 = vector.broadcast %get3A_13 : vector<1x64xf32> to vector<256x64xf32>
    %div3A_267 = arith.divf %mul3A_265, %div3A_266 : vector<256x64xf32>
    %add3A_268 = vector.broadcast %get3A_16 : vector<1x64xf32> to vector<256x64xf32>
    %add3A_269 = arith.addf %div3A_267, %add3A_268 : vector<256x64xf32>
    %dot_general3A_270 = arith.constant dense<0.000000e+00> : vector<256x64xf32>
    %dot_general3A_271 = tpu.matmul %add3A_269, %get3A_1, %dot_general3A_270 {dimension_numbers = #tpu.dot_dimension_numbers<[1], [0], [0], [1], [0, 0, 1, 1], [], []>, transpose_lhs_hint = false} : vector<256x64xf32>, vector<64x64xf32>, vector<256x64xf32> -> vector<256x64xf32>
    %add3A_272 = vector.broadcast %get3A_4 : vector<1x64xf32> to vector<256x64xf32>
    %add3A_273 = arith.addf %dot_general3A_271, %add3A_272 : vector<256x64xf32>
    %max3A_274 = arith.constant 0.000000e+00 : f32
    %max3A_275 = vector.broadcast %max3A_274 : f32 to vector<256x64xf32>
    %max3A_276 = arith.maximumf %add3A_273, %max3A_275 : vector<256x64xf32>
    %swap3A_277 = arith.constant 7 : index
    %swap3A_278 = arith.constant 0 : index
    %swap3A_279 = arith.constant 0 : index
    %swap3A_280 = vector.load %arg8[%swap3A_277, %swap3A_278, %swap3A_279] : memref<10x256x64xf32, #tpu.memory_space<vmem>>, vector<1x256x64xf32>
    %swap3A_281 = vector.shape_cast %swap3A_280 : vector<1x256x64xf32> to vector<256x64xf32>
    %swap3A_282 = vector.shape_cast %max3A_276 : vector<256x64xf32> to vector<1x256x64xf32>
    tpu.vector_store %arg8[%swap3A_277, %swap3A_278, %swap3A_279], %swap3A_282 {strides = array<i32>} : memref<10x256x64xf32, #tpu.memory_space<vmem>>, vector<1x256x64xf32>,
    %reduce_sum3A_283 = arith.constant dense<0.000000e+00> : vector<64xf32>
    %reduce_sum3A_284 = vector.multi_reduction <add>, %max3A_276, %reduce_sum3A_283 [0] : vector<256x64xf32> to vector<64xf32>
    %broadcast_in_dim3A_285 = vector.shape_cast %reduce_sum3A_284 : vector<64xf32> to vector<1x64xf32>
    %add3A_286 = arith.addf %add3A_251, %broadcast_in_dim3A_285 : vector<1x64xf32>
    %mul3A_287 = arith.mulf %max3A_276, %max3A_276 : vector<256x64xf32>
    %reduce_sum3A_288 = arith.constant dense<0.000000e+00> : vector<64xf32>
    %reduce_sum3A_289 = vector.multi_reduction <add>, %mul3A_287, %reduce_sum3A_288 [0] : vector<256x64xf32> to vector<64xf32>
    %broadcast_in_dim3A_290 = vector.shape_cast %reduce_sum3A_289 : vector<64xf32> to vector<1x64xf32>
    %add3A_291 = arith.addf %add3A_256, %broadcast_in_dim3A_290 : vector<1x64xf32>
    %get3A_292 = arith.constant 8 : index
    %get3A_293 = arith.constant 0 : index
    %get3A_294 = arith.constant 0 : index
    %get3A_295 = vector.load %arg1[%get3A_292, %get3A_293, %get3A_294] : memref<10x256x64xf32, #tpu.memory_space<vmem>>, vector<1x256x64xf32>
    %get3A_296 = vector.shape_cast %get3A_295 : vector<1x256x64xf32> to vector<256x64xf32>
    %sub3A_297 = vector.broadcast %get3A_7 : vector<1x64xf32> to vector<256x64xf32>
    %sub3A_298 = arith.subf %get3A_296, %sub3A_297 : vector<256x64xf32>
    %mul3A_299 = vector.broadcast %get3A_10 : vector<1x64xf32> to vector<256x64xf32>
    %mul3A_300 = arith.mulf %mul3A_299, %sub3A_298 : vector<256x64xf32>
    %div3A_301 = vector.broadcast %get3A_13 : vector<1x64xf32> to vector<256x64xf32>
    %div3A_302 = arith.divf %mul3A_300, %div3A_301 : vector<256x64xf32>
    %add3A_303 = vector.broadcast %get3A_16 : vector<1x64xf32> to vector<256x64xf32>
    %add3A_304 = arith.addf %div3A_302, %add3A_303 : vector<256x64xf32>
    %dot_general3A_305 = arith.constant dense<0.000000e+00> : vector<256x64xf32>
    %dot_general3A_306 = tpu.matmul %add3A_304, %get3A_1, %dot_general3A_305 {dimension_numbers = #tpu.dot_dimension_numbers<[1], [0], [0], [1], [0, 0, 1, 1], [], []>, transpose_lhs_hint = false} : vector<256x64xf32>, vector<64x64xf32>, vector<256x64xf32> -> vector<256x64xf32>
    %add3A_307 = vector.broadcast %get3A_4 : vector<1x64xf32> to vector<256x64xf32>
    %add3A_308 = arith.addf %dot_general3A_306, %add3A_307 : vector<256x64xf32>
    %max3A_309 = arith.constant 0.000000e+00 : f32
    %max3A_310 = vector.broadcast %max3A_309 : f32 to vector<256x64xf32>
    %max3A_311 = arith.maximumf %add3A_308, %max3A_310 : vector<256x64xf32>
    %swap3A_312 = arith.constant 8 : index
    %swap3A_313 = arith.constant 0 : index
    %swap3A_314 = arith.constant 0 : index
    %swap3A_315 = vector.load %arg8[%swap3A_312, %swap3A_313, %swap3A_314] : memref<10x256x64xf32, #tpu.memory_space<vmem>>, vector<1x256x64xf32>
    %swap3A_316 = vector.shape_cast %swap3A_315 : vector<1x256x64xf32> to vector<256x64xf32>
    %swap3A_317 = vector.shape_cast %max3A_311 : vector<256x64xf32> to vector<1x256x64xf32>
    tpu.vector_store %arg8[%swap3A_312, %swap3A_313, %swap3A_314], %swap3A_317 {strides = array<i32>} : memref<10x256x64xf32, #tpu.memory_space<vmem>>, vector<1x256x64xf32>,
    %reduce_sum3A_318 = arith.constant dense<0.000000e+00> : vector<64xf32>
    %reduce_sum3A_319 = vector.multi_reduction <add>, %max3A_311, %reduce_sum3A_318 [0] : vector<256x64xf32> to vector<64xf32>
    %broadcast_in_dim3A_320 = vector.shape_cast %reduce_sum3A_319 : vector<64xf32> to vector<1x64xf32>
    %add3A_321 = arith.addf %add3A_286, %broadcast_in_dim3A_320 : vector<1x64xf32>
    %mul3A_322 = arith.mulf %max3A_311, %max3A_311 : vector<256x64xf32>
    %reduce_sum3A_323 = arith.constant dense<0.000000e+00> : vector<64xf32>
    %reduce_sum3A_324 = vector.multi_reduction <add>, %mul3A_322, %reduce_sum3A_323 [0] : vector<256x64xf32> to vector<64xf32>
    %broadcast_in_dim3A_325 = vector.shape_cast %reduce_sum3A_324 : vector<64xf32> to vector<1x64xf32>
    %add3A_326 = arith.addf %add3A_291, %broadcast_in_dim3A_325 : vector<1x64xf32>
    %get3A_327 = arith.constant 9 : index
    %get3A_328 = arith.constant 0 : index
    %get3A_329 = arith.constant 0 : index
    %get3A_330 = vector.load %arg1[%get3A_327, %get3A_328, %get3A_329] : memref<10x256x64xf32, #tpu.memory_space<vmem>>, vector<1x256x64xf32>
    %get3A_331 = vector.shape_cast %get3A_330 : vector<1x256x64xf32> to vector<256x64xf32>
    %sub3A_332 = vector.broadcast %get3A_7 : vector<1x64xf32> to vector<256x64xf32>
    %sub3A_333 = arith.subf %get3A_331, %sub3A_332 : vector<256x64xf32>
    %mul3A_334 = vector.broadcast %get3A_10 : vector<1x64xf32> to vector<256x64xf32>
    %mul3A_335 = arith.mulf %mul3A_334, %sub3A_333 : vector<256x64xf32>
    %div3A_336 = vector.broadcast %get3A_13 : vector<1x64xf32> to vector<256x64xf32>
    %div3A_337 = arith.divf %mul3A_335, %div3A_336 : vector<256x64xf32>
    %add3A_338 = vector.broadcast %get3A_16 : vector<1x64xf32> to vector<256x64xf32>
    %add3A_339 = arith.addf %div3A_337, %add3A_338 : vector<256x64xf32>
    %dot_general3A_340 = arith.constant dense<0.000000e+00> : vector<256x64xf32>
    %dot_general3A_341 = tpu.matmul %add3A_339, %get3A_1, %dot_general3A_340 {dimension_numbers = #tpu.dot_dimension_numbers<[1], [0], [0], [1], [0, 0, 1, 1], [], []>, transpose_lhs_hint = false} : vector<256x64xf32>, vector<64x64xf32>, vector<256x64xf32> -> vector<256x64xf32>
    %add3A_342 = vector.broadcast %get3A_4 : vector<1x64xf32> to vector<256x64xf32>
    %add3A_343 = arith.addf %dot_general3A_341, %add3A_342 : vector<256x64xf32>
    %max3A_344 = arith.constant 0.000000e+00 : f32
    %max3A_345 = vector.broadcast %max3A_344 : f32 to vector<256x64xf32>
    %max3A_346 = arith.maximumf %add3A_343, %max3A_345 : vector<256x64xf32>
    %swap3A_347 = arith.constant 9 : index
    %swap3A_348 = arith.constant 0 : index
    %swap3A_349 = arith.constant 0 : index
    %swap3A_350 = vector.load %arg8[%swap3A_347, %swap3A_348, %swap3A_349] : memref<10x256x64xf32, #tpu.memory_space<vmem>>, vector<1x256x64xf32>
    %swap3A_351 = vector.shape_cast %swap3A_350 : vector<1x256x64xf32> to vector<256x64xf32>
    %swap3A_352 = vector.shape_cast %max3A_346 : vector<256x64xf32> to vector<1x256x64xf32>
    tpu.vector_store %arg8[%swap3A_347, %swap3A_348, %swap3A_349], %swap3A_352 {strides = array<i32>} : memref<10x256x64xf32, #tpu.memory_space<vmem>>, vector<1x256x64xf32>,
    %reduce_sum3A_353 = arith.constant dense<0.000000e+00> : vector<64xf32>
    %reduce_sum3A_354 = vector.multi_reduction <add>, %max3A_346, %reduce_sum3A_353 [0] : vector<256x64xf32> to vector<64xf32>
    %broadcast_in_dim3A_355 = vector.shape_cast %reduce_sum3A_354 : vector<64xf32> to vector<1x64xf32>
    %add3A_356 = arith.addf %add3A_321, %broadcast_in_dim3A_355 : vector<1x64xf32>
    %mul3A_357 = arith.mulf %max3A_346, %max3A_346 : vector<256x64xf32>
    %reduce_sum3A_358 = arith.constant dense<0.000000e+00> : vector<64xf32>
    %reduce_sum3A_359 = vector.multi_reduction <add>, %mul3A_357, %reduce_sum3A_358 [0] : vector<256x64xf32> to vector<64xf32>
    %broadcast_in_dim3A_360 = vector.shape_cast %reduce_sum3A_359 : vector<64xf32> to vector<1x64xf32>
    %add3A_361 = arith.addf %add3A_326, %broadcast_in_dim3A_360 : vector<1x64xf32>
    %eq3A = arith.constant 0 : i32
    %eq3A_362 = arith.cmpi eq, %arg0, %eq3A : i32
    %convert_element_type3A = arith.extui %eq3A_362 : i1 to i32
    %cond3A = arith.constant 0 : i32
    %cond3A_363 = arith.cmpi ne, %convert_element_type3A, %cond3A : i32
    scf.if %cond3A_363 {
      %broadcast_in_dim3A_378 = arith.constant 0.000000e+00 : f32
      %broadcast_in_dim3A_379 = vector.broadcast %broadcast_in_dim3A_378 : f32 to vector<8x64xf32>
      %swap3A_380 = arith.constant 0 : index
      %swap3A_381 = arith.constant 0 : index
      %swap3A_382 = vector.load %arg9[%swap3A_380, %swap3A_381] : memref<8x64xf32, #tpu.memory_space<vmem>>, vector<8x64xf32>
      tpu.vector_store %arg9[%swap3A_380, %swap3A_381], %broadcast_in_dim3A_379 {strides = array<i32>} : memref<8x64xf32, #tpu.memory_space<vmem>>, vector<8x64xf32>,
    } else {
    }
    %get3A_364 = arith.constant 0 : index
    %get3A_365 = arith.constant 0 : index
    %get3A_366 = vector.load %arg9[%get3A_364, %get3A_365] : memref<8x64xf32, #tpu.memory_space<vmem>>, vector<1x64xf32>
    %add3A_367 = arith.addf %get3A_366, %add3A_356 : vector<1x64xf32>
    %swap3A_368 = arith.constant 0 : index
    %swap3A_369 = arith.constant 0 : index
    %swap3A_370 = vector.load %arg9[%swap3A_368, %swap3A_369] : memref<8x64xf32, #tpu.memory_space<vmem>>, vector<1x64xf32>
    tpu.vector_store %arg9[%swap3A_368, %swap3A_369], %add3A_367 {strides = array<i32>} : memref<8x64xf32, #tpu.memory_space<vmem>>, vector<1x64xf32>,
    %get3A_371 = arith.constant 1 : index
    %get3A_372 = arith.constant 0 : index
    %get3A_373 = vector.load %arg9[%get3A_371, %get3A_372] : memref<8x64xf32, #tpu.memory_space<vmem>>, vector<1x64xf32>
    %add3A_374 = arith.addf %get3A_373, %add3A_361 : vector<1x64xf32>
    %swap3A_375 = arith.constant 1 : index
    %swap3A_376 = arith.constant 0 : index
    %swap3A_377 = vector.load %arg9[%swap3A_375, %swap3A_376] : memref<8x64xf32, #tpu.memory_space<vmem>>, vector<1x64xf32>
    tpu.vector_store %arg9[%swap3A_375, %swap3A_376], %add3A_374 {strides = array<i32>} : memref<8x64xf32, #tpu.memory_space<vmem>>, vector<1x64xf32>,
    return
  }
  func.func @transform_0(%arg0: i32) -> (i32, i32, i32) {
    %c0_i32 = arith.constant 0 : i32
    %c0_i32_0 = arith.constant 0 : i32
    %c0_i32_1 = arith.constant 0 : i32
    return %c0_i32, %arg0, %c0_i32_0 : i32, i32, i32
  }
  func.func @transform_1(%arg0: i32) -> (i32, i32) {
    %c0_i32 = arith.constant 0 : i32
    %c0_i32_0 = arith.constant 0 : i32
    %c0_i32_1 = arith.constant 0 : i32
    return %c0_i32, %c0_i32_0 : i32, i32
  }
  func.func @transform_2(%arg0: i32) -> (i32, i32) {
    %c0_i32 = arith.constant 0 : i32
    %c0_i32_0 = arith.constant 0 : i32
    %c0_i32_1 = arith.constant 0 : i32
    return %c0_i32, %c0_i32_0 : i32, i32
  }
  func.func @transform_3(%arg0: i32) -> (i32, i32) {
    %c0_i32 = arith.constant 0 : i32
    %c0_i32_0 = arith.constant 0 : i32
    %c0_i32_1 = arith.constant 0 : i32
    return %c0_i32, %c0_i32_0 : i32, i32
  }
  func.func @transform_4(%arg0: i32) -> (i32, i32) {
    %c0_i32 = arith.constant 0 : i32
    %c0_i32_0 = arith.constant 0 : i32
    %c0_i32_1 = arith.constant 0 : i32
    return %c0_i32, %c0_i32_0 : i32, i32
  }
  func.func @transform_5(%arg0: i32) -> (i32, i32) {
    %c0_i32 = arith.constant 0 : i32
    %c0_i32_0 = arith.constant 0 : i32
    %c0_i32_1 = arith.constant 0 : i32
    return %c0_i32, %c0_i32_0 : i32, i32
  }
  func.func @transform_6(%arg0: i32) -> (i32, i32) {
    %c0_i32 = arith.constant 0 : i32
    %c0_i32_0 = arith.constant 0 : i32
    %c0_i32_1 = arith.constant 0 : i32
    return %c0_i32, %c0_i32_0 : i32, i32
  }
  func.func @transform_7(%arg0: i32) -> (i32, i32, i32) {
    %c0_i32 = arith.constant 0 : i32
    %c0_i32_0 = arith.constant 0 : i32
    %c0_i32_1 = arith.constant 0 : i32
    return %c0_i32, %arg0, %c0_i32_0 : i32, i32, i32
  }
  func.func @transform_8(%arg0: i32) -> (i32, i32) {
    %c0_i32 = arith.constant 0 : i32
    %c0_i32_0 = arith.constant 0 : i32
    %c0_i32_1 = arith.constant 0 : i32
    return %c0_i32, %c0_i32_0 : i32, i32
  }
}

module attributes {stable_mosaic.version = 14 : i64} {
  func.func @_edge_e_body(%arg0: i32, %arg1: memref<256x128xf32, #tpu.memory_space<vmem>>, %arg2: memref<10x256x128xf32, #tpu.memory_space<vmem>>, %arg3: memref<128x64xf32, #tpu.memory_space<vmem>>, %arg4: memref<8x64xf32, #tpu.memory_space<vmem>>, %arg5: memref<10x256x64xf32, #tpu.memory_space<vmem>>, %arg6: memref<8x64xf32, #tpu.memory_space<vmem>>) attributes {dimension_semantics = [#tpu.dimension_semantics<arbitrary>], iteration_bounds = array<i64: 32>, scalar_prefetch = 0 : i64, scratch_operands = 0 : i64, tpu.core_type = #tpu.core_type<tc>, window_params = [{transform_indices = @transform_0, window_bounds = array<i64: 256, 128>}, {transform_indices = @transform_1, window_bounds = array<i64: 10, 256, 128>}, {pipeline_mode = #tpu.pipeline_mode<synchronous>, transform_indices = @transform_2, window_bounds = array<i64: 128, 64>}, {pipeline_mode = #tpu.pipeline_mode<synchronous>, transform_indices = @transform_3, window_bounds = array<i64: 8, 64>}, {transform_indices = @transform_4, window_bounds = array<i64: 10, 256, 64>}, {pipeline_mode = #tpu.pipeline_mode<synchronous>, transform_indices = @transform_5, window_bounds = array<i64: 8, 64>}]} {
    %get3A = arith.constant 0 : index
    %get3A_0 = arith.constant 0 : index
    %get3A_1 = vector.load %arg1[%get3A, %get3A_0] : memref<256x128xf32, #tpu.memory_space<vmem>>, vector<256x128xf32>
    %slice3A = vector.extract_strided_slice %get3A_1 {offsets = [0, 0], sizes = [256, 64], strides = [1, 1]} : vector<256x128xf32> to vector<256x64xf32>
    %get3A_2 = arith.constant 0 : index
    %get3A_3 = arith.constant 0 : index
    %get3A_4 = vector.load %arg3[%get3A_2, %get3A_3] : memref<128x64xf32, #tpu.memory_space<vmem>>, vector<128x64xf32>
    %get3A_5 = arith.constant 0 : index
    %get3A_6 = arith.constant 0 : index
    %get3A_7 = vector.load %arg4[%get3A_5, %get3A_6] : memref<8x64xf32, #tpu.memory_space<vmem>>, vector<1x64xf32>
    %get3A_8 = arith.constant 0 : index
    %get3A_9 = arith.constant 0 : index
    %get3A_10 = arith.constant 0 : index
    %get3A_11 = vector.load %arg2[%get3A_8, %get3A_9, %get3A_10] : memref<10x256x128xf32, #tpu.memory_space<vmem>>, vector<1x256x128xf32>
    %get3A_12 = vector.shape_cast %get3A_11 : vector<1x256x128xf32> to vector<256x128xf32>
    %slice3A_13 = vector.extract_strided_slice %get3A_12 {offsets = [0, 0], sizes = [256, 64], strides = [1, 1]} : vector<256x128xf32> to vector<256x64xf32>
    %sub3A = arith.subf %slice3A_13, %slice3A : vector<256x64xf32>
    %concatenate3A = tpu.concatenate %slice3A, %sub3A in 1 : vector<256x64xf32>, vector<256x64xf32> -> vector<256x128xf32>
    %dot_general3A = arith.constant dense<0.000000e+00> : vector<256x64xf32>
    %dot_general3A_14 = tpu.matmul %concatenate3A, %get3A_4, %dot_general3A {dimension_numbers = #tpu.dot_dimension_numbers<[1], [0], [0], [1], [0, 0, 1, 1], [], []>, transpose_lhs_hint = false} : vector<256x128xf32>, vector<128x64xf32>, vector<256x64xf32> -> vector<256x64xf32>
    %add3A = vector.broadcast %get3A_7 : vector<1x64xf32> to vector<256x64xf32>
    %add3A_15 = arith.addf %dot_general3A_14, %add3A : vector<256x64xf32>
    %max3A = arith.constant 0.000000e+00 : f32
    %max3A_16 = vector.broadcast %max3A : f32 to vector<256x64xf32>
    %max3A_17 = arith.maximumf %add3A_15, %max3A_16 : vector<256x64xf32>
    %swap3A = arith.constant 0 : index
    %swap3A_18 = arith.constant 0 : index
    %swap3A_19 = arith.constant 0 : index
    %swap3A_20 = vector.load %arg5[%swap3A, %swap3A_18, %swap3A_19] : memref<10x256x64xf32, #tpu.memory_space<vmem>>, vector<1x256x64xf32>
    %swap3A_21 = vector.shape_cast %swap3A_20 : vector<1x256x64xf32> to vector<256x64xf32>
    %swap3A_22 = vector.shape_cast %max3A_17 : vector<256x64xf32> to vector<1x256x64xf32>
    tpu.vector_store %arg5[%swap3A, %swap3A_18, %swap3A_19], %swap3A_22 {strides = array<i32>} : memref<10x256x64xf32, #tpu.memory_space<vmem>>, vector<1x256x64xf32>,
    %reduce_sum3A = arith.constant dense<0.000000e+00> : vector<64xf32>
    %reduce_sum3A_23 = vector.multi_reduction <add>, %max3A_17, %reduce_sum3A [0] : vector<256x64xf32> to vector<64xf32>
    %broadcast_in_dim3A = vector.shape_cast %reduce_sum3A_23 : vector<64xf32> to vector<1x64xf32>
    %add3A_24 = arith.constant 0.000000e+00 : f32
    %add3A_25 = vector.broadcast %add3A_24 : f32 to vector<1x64xf32>
    %add3A_26 = arith.addf %add3A_25, %broadcast_in_dim3A : vector<1x64xf32>
    %mul3A = arith.mulf %max3A_17, %max3A_17 : vector<256x64xf32>
    %reduce_sum3A_27 = arith.constant dense<0.000000e+00> : vector<64xf32>
    %reduce_sum3A_28 = vector.multi_reduction <add>, %mul3A, %reduce_sum3A_27 [0] : vector<256x64xf32> to vector<64xf32>
    %broadcast_in_dim3A_29 = vector.shape_cast %reduce_sum3A_28 : vector<64xf32> to vector<1x64xf32>
    %add3A_30 = arith.constant 0.000000e+00 : f32
    %add3A_31 = vector.broadcast %add3A_30 : f32 to vector<1x64xf32>
    %add3A_32 = arith.addf %add3A_31, %broadcast_in_dim3A_29 : vector<1x64xf32>
    %get3A_33 = arith.constant 1 : index
    %get3A_34 = arith.constant 0 : index
    %get3A_35 = arith.constant 0 : index
    %get3A_36 = vector.load %arg2[%get3A_33, %get3A_34, %get3A_35] : memref<10x256x128xf32, #tpu.memory_space<vmem>>, vector<1x256x128xf32>
    %get3A_37 = vector.shape_cast %get3A_36 : vector<1x256x128xf32> to vector<256x128xf32>
    %slice3A_38 = vector.extract_strided_slice %get3A_37 {offsets = [0, 0], sizes = [256, 64], strides = [1, 1]} : vector<256x128xf32> to vector<256x64xf32>
    %sub3A_39 = arith.subf %slice3A_38, %slice3A : vector<256x64xf32>
    %concatenate3A_40 = tpu.concatenate %slice3A, %sub3A_39 in 1 : vector<256x64xf32>, vector<256x64xf32> -> vector<256x128xf32>
    %dot_general3A_41 = arith.constant dense<0.000000e+00> : vector<256x64xf32>
    %dot_general3A_42 = tpu.matmul %concatenate3A_40, %get3A_4, %dot_general3A_41 {dimension_numbers = #tpu.dot_dimension_numbers<[1], [0], [0], [1], [0, 0, 1, 1], [], []>, transpose_lhs_hint = false} : vector<256x128xf32>, vector<128x64xf32>, vector<256x64xf32> -> vector<256x64xf32>
    %add3A_43 = vector.broadcast %get3A_7 : vector<1x64xf32> to vector<256x64xf32>
    %add3A_44 = arith.addf %dot_general3A_42, %add3A_43 : vector<256x64xf32>
    %max3A_45 = arith.constant 0.000000e+00 : f32
    %max3A_46 = vector.broadcast %max3A_45 : f32 to vector<256x64xf32>
    %max3A_47 = arith.maximumf %add3A_44, %max3A_46 : vector<256x64xf32>
    %swap3A_48 = arith.constant 1 : index
    %swap3A_49 = arith.constant 0 : index
    %swap3A_50 = arith.constant 0 : index
    %swap3A_51 = vector.load %arg5[%swap3A_48, %swap3A_49, %swap3A_50] : memref<10x256x64xf32, #tpu.memory_space<vmem>>, vector<1x256x64xf32>
    %swap3A_52 = vector.shape_cast %swap3A_51 : vector<1x256x64xf32> to vector<256x64xf32>
    %swap3A_53 = vector.shape_cast %max3A_47 : vector<256x64xf32> to vector<1x256x64xf32>
    tpu.vector_store %arg5[%swap3A_48, %swap3A_49, %swap3A_50], %swap3A_53 {strides = array<i32>} : memref<10x256x64xf32, #tpu.memory_space<vmem>>, vector<1x256x64xf32>,
    %reduce_sum3A_54 = arith.constant dense<0.000000e+00> : vector<64xf32>
    %reduce_sum3A_55 = vector.multi_reduction <add>, %max3A_47, %reduce_sum3A_54 [0] : vector<256x64xf32> to vector<64xf32>
    %broadcast_in_dim3A_56 = vector.shape_cast %reduce_sum3A_55 : vector<64xf32> to vector<1x64xf32>
    %add3A_57 = arith.addf %add3A_26, %broadcast_in_dim3A_56 : vector<1x64xf32>
    %mul3A_58 = arith.mulf %max3A_47, %max3A_47 : vector<256x64xf32>
    %reduce_sum3A_59 = arith.constant dense<0.000000e+00> : vector<64xf32>
    %reduce_sum3A_60 = vector.multi_reduction <add>, %mul3A_58, %reduce_sum3A_59 [0] : vector<256x64xf32> to vector<64xf32>
    %broadcast_in_dim3A_61 = vector.shape_cast %reduce_sum3A_60 : vector<64xf32> to vector<1x64xf32>
    %add3A_62 = arith.addf %add3A_32, %broadcast_in_dim3A_61 : vector<1x64xf32>
    %get3A_63 = arith.constant 2 : index
    %get3A_64 = arith.constant 0 : index
    %get3A_65 = arith.constant 0 : index
    %get3A_66 = vector.load %arg2[%get3A_63, %get3A_64, %get3A_65] : memref<10x256x128xf32, #tpu.memory_space<vmem>>, vector<1x256x128xf32>
    %get3A_67 = vector.shape_cast %get3A_66 : vector<1x256x128xf32> to vector<256x128xf32>
    %slice3A_68 = vector.extract_strided_slice %get3A_67 {offsets = [0, 0], sizes = [256, 64], strides = [1, 1]} : vector<256x128xf32> to vector<256x64xf32>
    %sub3A_69 = arith.subf %slice3A_68, %slice3A : vector<256x64xf32>
    %concatenate3A_70 = tpu.concatenate %slice3A, %sub3A_69 in 1 : vector<256x64xf32>, vector<256x64xf32> -> vector<256x128xf32>
    %dot_general3A_71 = arith.constant dense<0.000000e+00> : vector<256x64xf32>
    %dot_general3A_72 = tpu.matmul %concatenate3A_70, %get3A_4, %dot_general3A_71 {dimension_numbers = #tpu.dot_dimension_numbers<[1], [0], [0], [1], [0, 0, 1, 1], [], []>, transpose_lhs_hint = false} : vector<256x128xf32>, vector<128x64xf32>, vector<256x64xf32> -> vector<256x64xf32>
    %add3A_73 = vector.broadcast %get3A_7 : vector<1x64xf32> to vector<256x64xf32>
    %add3A_74 = arith.addf %dot_general3A_72, %add3A_73 : vector<256x64xf32>
    %max3A_75 = arith.constant 0.000000e+00 : f32
    %max3A_76 = vector.broadcast %max3A_75 : f32 to vector<256x64xf32>
    %max3A_77 = arith.maximumf %add3A_74, %max3A_76 : vector<256x64xf32>
    %swap3A_78 = arith.constant 2 : index
    %swap3A_79 = arith.constant 0 : index
    %swap3A_80 = arith.constant 0 : index
    %swap3A_81 = vector.load %arg5[%swap3A_78, %swap3A_79, %swap3A_80] : memref<10x256x64xf32, #tpu.memory_space<vmem>>, vector<1x256x64xf32>
    %swap3A_82 = vector.shape_cast %swap3A_81 : vector<1x256x64xf32> to vector<256x64xf32>
    %swap3A_83 = vector.shape_cast %max3A_77 : vector<256x64xf32> to vector<1x256x64xf32>
    tpu.vector_store %arg5[%swap3A_78, %swap3A_79, %swap3A_80], %swap3A_83 {strides = array<i32>} : memref<10x256x64xf32, #tpu.memory_space<vmem>>, vector<1x256x64xf32>,
    %reduce_sum3A_84 = arith.constant dense<0.000000e+00> : vector<64xf32>
    %reduce_sum3A_85 = vector.multi_reduction <add>, %max3A_77, %reduce_sum3A_84 [0] : vector<256x64xf32> to vector<64xf32>
    %broadcast_in_dim3A_86 = vector.shape_cast %reduce_sum3A_85 : vector<64xf32> to vector<1x64xf32>
    %add3A_87 = arith.addf %add3A_57, %broadcast_in_dim3A_86 : vector<1x64xf32>
    %mul3A_88 = arith.mulf %max3A_77, %max3A_77 : vector<256x64xf32>
    %reduce_sum3A_89 = arith.constant dense<0.000000e+00> : vector<64xf32>
    %reduce_sum3A_90 = vector.multi_reduction <add>, %mul3A_88, %reduce_sum3A_89 [0] : vector<256x64xf32> to vector<64xf32>
    %broadcast_in_dim3A_91 = vector.shape_cast %reduce_sum3A_90 : vector<64xf32> to vector<1x64xf32>
    %add3A_92 = arith.addf %add3A_62, %broadcast_in_dim3A_91 : vector<1x64xf32>
    %get3A_93 = arith.constant 3 : index
    %get3A_94 = arith.constant 0 : index
    %get3A_95 = arith.constant 0 : index
    %get3A_96 = vector.load %arg2[%get3A_93, %get3A_94, %get3A_95] : memref<10x256x128xf32, #tpu.memory_space<vmem>>, vector<1x256x128xf32>
    %get3A_97 = vector.shape_cast %get3A_96 : vector<1x256x128xf32> to vector<256x128xf32>
    %slice3A_98 = vector.extract_strided_slice %get3A_97 {offsets = [0, 0], sizes = [256, 64], strides = [1, 1]} : vector<256x128xf32> to vector<256x64xf32>
    %sub3A_99 = arith.subf %slice3A_98, %slice3A : vector<256x64xf32>
    %concatenate3A_100 = tpu.concatenate %slice3A, %sub3A_99 in 1 : vector<256x64xf32>, vector<256x64xf32> -> vector<256x128xf32>
    %dot_general3A_101 = arith.constant dense<0.000000e+00> : vector<256x64xf32>
    %dot_general3A_102 = tpu.matmul %concatenate3A_100, %get3A_4, %dot_general3A_101 {dimension_numbers = #tpu.dot_dimension_numbers<[1], [0], [0], [1], [0, 0, 1, 1], [], []>, transpose_lhs_hint = false} : vector<256x128xf32>, vector<128x64xf32>, vector<256x64xf32> -> vector<256x64xf32>
    %add3A_103 = vector.broadcast %get3A_7 : vector<1x64xf32> to vector<256x64xf32>
    %add3A_104 = arith.addf %dot_general3A_102, %add3A_103 : vector<256x64xf32>
    %max3A_105 = arith.constant 0.000000e+00 : f32
    %max3A_106 = vector.broadcast %max3A_105 : f32 to vector<256x64xf32>
    %max3A_107 = arith.maximumf %add3A_104, %max3A_106 : vector<256x64xf32>
    %swap3A_108 = arith.constant 3 : index
    %swap3A_109 = arith.constant 0 : index
    %swap3A_110 = arith.constant 0 : index
    %swap3A_111 = vector.load %arg5[%swap3A_108, %swap3A_109, %swap3A_110] : memref<10x256x64xf32, #tpu.memory_space<vmem>>, vector<1x256x64xf32>
    %swap3A_112 = vector.shape_cast %swap3A_111 : vector<1x256x64xf32> to vector<256x64xf32>
    %swap3A_113 = vector.shape_cast %max3A_107 : vector<256x64xf32> to vector<1x256x64xf32>
    tpu.vector_store %arg5[%swap3A_108, %swap3A_109, %swap3A_110], %swap3A_113 {strides = array<i32>} : memref<10x256x64xf32, #tpu.memory_space<vmem>>, vector<1x256x64xf32>,
    %reduce_sum3A_114 = arith.constant dense<0.000000e+00> : vector<64xf32>
    %reduce_sum3A_115 = vector.multi_reduction <add>, %max3A_107, %reduce_sum3A_114 [0] : vector<256x64xf32> to vector<64xf32>
    %broadcast_in_dim3A_116 = vector.shape_cast %reduce_sum3A_115 : vector<64xf32> to vector<1x64xf32>
    %add3A_117 = arith.addf %add3A_87, %broadcast_in_dim3A_116 : vector<1x64xf32>
    %mul3A_118 = arith.mulf %max3A_107, %max3A_107 : vector<256x64xf32>
    %reduce_sum3A_119 = arith.constant dense<0.000000e+00> : vector<64xf32>
    %reduce_sum3A_120 = vector.multi_reduction <add>, %mul3A_118, %reduce_sum3A_119 [0] : vector<256x64xf32> to vector<64xf32>
    %broadcast_in_dim3A_121 = vector.shape_cast %reduce_sum3A_120 : vector<64xf32> to vector<1x64xf32>
    %add3A_122 = arith.addf %add3A_92, %broadcast_in_dim3A_121 : vector<1x64xf32>
    %get3A_123 = arith.constant 4 : index
    %get3A_124 = arith.constant 0 : index
    %get3A_125 = arith.constant 0 : index
    %get3A_126 = vector.load %arg2[%get3A_123, %get3A_124, %get3A_125] : memref<10x256x128xf32, #tpu.memory_space<vmem>>, vector<1x256x128xf32>
    %get3A_127 = vector.shape_cast %get3A_126 : vector<1x256x128xf32> to vector<256x128xf32>
    %slice3A_128 = vector.extract_strided_slice %get3A_127 {offsets = [0, 0], sizes = [256, 64], strides = [1, 1]} : vector<256x128xf32> to vector<256x64xf32>
    %sub3A_129 = arith.subf %slice3A_128, %slice3A : vector<256x64xf32>
    %concatenate3A_130 = tpu.concatenate %slice3A, %sub3A_129 in 1 : vector<256x64xf32>, vector<256x64xf32> -> vector<256x128xf32>
    %dot_general3A_131 = arith.constant dense<0.000000e+00> : vector<256x64xf32>
    %dot_general3A_132 = tpu.matmul %concatenate3A_130, %get3A_4, %dot_general3A_131 {dimension_numbers = #tpu.dot_dimension_numbers<[1], [0], [0], [1], [0, 0, 1, 1], [], []>, transpose_lhs_hint = false} : vector<256x128xf32>, vector<128x64xf32>, vector<256x64xf32> -> vector<256x64xf32>
    %add3A_133 = vector.broadcast %get3A_7 : vector<1x64xf32> to vector<256x64xf32>
    %add3A_134 = arith.addf %dot_general3A_132, %add3A_133 : vector<256x64xf32>
    %max3A_135 = arith.constant 0.000000e+00 : f32
    %max3A_136 = vector.broadcast %max3A_135 : f32 to vector<256x64xf32>
    %max3A_137 = arith.maximumf %add3A_134, %max3A_136 : vector<256x64xf32>
    %swap3A_138 = arith.constant 4 : index
    %swap3A_139 = arith.constant 0 : index
    %swap3A_140 = arith.constant 0 : index
    %swap3A_141 = vector.load %arg5[%swap3A_138, %swap3A_139, %swap3A_140] : memref<10x256x64xf32, #tpu.memory_space<vmem>>, vector<1x256x64xf32>
    %swap3A_142 = vector.shape_cast %swap3A_141 : vector<1x256x64xf32> to vector<256x64xf32>
    %swap3A_143 = vector.shape_cast %max3A_137 : vector<256x64xf32> to vector<1x256x64xf32>
    tpu.vector_store %arg5[%swap3A_138, %swap3A_139, %swap3A_140], %swap3A_143 {strides = array<i32>} : memref<10x256x64xf32, #tpu.memory_space<vmem>>, vector<1x256x64xf32>,
    %reduce_sum3A_144 = arith.constant dense<0.000000e+00> : vector<64xf32>
    %reduce_sum3A_145 = vector.multi_reduction <add>, %max3A_137, %reduce_sum3A_144 [0] : vector<256x64xf32> to vector<64xf32>
    %broadcast_in_dim3A_146 = vector.shape_cast %reduce_sum3A_145 : vector<64xf32> to vector<1x64xf32>
    %add3A_147 = arith.addf %add3A_117, %broadcast_in_dim3A_146 : vector<1x64xf32>
    %mul3A_148 = arith.mulf %max3A_137, %max3A_137 : vector<256x64xf32>
    %reduce_sum3A_149 = arith.constant dense<0.000000e+00> : vector<64xf32>
    %reduce_sum3A_150 = vector.multi_reduction <add>, %mul3A_148, %reduce_sum3A_149 [0] : vector<256x64xf32> to vector<64xf32>
    %broadcast_in_dim3A_151 = vector.shape_cast %reduce_sum3A_150 : vector<64xf32> to vector<1x64xf32>
    %add3A_152 = arith.addf %add3A_122, %broadcast_in_dim3A_151 : vector<1x64xf32>
    %get3A_153 = arith.constant 5 : index
    %get3A_154 = arith.constant 0 : index
    %get3A_155 = arith.constant 0 : index
    %get3A_156 = vector.load %arg2[%get3A_153, %get3A_154, %get3A_155] : memref<10x256x128xf32, #tpu.memory_space<vmem>>, vector<1x256x128xf32>
    %get3A_157 = vector.shape_cast %get3A_156 : vector<1x256x128xf32> to vector<256x128xf32>
    %slice3A_158 = vector.extract_strided_slice %get3A_157 {offsets = [0, 0], sizes = [256, 64], strides = [1, 1]} : vector<256x128xf32> to vector<256x64xf32>
    %sub3A_159 = arith.subf %slice3A_158, %slice3A : vector<256x64xf32>
    %concatenate3A_160 = tpu.concatenate %slice3A, %sub3A_159 in 1 : vector<256x64xf32>, vector<256x64xf32> -> vector<256x128xf32>
    %dot_general3A_161 = arith.constant dense<0.000000e+00> : vector<256x64xf32>
    %dot_general3A_162 = tpu.matmul %concatenate3A_160, %get3A_4, %dot_general3A_161 {dimension_numbers = #tpu.dot_dimension_numbers<[1], [0], [0], [1], [0, 0, 1, 1], [], []>, transpose_lhs_hint = false} : vector<256x128xf32>, vector<128x64xf32>, vector<256x64xf32> -> vector<256x64xf32>
    %add3A_163 = vector.broadcast %get3A_7 : vector<1x64xf32> to vector<256x64xf32>
    %add3A_164 = arith.addf %dot_general3A_162, %add3A_163 : vector<256x64xf32>
    %max3A_165 = arith.constant 0.000000e+00 : f32
    %max3A_166 = vector.broadcast %max3A_165 : f32 to vector<256x64xf32>
    %max3A_167 = arith.maximumf %add3A_164, %max3A_166 : vector<256x64xf32>
    %swap3A_168 = arith.constant 5 : index
    %swap3A_169 = arith.constant 0 : index
    %swap3A_170 = arith.constant 0 : index
    %swap3A_171 = vector.load %arg5[%swap3A_168, %swap3A_169, %swap3A_170] : memref<10x256x64xf32, #tpu.memory_space<vmem>>, vector<1x256x64xf32>
    %swap3A_172 = vector.shape_cast %swap3A_171 : vector<1x256x64xf32> to vector<256x64xf32>
    %swap3A_173 = vector.shape_cast %max3A_167 : vector<256x64xf32> to vector<1x256x64xf32>
    tpu.vector_store %arg5[%swap3A_168, %swap3A_169, %swap3A_170], %swap3A_173 {strides = array<i32>} : memref<10x256x64xf32, #tpu.memory_space<vmem>>, vector<1x256x64xf32>,
    %reduce_sum3A_174 = arith.constant dense<0.000000e+00> : vector<64xf32>
    %reduce_sum3A_175 = vector.multi_reduction <add>, %max3A_167, %reduce_sum3A_174 [0] : vector<256x64xf32> to vector<64xf32>
    %broadcast_in_dim3A_176 = vector.shape_cast %reduce_sum3A_175 : vector<64xf32> to vector<1x64xf32>
    %add3A_177 = arith.addf %add3A_147, %broadcast_in_dim3A_176 : vector<1x64xf32>
    %mul3A_178 = arith.mulf %max3A_167, %max3A_167 : vector<256x64xf32>
    %reduce_sum3A_179 = arith.constant dense<0.000000e+00> : vector<64xf32>
    %reduce_sum3A_180 = vector.multi_reduction <add>, %mul3A_178, %reduce_sum3A_179 [0] : vector<256x64xf32> to vector<64xf32>
    %broadcast_in_dim3A_181 = vector.shape_cast %reduce_sum3A_180 : vector<64xf32> to vector<1x64xf32>
    %add3A_182 = arith.addf %add3A_152, %broadcast_in_dim3A_181 : vector<1x64xf32>
    %get3A_183 = arith.constant 6 : index
    %get3A_184 = arith.constant 0 : index
    %get3A_185 = arith.constant 0 : index
    %get3A_186 = vector.load %arg2[%get3A_183, %get3A_184, %get3A_185] : memref<10x256x128xf32, #tpu.memory_space<vmem>>, vector<1x256x128xf32>
    %get3A_187 = vector.shape_cast %get3A_186 : vector<1x256x128xf32> to vector<256x128xf32>
    %slice3A_188 = vector.extract_strided_slice %get3A_187 {offsets = [0, 0], sizes = [256, 64], strides = [1, 1]} : vector<256x128xf32> to vector<256x64xf32>
    %sub3A_189 = arith.subf %slice3A_188, %slice3A : vector<256x64xf32>
    %concatenate3A_190 = tpu.concatenate %slice3A, %sub3A_189 in 1 : vector<256x64xf32>, vector<256x64xf32> -> vector<256x128xf32>
    %dot_general3A_191 = arith.constant dense<0.000000e+00> : vector<256x64xf32>
    %dot_general3A_192 = tpu.matmul %concatenate3A_190, %get3A_4, %dot_general3A_191 {dimension_numbers = #tpu.dot_dimension_numbers<[1], [0], [0], [1], [0, 0, 1, 1], [], []>, transpose_lhs_hint = false} : vector<256x128xf32>, vector<128x64xf32>, vector<256x64xf32> -> vector<256x64xf32>
    %add3A_193 = vector.broadcast %get3A_7 : vector<1x64xf32> to vector<256x64xf32>
    %add3A_194 = arith.addf %dot_general3A_192, %add3A_193 : vector<256x64xf32>
    %max3A_195 = arith.constant 0.000000e+00 : f32
    %max3A_196 = vector.broadcast %max3A_195 : f32 to vector<256x64xf32>
    %max3A_197 = arith.maximumf %add3A_194, %max3A_196 : vector<256x64xf32>
    %swap3A_198 = arith.constant 6 : index
    %swap3A_199 = arith.constant 0 : index
    %swap3A_200 = arith.constant 0 : index
    %swap3A_201 = vector.load %arg5[%swap3A_198, %swap3A_199, %swap3A_200] : memref<10x256x64xf32, #tpu.memory_space<vmem>>, vector<1x256x64xf32>
    %swap3A_202 = vector.shape_cast %swap3A_201 : vector<1x256x64xf32> to vector<256x64xf32>
    %swap3A_203 = vector.shape_cast %max3A_197 : vector<256x64xf32> to vector<1x256x64xf32>
    tpu.vector_store %arg5[%swap3A_198, %swap3A_199, %swap3A_200], %swap3A_203 {strides = array<i32>} : memref<10x256x64xf32, #tpu.memory_space<vmem>>, vector<1x256x64xf32>,
    %reduce_sum3A_204 = arith.constant dense<0.000000e+00> : vector<64xf32>
    %reduce_sum3A_205 = vector.multi_reduction <add>, %max3A_197, %reduce_sum3A_204 [0] : vector<256x64xf32> to vector<64xf32>
    %broadcast_in_dim3A_206 = vector.shape_cast %reduce_sum3A_205 : vector<64xf32> to vector<1x64xf32>
    %add3A_207 = arith.addf %add3A_177, %broadcast_in_dim3A_206 : vector<1x64xf32>
    %mul3A_208 = arith.mulf %max3A_197, %max3A_197 : vector<256x64xf32>
    %reduce_sum3A_209 = arith.constant dense<0.000000e+00> : vector<64xf32>
    %reduce_sum3A_210 = vector.multi_reduction <add>, %mul3A_208, %reduce_sum3A_209 [0] : vector<256x64xf32> to vector<64xf32>
    %broadcast_in_dim3A_211 = vector.shape_cast %reduce_sum3A_210 : vector<64xf32> to vector<1x64xf32>
    %add3A_212 = arith.addf %add3A_182, %broadcast_in_dim3A_211 : vector<1x64xf32>
    %get3A_213 = arith.constant 7 : index
    %get3A_214 = arith.constant 0 : index
    %get3A_215 = arith.constant 0 : index
    %get3A_216 = vector.load %arg2[%get3A_213, %get3A_214, %get3A_215] : memref<10x256x128xf32, #tpu.memory_space<vmem>>, vector<1x256x128xf32>
    %get3A_217 = vector.shape_cast %get3A_216 : vector<1x256x128xf32> to vector<256x128xf32>
    %slice3A_218 = vector.extract_strided_slice %get3A_217 {offsets = [0, 0], sizes = [256, 64], strides = [1, 1]} : vector<256x128xf32> to vector<256x64xf32>
    %sub3A_219 = arith.subf %slice3A_218, %slice3A : vector<256x64xf32>
    %concatenate3A_220 = tpu.concatenate %slice3A, %sub3A_219 in 1 : vector<256x64xf32>, vector<256x64xf32> -> vector<256x128xf32>
    %dot_general3A_221 = arith.constant dense<0.000000e+00> : vector<256x64xf32>
    %dot_general3A_222 = tpu.matmul %concatenate3A_220, %get3A_4, %dot_general3A_221 {dimension_numbers = #tpu.dot_dimension_numbers<[1], [0], [0], [1], [0, 0, 1, 1], [], []>, transpose_lhs_hint = false} : vector<256x128xf32>, vector<128x64xf32>, vector<256x64xf32> -> vector<256x64xf32>
    %add3A_223 = vector.broadcast %get3A_7 : vector<1x64xf32> to vector<256x64xf32>
    %add3A_224 = arith.addf %dot_general3A_222, %add3A_223 : vector<256x64xf32>
    %max3A_225 = arith.constant 0.000000e+00 : f32
    %max3A_226 = vector.broadcast %max3A_225 : f32 to vector<256x64xf32>
    %max3A_227 = arith.maximumf %add3A_224, %max3A_226 : vector<256x64xf32>
    %swap3A_228 = arith.constant 7 : index
    %swap3A_229 = arith.constant 0 : index
    %swap3A_230 = arith.constant 0 : index
    %swap3A_231 = vector.load %arg5[%swap3A_228, %swap3A_229, %swap3A_230] : memref<10x256x64xf32, #tpu.memory_space<vmem>>, vector<1x256x64xf32>
    %swap3A_232 = vector.shape_cast %swap3A_231 : vector<1x256x64xf32> to vector<256x64xf32>
    %swap3A_233 = vector.shape_cast %max3A_227 : vector<256x64xf32> to vector<1x256x64xf32>
    tpu.vector_store %arg5[%swap3A_228, %swap3A_229, %swap3A_230], %swap3A_233 {strides = array<i32>} : memref<10x256x64xf32, #tpu.memory_space<vmem>>, vector<1x256x64xf32>,
    %reduce_sum3A_234 = arith.constant dense<0.000000e+00> : vector<64xf32>
    %reduce_sum3A_235 = vector.multi_reduction <add>, %max3A_227, %reduce_sum3A_234 [0] : vector<256x64xf32> to vector<64xf32>
    %broadcast_in_dim3A_236 = vector.shape_cast %reduce_sum3A_235 : vector<64xf32> to vector<1x64xf32>
    %add3A_237 = arith.addf %add3A_207, %broadcast_in_dim3A_236 : vector<1x64xf32>
    %mul3A_238 = arith.mulf %max3A_227, %max3A_227 : vector<256x64xf32>
    %reduce_sum3A_239 = arith.constant dense<0.000000e+00> : vector<64xf32>
    %reduce_sum3A_240 = vector.multi_reduction <add>, %mul3A_238, %reduce_sum3A_239 [0] : vector<256x64xf32> to vector<64xf32>
    %broadcast_in_dim3A_241 = vector.shape_cast %reduce_sum3A_240 : vector<64xf32> to vector<1x64xf32>
    %add3A_242 = arith.addf %add3A_212, %broadcast_in_dim3A_241 : vector<1x64xf32>
    %get3A_243 = arith.constant 8 : index
    %get3A_244 = arith.constant 0 : index
    %get3A_245 = arith.constant 0 : index
    %get3A_246 = vector.load %arg2[%get3A_243, %get3A_244, %get3A_245] : memref<10x256x128xf32, #tpu.memory_space<vmem>>, vector<1x256x128xf32>
    %get3A_247 = vector.shape_cast %get3A_246 : vector<1x256x128xf32> to vector<256x128xf32>
    %slice3A_248 = vector.extract_strided_slice %get3A_247 {offsets = [0, 0], sizes = [256, 64], strides = [1, 1]} : vector<256x128xf32> to vector<256x64xf32>
    %sub3A_249 = arith.subf %slice3A_248, %slice3A : vector<256x64xf32>
    %concatenate3A_250 = tpu.concatenate %slice3A, %sub3A_249 in 1 : vector<256x64xf32>, vector<256x64xf32> -> vector<256x128xf32>
    %dot_general3A_251 = arith.constant dense<0.000000e+00> : vector<256x64xf32>
    %dot_general3A_252 = tpu.matmul %concatenate3A_250, %get3A_4, %dot_general3A_251 {dimension_numbers = #tpu.dot_dimension_numbers<[1], [0], [0], [1], [0, 0, 1, 1], [], []>, transpose_lhs_hint = false} : vector<256x128xf32>, vector<128x64xf32>, vector<256x64xf32> -> vector<256x64xf32>
    %add3A_253 = vector.broadcast %get3A_7 : vector<1x64xf32> to vector<256x64xf32>
    %add3A_254 = arith.addf %dot_general3A_252, %add3A_253 : vector<256x64xf32>
    %max3A_255 = arith.constant 0.000000e+00 : f32
    %max3A_256 = vector.broadcast %max3A_255 : f32 to vector<256x64xf32>
    %max3A_257 = arith.maximumf %add3A_254, %max3A_256 : vector<256x64xf32>
    %swap3A_258 = arith.constant 8 : index
    %swap3A_259 = arith.constant 0 : index
    %swap3A_260 = arith.constant 0 : index
    %swap3A_261 = vector.load %arg5[%swap3A_258, %swap3A_259, %swap3A_260] : memref<10x256x64xf32, #tpu.memory_space<vmem>>, vector<1x256x64xf32>
    %swap3A_262 = vector.shape_cast %swap3A_261 : vector<1x256x64xf32> to vector<256x64xf32>
    %swap3A_263 = vector.shape_cast %max3A_257 : vector<256x64xf32> to vector<1x256x64xf32>
    tpu.vector_store %arg5[%swap3A_258, %swap3A_259, %swap3A_260], %swap3A_263 {strides = array<i32>} : memref<10x256x64xf32, #tpu.memory_space<vmem>>, vector<1x256x64xf32>,
    %reduce_sum3A_264 = arith.constant dense<0.000000e+00> : vector<64xf32>
    %reduce_sum3A_265 = vector.multi_reduction <add>, %max3A_257, %reduce_sum3A_264 [0] : vector<256x64xf32> to vector<64xf32>
    %broadcast_in_dim3A_266 = vector.shape_cast %reduce_sum3A_265 : vector<64xf32> to vector<1x64xf32>
    %add3A_267 = arith.addf %add3A_237, %broadcast_in_dim3A_266 : vector<1x64xf32>
    %mul3A_268 = arith.mulf %max3A_257, %max3A_257 : vector<256x64xf32>
    %reduce_sum3A_269 = arith.constant dense<0.000000e+00> : vector<64xf32>
    %reduce_sum3A_270 = vector.multi_reduction <add>, %mul3A_268, %reduce_sum3A_269 [0] : vector<256x64xf32> to vector<64xf32>
    %broadcast_in_dim3A_271 = vector.shape_cast %reduce_sum3A_270 : vector<64xf32> to vector<1x64xf32>
    %add3A_272 = arith.addf %add3A_242, %broadcast_in_dim3A_271 : vector<1x64xf32>
    %get3A_273 = arith.constant 9 : index
    %get3A_274 = arith.constant 0 : index
    %get3A_275 = arith.constant 0 : index
    %get3A_276 = vector.load %arg2[%get3A_273, %get3A_274, %get3A_275] : memref<10x256x128xf32, #tpu.memory_space<vmem>>, vector<1x256x128xf32>
    %get3A_277 = vector.shape_cast %get3A_276 : vector<1x256x128xf32> to vector<256x128xf32>
    %slice3A_278 = vector.extract_strided_slice %get3A_277 {offsets = [0, 0], sizes = [256, 64], strides = [1, 1]} : vector<256x128xf32> to vector<256x64xf32>
    %sub3A_279 = arith.subf %slice3A_278, %slice3A : vector<256x64xf32>
    %concatenate3A_280 = tpu.concatenate %slice3A, %sub3A_279 in 1 : vector<256x64xf32>, vector<256x64xf32> -> vector<256x128xf32>
    %dot_general3A_281 = arith.constant dense<0.000000e+00> : vector<256x64xf32>
    %dot_general3A_282 = tpu.matmul %concatenate3A_280, %get3A_4, %dot_general3A_281 {dimension_numbers = #tpu.dot_dimension_numbers<[1], [0], [0], [1], [0, 0, 1, 1], [], []>, transpose_lhs_hint = false} : vector<256x128xf32>, vector<128x64xf32>, vector<256x64xf32> -> vector<256x64xf32>
    %add3A_283 = vector.broadcast %get3A_7 : vector<1x64xf32> to vector<256x64xf32>
    %add3A_284 = arith.addf %dot_general3A_282, %add3A_283 : vector<256x64xf32>
    %max3A_285 = arith.constant 0.000000e+00 : f32
    %max3A_286 = vector.broadcast %max3A_285 : f32 to vector<256x64xf32>
    %max3A_287 = arith.maximumf %add3A_284, %max3A_286 : vector<256x64xf32>
    %swap3A_288 = arith.constant 9 : index
    %swap3A_289 = arith.constant 0 : index
    %swap3A_290 = arith.constant 0 : index
    %swap3A_291 = vector.load %arg5[%swap3A_288, %swap3A_289, %swap3A_290] : memref<10x256x64xf32, #tpu.memory_space<vmem>>, vector<1x256x64xf32>
    %swap3A_292 = vector.shape_cast %swap3A_291 : vector<1x256x64xf32> to vector<256x64xf32>
    %swap3A_293 = vector.shape_cast %max3A_287 : vector<256x64xf32> to vector<1x256x64xf32>
    tpu.vector_store %arg5[%swap3A_288, %swap3A_289, %swap3A_290], %swap3A_293 {strides = array<i32>} : memref<10x256x64xf32, #tpu.memory_space<vmem>>, vector<1x256x64xf32>,
    %reduce_sum3A_294 = arith.constant dense<0.000000e+00> : vector<64xf32>
    %reduce_sum3A_295 = vector.multi_reduction <add>, %max3A_287, %reduce_sum3A_294 [0] : vector<256x64xf32> to vector<64xf32>
    %broadcast_in_dim3A_296 = vector.shape_cast %reduce_sum3A_295 : vector<64xf32> to vector<1x64xf32>
    %add3A_297 = arith.addf %add3A_267, %broadcast_in_dim3A_296 : vector<1x64xf32>
    %mul3A_298 = arith.mulf %max3A_287, %max3A_287 : vector<256x64xf32>
    %reduce_sum3A_299 = arith.constant dense<0.000000e+00> : vector<64xf32>
    %reduce_sum3A_300 = vector.multi_reduction <add>, %mul3A_298, %reduce_sum3A_299 [0] : vector<256x64xf32> to vector<64xf32>
    %broadcast_in_dim3A_301 = vector.shape_cast %reduce_sum3A_300 : vector<64xf32> to vector<1x64xf32>
    %add3A_302 = arith.addf %add3A_272, %broadcast_in_dim3A_301 : vector<1x64xf32>
    %eq3A = arith.constant 0 : i32
    %eq3A_303 = arith.cmpi eq, %arg0, %eq3A : i32
    %convert_element_type3A = arith.extui %eq3A_303 : i1 to i32
    %cond3A = arith.constant 0 : i32
    %cond3A_304 = arith.cmpi ne, %convert_element_type3A, %cond3A : i32
    scf.if %cond3A_304 {
      %broadcast_in_dim3A_319 = arith.constant 0.000000e+00 : f32
      %broadcast_in_dim3A_320 = vector.broadcast %broadcast_in_dim3A_319 : f32 to vector<8x64xf32>
      %swap3A_321 = arith.constant 0 : index
      %swap3A_322 = arith.constant 0 : index
      %swap3A_323 = vector.load %arg6[%swap3A_321, %swap3A_322] : memref<8x64xf32, #tpu.memory_space<vmem>>, vector<8x64xf32>
      tpu.vector_store %arg6[%swap3A_321, %swap3A_322], %broadcast_in_dim3A_320 {strides = array<i32>} : memref<8x64xf32, #tpu.memory_space<vmem>>, vector<8x64xf32>,
    } else {
    }
    %get3A_305 = arith.constant 0 : index
    %get3A_306 = arith.constant 0 : index
    %get3A_307 = vector.load %arg6[%get3A_305, %get3A_306] : memref<8x64xf32, #tpu.memory_space<vmem>>, vector<1x64xf32>
    %add3A_308 = arith.addf %get3A_307, %add3A_297 : vector<1x64xf32>
    %swap3A_309 = arith.constant 0 : index
    %swap3A_310 = arith.constant 0 : index
    %swap3A_311 = vector.load %arg6[%swap3A_309, %swap3A_310] : memref<8x64xf32, #tpu.memory_space<vmem>>, vector<1x64xf32>
    tpu.vector_store %arg6[%swap3A_309, %swap3A_310], %add3A_308 {strides = array<i32>} : memref<8x64xf32, #tpu.memory_space<vmem>>, vector<1x64xf32>,
    %get3A_312 = arith.constant 1 : index
    %get3A_313 = arith.constant 0 : index
    %get3A_314 = vector.load %arg6[%get3A_312, %get3A_313] : memref<8x64xf32, #tpu.memory_space<vmem>>, vector<1x64xf32>
    %add3A_315 = arith.addf %get3A_314, %add3A_302 : vector<1x64xf32>
    %swap3A_316 = arith.constant 1 : index
    %swap3A_317 = arith.constant 0 : index
    %swap3A_318 = vector.load %arg6[%swap3A_316, %swap3A_317] : memref<8x64xf32, #tpu.memory_space<vmem>>, vector<1x64xf32>
    tpu.vector_store %arg6[%swap3A_316, %swap3A_317], %add3A_315 {strides = array<i32>} : memref<8x64xf32, #tpu.memory_space<vmem>>, vector<1x64xf32>,
    return
  }
  func.func @transform_0(%arg0: i32) -> (i32, i32) {
    %c0_i32 = arith.constant 0 : i32
    %c0_i32_0 = arith.constant 0 : i32
    return %arg0, %c0_i32 : i32, i32
  }
  func.func @transform_1(%arg0: i32) -> (i32, i32, i32) {
    %c0_i32 = arith.constant 0 : i32
    %c0_i32_0 = arith.constant 0 : i32
    %c0_i32_1 = arith.constant 0 : i32
    return %c0_i32, %arg0, %c0_i32_0 : i32, i32, i32
  }
  func.func @transform_2(%arg0: i32) -> (i32, i32) {
    %c0_i32 = arith.constant 0 : i32
    %c0_i32_0 = arith.constant 0 : i32
    %c0_i32_1 = arith.constant 0 : i32
    return %c0_i32, %c0_i32_0 : i32, i32
  }
  func.func @transform_3(%arg0: i32) -> (i32, i32) {
    %c0_i32 = arith.constant 0 : i32
    %c0_i32_0 = arith.constant 0 : i32
    %c0_i32_1 = arith.constant 0 : i32
    return %c0_i32, %c0_i32_0 : i32, i32
  }
  func.func @transform_4(%arg0: i32) -> (i32, i32, i32) {
    %c0_i32 = arith.constant 0 : i32
    %c0_i32_0 = arith.constant 0 : i32
    %c0_i32_1 = arith.constant 0 : i32
    return %c0_i32, %arg0, %c0_i32_0 : i32, i32, i32
  }
  func.func @transform_5(%arg0: i32) -> (i32, i32) {
    %c0_i32 = arith.constant 0 : i32
    %c0_i32_0 = arith.constant 0 : i32
    %c0_i32_1 = arith.constant 0 : i32
    return %c0_i32, %c0_i32_0 : i32, i32
  }
}

module attributes {stable_mosaic.version = 14 : i64} {
  func.func @_edge_mm_body(%arg0: i32, %arg1: memref<10x256x64xf32, #tpu.memory_space<vmem>>, %arg2: memref<8x64xf32, #tpu.memory_space<vmem>>, %arg3: memref<8x64xf32, #tpu.memory_space<vmem>>, %arg4: memref<8x64xf32, #tpu.memory_space<vmem>>, %arg5: memref<8x64xf32, #tpu.memory_space<vmem>>, %arg6: memref<64x128xf32, #tpu.memory_space<vmem>>, %arg7: memref<8x128xf32, #tpu.memory_space<vmem>>, %arg8: memref<256x128xf32, #tpu.memory_space<vmem>>, %arg9: memref<8x128xf32, #tpu.memory_space<vmem>>) attributes {dimension_semantics = [#tpu.dimension_semantics<arbitrary>], iteration_bounds = array<i64: 32>, scalar_prefetch = 0 : i64, scratch_operands = 0 : i64, tpu.core_type = #tpu.core_type<tc>, window_params = [{transform_indices = @transform_0, window_bounds = array<i64: 10, 256, 64>}, {pipeline_mode = #tpu.pipeline_mode<synchronous>, transform_indices = @transform_1, window_bounds = array<i64: 8, 64>}, {pipeline_mode = #tpu.pipeline_mode<synchronous>, transform_indices = @transform_2, window_bounds = array<i64: 8, 64>}, {pipeline_mode = #tpu.pipeline_mode<synchronous>, transform_indices = @transform_3, window_bounds = array<i64: 8, 64>}, {pipeline_mode = #tpu.pipeline_mode<synchronous>, transform_indices = @transform_4, window_bounds = array<i64: 8, 64>}, {pipeline_mode = #tpu.pipeline_mode<synchronous>, transform_indices = @transform_5, window_bounds = array<i64: 64, 128>}, {pipeline_mode = #tpu.pipeline_mode<synchronous>, transform_indices = @transform_6, window_bounds = array<i64: 8, 128>}, {transform_indices = @transform_7, window_bounds = array<i64: 256, 128>}, {pipeline_mode = #tpu.pipeline_mode<synchronous>, transform_indices = @transform_8, window_bounds = array<i64: 8, 128>}]} {
    %get3A = arith.constant 0 : index
    %get3A_0 = arith.constant 0 : index
    %get3A_1 = vector.load %arg6[%get3A, %get3A_0] : memref<64x128xf32, #tpu.memory_space<vmem>>, vector<64x128xf32>
    %get3A_2 = arith.constant 0 : index
    %get3A_3 = arith.constant 0 : index
    %get3A_4 = vector.load %arg7[%get3A_2, %get3A_3] : memref<8x128xf32, #tpu.memory_space<vmem>>, vector<1x128xf32>
    %get3A_5 = arith.constant 0 : index
    %get3A_6 = arith.constant 0 : index
    %get3A_7 = vector.load %arg2[%get3A_5, %get3A_6] : memref<8x64xf32, #tpu.memory_space<vmem>>, vector<1x64xf32>
    %get3A_8 = arith.constant 0 : index
    %get3A_9 = arith.constant 0 : index
    %get3A_10 = vector.load %arg3[%get3A_8, %get3A_9] : memref<8x64xf32, #tpu.memory_space<vmem>>, vector<1x64xf32>
    %get3A_11 = arith.constant 0 : index
    %get3A_12 = arith.constant 0 : index
    %get3A_13 = vector.load %arg4[%get3A_11, %get3A_12] : memref<8x64xf32, #tpu.memory_space<vmem>>, vector<1x64xf32>
    %get3A_14 = arith.constant 0 : index
    %get3A_15 = arith.constant 0 : index
    %get3A_16 = vector.load %arg5[%get3A_14, %get3A_15] : memref<8x64xf32, #tpu.memory_space<vmem>>, vector<1x64xf32>
    %get3A_17 = arith.constant 0 : index
    %get3A_18 = arith.constant 0 : index
    %get3A_19 = arith.constant 0 : index
    %get3A_20 = vector.load %arg1[%get3A_17, %get3A_18, %get3A_19] : memref<10x256x64xf32, #tpu.memory_space<vmem>>, vector<1x256x64xf32>
    %get3A_21 = vector.shape_cast %get3A_20 : vector<1x256x64xf32> to vector<256x64xf32>
    %sub3A = vector.broadcast %get3A_7 : vector<1x64xf32> to vector<256x64xf32>
    %sub3A_22 = arith.subf %get3A_21, %sub3A : vector<256x64xf32>
    %mul3A = vector.broadcast %get3A_10 : vector<1x64xf32> to vector<256x64xf32>
    %mul3A_23 = arith.mulf %mul3A, %sub3A_22 : vector<256x64xf32>
    %div3A = vector.broadcast %get3A_13 : vector<1x64xf32> to vector<256x64xf32>
    %div3A_24 = arith.divf %mul3A_23, %div3A : vector<256x64xf32>
    %add3A = vector.broadcast %get3A_16 : vector<1x64xf32> to vector<256x64xf32>
    %add3A_25 = arith.addf %div3A_24, %add3A : vector<256x64xf32>
    %dot_general3A = arith.constant dense<0.000000e+00> : vector<256x128xf32>
    %dot_general3A_26 = tpu.matmul %add3A_25, %get3A_1, %dot_general3A {dimension_numbers = #tpu.dot_dimension_numbers<[1], [0], [0], [1], [0, 0, 1, 1], [], []>, transpose_lhs_hint = false} : vector<256x64xf32>, vector<64x128xf32>, vector<256x128xf32> -> vector<256x128xf32>
    %add3A_27 = vector.broadcast %get3A_4 : vector<1x128xf32> to vector<256x128xf32>
    %add3A_28 = arith.addf %dot_general3A_26, %add3A_27 : vector<256x128xf32>
    %max3A = arith.constant 0.000000e+00 : f32
    %max3A_29 = vector.broadcast %max3A : f32 to vector<256x128xf32>
    %max3A_30 = arith.maximumf %add3A_28, %max3A_29 : vector<256x128xf32>
    %reduce_sum3A = arith.constant dense<0.000000e+00> : vector<128xf32>
    %reduce_sum3A_31 = vector.multi_reduction <add>, %max3A_30, %reduce_sum3A [0] : vector<256x128xf32> to vector<128xf32>
    %broadcast_in_dim3A = vector.shape_cast %reduce_sum3A_31 : vector<128xf32> to vector<1x128xf32>
    %add3A_32 = arith.constant 0.000000e+00 : f32
    %add3A_33 = vector.broadcast %add3A_32 : f32 to vector<1x128xf32>
    %add3A_34 = arith.addf %add3A_33, %broadcast_in_dim3A : vector<1x128xf32>
    %mul3A_35 = arith.mulf %max3A_30, %max3A_30 : vector<256x128xf32>
    %reduce_sum3A_36 = arith.constant dense<0.000000e+00> : vector<128xf32>
    %reduce_sum3A_37 = vector.multi_reduction <add>, %mul3A_35, %reduce_sum3A_36 [0] : vector<256x128xf32> to vector<128xf32>
    %broadcast_in_dim3A_38 = vector.shape_cast %reduce_sum3A_37 : vector<128xf32> to vector<1x128xf32>
    %add3A_39 = arith.constant 0.000000e+00 : f32
    %add3A_40 = vector.broadcast %add3A_39 : f32 to vector<1x128xf32>
    %add3A_41 = arith.addf %add3A_40, %broadcast_in_dim3A_38 : vector<1x128xf32>
    %get3A_42 = arith.constant 1 : index
    %get3A_43 = arith.constant 0 : index
    %get3A_44 = arith.constant 0 : index
    %get3A_45 = vector.load %arg1[%get3A_42, %get3A_43, %get3A_44] : memref<10x256x64xf32, #tpu.memory_space<vmem>>, vector<1x256x64xf32>
    %get3A_46 = vector.shape_cast %get3A_45 : vector<1x256x64xf32> to vector<256x64xf32>
    %sub3A_47 = vector.broadcast %get3A_7 : vector<1x64xf32> to vector<256x64xf32>
    %sub3A_48 = arith.subf %get3A_46, %sub3A_47 : vector<256x64xf32>
    %mul3A_49 = vector.broadcast %get3A_10 : vector<1x64xf32> to vector<256x64xf32>
    %mul3A_50 = arith.mulf %mul3A_49, %sub3A_48 : vector<256x64xf32>
    %div3A_51 = vector.broadcast %get3A_13 : vector<1x64xf32> to vector<256x64xf32>
    %div3A_52 = arith.divf %mul3A_50, %div3A_51 : vector<256x64xf32>
    %add3A_53 = vector.broadcast %get3A_16 : vector<1x64xf32> to vector<256x64xf32>
    %add3A_54 = arith.addf %div3A_52, %add3A_53 : vector<256x64xf32>
    %dot_general3A_55 = arith.constant dense<0.000000e+00> : vector<256x128xf32>
    %dot_general3A_56 = tpu.matmul %add3A_54, %get3A_1, %dot_general3A_55 {dimension_numbers = #tpu.dot_dimension_numbers<[1], [0], [0], [1], [0, 0, 1, 1], [], []>, transpose_lhs_hint = false} : vector<256x64xf32>, vector<64x128xf32>, vector<256x128xf32> -> vector<256x128xf32>
    %add3A_57 = vector.broadcast %get3A_4 : vector<1x128xf32> to vector<256x128xf32>
    %add3A_58 = arith.addf %dot_general3A_56, %add3A_57 : vector<256x128xf32>
    %max3A_59 = arith.constant 0.000000e+00 : f32
    %max3A_60 = vector.broadcast %max3A_59 : f32 to vector<256x128xf32>
    %max3A_61 = arith.maximumf %add3A_58, %max3A_60 : vector<256x128xf32>
    %max3A_62 = arith.maximumf %max3A_30, %max3A_61 : vector<256x128xf32>
    %reduce_sum3A_63 = arith.constant dense<0.000000e+00> : vector<128xf32>
    %reduce_sum3A_64 = vector.multi_reduction <add>, %max3A_61, %reduce_sum3A_63 [0] : vector<256x128xf32> to vector<128xf32>
    %broadcast_in_dim3A_65 = vector.shape_cast %reduce_sum3A_64 : vector<128xf32> to vector<1x128xf32>
    %add3A_66 = arith.addf %add3A_34, %broadcast_in_dim3A_65 : vector<1x128xf32>
    %mul3A_67 = arith.mulf %max3A_61, %max3A_61 : vector<256x128xf32>
    %reduce_sum3A_68 = arith.constant dense<0.000000e+00> : vector<128xf32>
    %reduce_sum3A_69 = vector.multi_reduction <add>, %mul3A_67, %reduce_sum3A_68 [0] : vector<256x128xf32> to vector<128xf32>
    %broadcast_in_dim3A_70 = vector.shape_cast %reduce_sum3A_69 : vector<128xf32> to vector<1x128xf32>
    %add3A_71 = arith.addf %add3A_41, %broadcast_in_dim3A_70 : vector<1x128xf32>
    %get3A_72 = arith.constant 2 : index
    %get3A_73 = arith.constant 0 : index
    %get3A_74 = arith.constant 0 : index
    %get3A_75 = vector.load %arg1[%get3A_72, %get3A_73, %get3A_74] : memref<10x256x64xf32, #tpu.memory_space<vmem>>, vector<1x256x64xf32>
    %get3A_76 = vector.shape_cast %get3A_75 : vector<1x256x64xf32> to vector<256x64xf32>
    %sub3A_77 = vector.broadcast %get3A_7 : vector<1x64xf32> to vector<256x64xf32>
    %sub3A_78 = arith.subf %get3A_76, %sub3A_77 : vector<256x64xf32>
    %mul3A_79 = vector.broadcast %get3A_10 : vector<1x64xf32> to vector<256x64xf32>
    %mul3A_80 = arith.mulf %mul3A_79, %sub3A_78 : vector<256x64xf32>
    %div3A_81 = vector.broadcast %get3A_13 : vector<1x64xf32> to vector<256x64xf32>
    %div3A_82 = arith.divf %mul3A_80, %div3A_81 : vector<256x64xf32>
    %add3A_83 = vector.broadcast %get3A_16 : vector<1x64xf32> to vector<256x64xf32>
    %add3A_84 = arith.addf %div3A_82, %add3A_83 : vector<256x64xf32>
    %dot_general3A_85 = arith.constant dense<0.000000e+00> : vector<256x128xf32>
    %dot_general3A_86 = tpu.matmul %add3A_84, %get3A_1, %dot_general3A_85 {dimension_numbers = #tpu.dot_dimension_numbers<[1], [0], [0], [1], [0, 0, 1, 1], [], []>, transpose_lhs_hint = false} : vector<256x64xf32>, vector<64x128xf32>, vector<256x128xf32> -> vector<256x128xf32>
    %add3A_87 = vector.broadcast %get3A_4 : vector<1x128xf32> to vector<256x128xf32>
    %add3A_88 = arith.addf %dot_general3A_86, %add3A_87 : vector<256x128xf32>
    %max3A_89 = arith.constant 0.000000e+00 : f32
    %max3A_90 = vector.broadcast %max3A_89 : f32 to vector<256x128xf32>
    %max3A_91 = arith.maximumf %add3A_88, %max3A_90 : vector<256x128xf32>
    %max3A_92 = arith.maximumf %max3A_62, %max3A_91 : vector<256x128xf32>
    %reduce_sum3A_93 = arith.constant dense<0.000000e+00> : vector<128xf32>
    %reduce_sum3A_94 = vector.multi_reduction <add>, %max3A_91, %reduce_sum3A_93 [0] : vector<256x128xf32> to vector<128xf32>
    %broadcast_in_dim3A_95 = vector.shape_cast %reduce_sum3A_94 : vector<128xf32> to vector<1x128xf32>
    %add3A_96 = arith.addf %add3A_66, %broadcast_in_dim3A_95 : vector<1x128xf32>
    %mul3A_97 = arith.mulf %max3A_91, %max3A_91 : vector<256x128xf32>
    %reduce_sum3A_98 = arith.constant dense<0.000000e+00> : vector<128xf32>
    %reduce_sum3A_99 = vector.multi_reduction <add>, %mul3A_97, %reduce_sum3A_98 [0] : vector<256x128xf32> to vector<128xf32>
    %broadcast_in_dim3A_100 = vector.shape_cast %reduce_sum3A_99 : vector<128xf32> to vector<1x128xf32>
    %add3A_101 = arith.addf %add3A_71, %broadcast_in_dim3A_100 : vector<1x128xf32>
    %get3A_102 = arith.constant 3 : index
    %get3A_103 = arith.constant 0 : index
    %get3A_104 = arith.constant 0 : index
    %get3A_105 = vector.load %arg1[%get3A_102, %get3A_103, %get3A_104] : memref<10x256x64xf32, #tpu.memory_space<vmem>>, vector<1x256x64xf32>
    %get3A_106 = vector.shape_cast %get3A_105 : vector<1x256x64xf32> to vector<256x64xf32>
    %sub3A_107 = vector.broadcast %get3A_7 : vector<1x64xf32> to vector<256x64xf32>
    %sub3A_108 = arith.subf %get3A_106, %sub3A_107 : vector<256x64xf32>
    %mul3A_109 = vector.broadcast %get3A_10 : vector<1x64xf32> to vector<256x64xf32>
    %mul3A_110 = arith.mulf %mul3A_109, %sub3A_108 : vector<256x64xf32>
    %div3A_111 = vector.broadcast %get3A_13 : vector<1x64xf32> to vector<256x64xf32>
    %div3A_112 = arith.divf %mul3A_110, %div3A_111 : vector<256x64xf32>
    %add3A_113 = vector.broadcast %get3A_16 : vector<1x64xf32> to vector<256x64xf32>
    %add3A_114 = arith.addf %div3A_112, %add3A_113 : vector<256x64xf32>
    %dot_general3A_115 = arith.constant dense<0.000000e+00> : vector<256x128xf32>
    %dot_general3A_116 = tpu.matmul %add3A_114, %get3A_1, %dot_general3A_115 {dimension_numbers = #tpu.dot_dimension_numbers<[1], [0], [0], [1], [0, 0, 1, 1], [], []>, transpose_lhs_hint = false} : vector<256x64xf32>, vector<64x128xf32>, vector<256x128xf32> -> vector<256x128xf32>
    %add3A_117 = vector.broadcast %get3A_4 : vector<1x128xf32> to vector<256x128xf32>
    %add3A_118 = arith.addf %dot_general3A_116, %add3A_117 : vector<256x128xf32>
    %max3A_119 = arith.constant 0.000000e+00 : f32
    %max3A_120 = vector.broadcast %max3A_119 : f32 to vector<256x128xf32>
    %max3A_121 = arith.maximumf %add3A_118, %max3A_120 : vector<256x128xf32>
    %max3A_122 = arith.maximumf %max3A_92, %max3A_121 : vector<256x128xf32>
    %reduce_sum3A_123 = arith.constant dense<0.000000e+00> : vector<128xf32>
    %reduce_sum3A_124 = vector.multi_reduction <add>, %max3A_121, %reduce_sum3A_123 [0] : vector<256x128xf32> to vector<128xf32>
    %broadcast_in_dim3A_125 = vector.shape_cast %reduce_sum3A_124 : vector<128xf32> to vector<1x128xf32>
    %add3A_126 = arith.addf %add3A_96, %broadcast_in_dim3A_125 : vector<1x128xf32>
    %mul3A_127 = arith.mulf %max3A_121, %max3A_121 : vector<256x128xf32>
    %reduce_sum3A_128 = arith.constant dense<0.000000e+00> : vector<128xf32>
    %reduce_sum3A_129 = vector.multi_reduction <add>, %mul3A_127, %reduce_sum3A_128 [0] : vector<256x128xf32> to vector<128xf32>
    %broadcast_in_dim3A_130 = vector.shape_cast %reduce_sum3A_129 : vector<128xf32> to vector<1x128xf32>
    %add3A_131 = arith.addf %add3A_101, %broadcast_in_dim3A_130 : vector<1x128xf32>
    %get3A_132 = arith.constant 4 : index
    %get3A_133 = arith.constant 0 : index
    %get3A_134 = arith.constant 0 : index
    %get3A_135 = vector.load %arg1[%get3A_132, %get3A_133, %get3A_134] : memref<10x256x64xf32, #tpu.memory_space<vmem>>, vector<1x256x64xf32>
    %get3A_136 = vector.shape_cast %get3A_135 : vector<1x256x64xf32> to vector<256x64xf32>
    %sub3A_137 = vector.broadcast %get3A_7 : vector<1x64xf32> to vector<256x64xf32>
    %sub3A_138 = arith.subf %get3A_136, %sub3A_137 : vector<256x64xf32>
    %mul3A_139 = vector.broadcast %get3A_10 : vector<1x64xf32> to vector<256x64xf32>
    %mul3A_140 = arith.mulf %mul3A_139, %sub3A_138 : vector<256x64xf32>
    %div3A_141 = vector.broadcast %get3A_13 : vector<1x64xf32> to vector<256x64xf32>
    %div3A_142 = arith.divf %mul3A_140, %div3A_141 : vector<256x64xf32>
    %add3A_143 = vector.broadcast %get3A_16 : vector<1x64xf32> to vector<256x64xf32>
    %add3A_144 = arith.addf %div3A_142, %add3A_143 : vector<256x64xf32>
    %dot_general3A_145 = arith.constant dense<0.000000e+00> : vector<256x128xf32>
    %dot_general3A_146 = tpu.matmul %add3A_144, %get3A_1, %dot_general3A_145 {dimension_numbers = #tpu.dot_dimension_numbers<[1], [0], [0], [1], [0, 0, 1, 1], [], []>, transpose_lhs_hint = false} : vector<256x64xf32>, vector<64x128xf32>, vector<256x128xf32> -> vector<256x128xf32>
    %add3A_147 = vector.broadcast %get3A_4 : vector<1x128xf32> to vector<256x128xf32>
    %add3A_148 = arith.addf %dot_general3A_146, %add3A_147 : vector<256x128xf32>
    %max3A_149 = arith.constant 0.000000e+00 : f32
    %max3A_150 = vector.broadcast %max3A_149 : f32 to vector<256x128xf32>
    %max3A_151 = arith.maximumf %add3A_148, %max3A_150 : vector<256x128xf32>
    %max3A_152 = arith.maximumf %max3A_122, %max3A_151 : vector<256x128xf32>
    %reduce_sum3A_153 = arith.constant dense<0.000000e+00> : vector<128xf32>
    %reduce_sum3A_154 = vector.multi_reduction <add>, %max3A_151, %reduce_sum3A_153 [0] : vector<256x128xf32> to vector<128xf32>
    %broadcast_in_dim3A_155 = vector.shape_cast %reduce_sum3A_154 : vector<128xf32> to vector<1x128xf32>
    %add3A_156 = arith.addf %add3A_126, %broadcast_in_dim3A_155 : vector<1x128xf32>
    %mul3A_157 = arith.mulf %max3A_151, %max3A_151 : vector<256x128xf32>
    %reduce_sum3A_158 = arith.constant dense<0.000000e+00> : vector<128xf32>
    %reduce_sum3A_159 = vector.multi_reduction <add>, %mul3A_157, %reduce_sum3A_158 [0] : vector<256x128xf32> to vector<128xf32>
    %broadcast_in_dim3A_160 = vector.shape_cast %reduce_sum3A_159 : vector<128xf32> to vector<1x128xf32>
    %add3A_161 = arith.addf %add3A_131, %broadcast_in_dim3A_160 : vector<1x128xf32>
    %get3A_162 = arith.constant 5 : index
    %get3A_163 = arith.constant 0 : index
    %get3A_164 = arith.constant 0 : index
    %get3A_165 = vector.load %arg1[%get3A_162, %get3A_163, %get3A_164] : memref<10x256x64xf32, #tpu.memory_space<vmem>>, vector<1x256x64xf32>
    %get3A_166 = vector.shape_cast %get3A_165 : vector<1x256x64xf32> to vector<256x64xf32>
    %sub3A_167 = vector.broadcast %get3A_7 : vector<1x64xf32> to vector<256x64xf32>
    %sub3A_168 = arith.subf %get3A_166, %sub3A_167 : vector<256x64xf32>
    %mul3A_169 = vector.broadcast %get3A_10 : vector<1x64xf32> to vector<256x64xf32>
    %mul3A_170 = arith.mulf %mul3A_169, %sub3A_168 : vector<256x64xf32>
    %div3A_171 = vector.broadcast %get3A_13 : vector<1x64xf32> to vector<256x64xf32>
    %div3A_172 = arith.divf %mul3A_170, %div3A_171 : vector<256x64xf32>
    %add3A_173 = vector.broadcast %get3A_16 : vector<1x64xf32> to vector<256x64xf32>
    %add3A_174 = arith.addf %div3A_172, %add3A_173 : vector<256x64xf32>
    %dot_general3A_175 = arith.constant dense<0.000000e+00> : vector<256x128xf32>
    %dot_general3A_176 = tpu.matmul %add3A_174, %get3A_1, %dot_general3A_175 {dimension_numbers = #tpu.dot_dimension_numbers<[1], [0], [0], [1], [0, 0, 1, 1], [], []>, transpose_lhs_hint = false} : vector<256x64xf32>, vector<64x128xf32>, vector<256x128xf32> -> vector<256x128xf32>
    %add3A_177 = vector.broadcast %get3A_4 : vector<1x128xf32> to vector<256x128xf32>
    %add3A_178 = arith.addf %dot_general3A_176, %add3A_177 : vector<256x128xf32>
    %max3A_179 = arith.constant 0.000000e+00 : f32
    %max3A_180 = vector.broadcast %max3A_179 : f32 to vector<256x128xf32>
    %max3A_181 = arith.maximumf %add3A_178, %max3A_180 : vector<256x128xf32>
    %max3A_182 = arith.maximumf %max3A_152, %max3A_181 : vector<256x128xf32>
    %reduce_sum3A_183 = arith.constant dense<0.000000e+00> : vector<128xf32>
    %reduce_sum3A_184 = vector.multi_reduction <add>, %max3A_181, %reduce_sum3A_183 [0] : vector<256x128xf32> to vector<128xf32>
    %broadcast_in_dim3A_185 = vector.shape_cast %reduce_sum3A_184 : vector<128xf32> to vector<1x128xf32>
    %add3A_186 = arith.addf %add3A_156, %broadcast_in_dim3A_185 : vector<1x128xf32>
    %mul3A_187 = arith.mulf %max3A_181, %max3A_181 : vector<256x128xf32>
    %reduce_sum3A_188 = arith.constant dense<0.000000e+00> : vector<128xf32>
    %reduce_sum3A_189 = vector.multi_reduction <add>, %mul3A_187, %reduce_sum3A_188 [0] : vector<256x128xf32> to vector<128xf32>
    %broadcast_in_dim3A_190 = vector.shape_cast %reduce_sum3A_189 : vector<128xf32> to vector<1x128xf32>
    %add3A_191 = arith.addf %add3A_161, %broadcast_in_dim3A_190 : vector<1x128xf32>
    %get3A_192 = arith.constant 6 : index
    %get3A_193 = arith.constant 0 : index
    %get3A_194 = arith.constant 0 : index
    %get3A_195 = vector.load %arg1[%get3A_192, %get3A_193, %get3A_194] : memref<10x256x64xf32, #tpu.memory_space<vmem>>, vector<1x256x64xf32>
    %get3A_196 = vector.shape_cast %get3A_195 : vector<1x256x64xf32> to vector<256x64xf32>
    %sub3A_197 = vector.broadcast %get3A_7 : vector<1x64xf32> to vector<256x64xf32>
    %sub3A_198 = arith.subf %get3A_196, %sub3A_197 : vector<256x64xf32>
    %mul3A_199 = vector.broadcast %get3A_10 : vector<1x64xf32> to vector<256x64xf32>
    %mul3A_200 = arith.mulf %mul3A_199, %sub3A_198 : vector<256x64xf32>
    %div3A_201 = vector.broadcast %get3A_13 : vector<1x64xf32> to vector<256x64xf32>
    %div3A_202 = arith.divf %mul3A_200, %div3A_201 : vector<256x64xf32>
    %add3A_203 = vector.broadcast %get3A_16 : vector<1x64xf32> to vector<256x64xf32>
    %add3A_204 = arith.addf %div3A_202, %add3A_203 : vector<256x64xf32>
    %dot_general3A_205 = arith.constant dense<0.000000e+00> : vector<256x128xf32>
    %dot_general3A_206 = tpu.matmul %add3A_204, %get3A_1, %dot_general3A_205 {dimension_numbers = #tpu.dot_dimension_numbers<[1], [0], [0], [1], [0, 0, 1, 1], [], []>, transpose_lhs_hint = false} : vector<256x64xf32>, vector<64x128xf32>, vector<256x128xf32> -> vector<256x128xf32>
    %add3A_207 = vector.broadcast %get3A_4 : vector<1x128xf32> to vector<256x128xf32>
    %add3A_208 = arith.addf %dot_general3A_206, %add3A_207 : vector<256x128xf32>
    %max3A_209 = arith.constant 0.000000e+00 : f32
    %max3A_210 = vector.broadcast %max3A_209 : f32 to vector<256x128xf32>
    %max3A_211 = arith.maximumf %add3A_208, %max3A_210 : vector<256x128xf32>
    %max3A_212 = arith.maximumf %max3A_182, %max3A_211 : vector<256x128xf32>
    %reduce_sum3A_213 = arith.constant dense<0.000000e+00> : vector<128xf32>
    %reduce_sum3A_214 = vector.multi_reduction <add>, %max3A_211, %reduce_sum3A_213 [0] : vector<256x128xf32> to vector<128xf32>
    %broadcast_in_dim3A_215 = vector.shape_cast %reduce_sum3A_214 : vector<128xf32> to vector<1x128xf32>
    %add3A_216 = arith.addf %add3A_186, %broadcast_in_dim3A_215 : vector<1x128xf32>
    %mul3A_217 = arith.mulf %max3A_211, %max3A_211 : vector<256x128xf32>
    %reduce_sum3A_218 = arith.constant dense<0.000000e+00> : vector<128xf32>
    %reduce_sum3A_219 = vector.multi_reduction <add>, %mul3A_217, %reduce_sum3A_218 [0] : vector<256x128xf32> to vector<128xf32>
    %broadcast_in_dim3A_220 = vector.shape_cast %reduce_sum3A_219 : vector<128xf32> to vector<1x128xf32>
    %add3A_221 = arith.addf %add3A_191, %broadcast_in_dim3A_220 : vector<1x128xf32>
    %get3A_222 = arith.constant 7 : index
    %get3A_223 = arith.constant 0 : index
    %get3A_224 = arith.constant 0 : index
    %get3A_225 = vector.load %arg1[%get3A_222, %get3A_223, %get3A_224] : memref<10x256x64xf32, #tpu.memory_space<vmem>>, vector<1x256x64xf32>
    %get3A_226 = vector.shape_cast %get3A_225 : vector<1x256x64xf32> to vector<256x64xf32>
    %sub3A_227 = vector.broadcast %get3A_7 : vector<1x64xf32> to vector<256x64xf32>
    %sub3A_228 = arith.subf %get3A_226, %sub3A_227 : vector<256x64xf32>
    %mul3A_229 = vector.broadcast %get3A_10 : vector<1x64xf32> to vector<256x64xf32>
    %mul3A_230 = arith.mulf %mul3A_229, %sub3A_228 : vector<256x64xf32>
    %div3A_231 = vector.broadcast %get3A_13 : vector<1x64xf32> to vector<256x64xf32>
    %div3A_232 = arith.divf %mul3A_230, %div3A_231 : vector<256x64xf32>
    %add3A_233 = vector.broadcast %get3A_16 : vector<1x64xf32> to vector<256x64xf32>
    %add3A_234 = arith.addf %div3A_232, %add3A_233 : vector<256x64xf32>
    %dot_general3A_235 = arith.constant dense<0.000000e+00> : vector<256x128xf32>
    %dot_general3A_236 = tpu.matmul %add3A_234, %get3A_1, %dot_general3A_235 {dimension_numbers = #tpu.dot_dimension_numbers<[1], [0], [0], [1], [0, 0, 1, 1], [], []>, transpose_lhs_hint = false} : vector<256x64xf32>, vector<64x128xf32>, vector<256x128xf32> -> vector<256x128xf32>
    %add3A_237 = vector.broadcast %get3A_4 : vector<1x128xf32> to vector<256x128xf32>
    %add3A_238 = arith.addf %dot_general3A_236, %add3A_237 : vector<256x128xf32>
    %max3A_239 = arith.constant 0.000000e+00 : f32
    %max3A_240 = vector.broadcast %max3A_239 : f32 to vector<256x128xf32>
    %max3A_241 = arith.maximumf %add3A_238, %max3A_240 : vector<256x128xf32>
    %max3A_242 = arith.maximumf %max3A_212, %max3A_241 : vector<256x128xf32>
    %reduce_sum3A_243 = arith.constant dense<0.000000e+00> : vector<128xf32>
    %reduce_sum3A_244 = vector.multi_reduction <add>, %max3A_241, %reduce_sum3A_243 [0] : vector<256x128xf32> to vector<128xf32>
    %broadcast_in_dim3A_245 = vector.shape_cast %reduce_sum3A_244 : vector<128xf32> to vector<1x128xf32>
    %add3A_246 = arith.addf %add3A_216, %broadcast_in_dim3A_245 : vector<1x128xf32>
    %mul3A_247 = arith.mulf %max3A_241, %max3A_241 : vector<256x128xf32>
    %reduce_sum3A_248 = arith.constant dense<0.000000e+00> : vector<128xf32>
    %reduce_sum3A_249 = vector.multi_reduction <add>, %mul3A_247, %reduce_sum3A_248 [0] : vector<256x128xf32> to vector<128xf32>
    %broadcast_in_dim3A_250 = vector.shape_cast %reduce_sum3A_249 : vector<128xf32> to vector<1x128xf32>
    %add3A_251 = arith.addf %add3A_221, %broadcast_in_dim3A_250 : vector<1x128xf32>
    %get3A_252 = arith.constant 8 : index
    %get3A_253 = arith.constant 0 : index
    %get3A_254 = arith.constant 0 : index
    %get3A_255 = vector.load %arg1[%get3A_252, %get3A_253, %get3A_254] : memref<10x256x64xf32, #tpu.memory_space<vmem>>, vector<1x256x64xf32>
    %get3A_256 = vector.shape_cast %get3A_255 : vector<1x256x64xf32> to vector<256x64xf32>
    %sub3A_257 = vector.broadcast %get3A_7 : vector<1x64xf32> to vector<256x64xf32>
    %sub3A_258 = arith.subf %get3A_256, %sub3A_257 : vector<256x64xf32>
    %mul3A_259 = vector.broadcast %get3A_10 : vector<1x64xf32> to vector<256x64xf32>
    %mul3A_260 = arith.mulf %mul3A_259, %sub3A_258 : vector<256x64xf32>
    %div3A_261 = vector.broadcast %get3A_13 : vector<1x64xf32> to vector<256x64xf32>
    %div3A_262 = arith.divf %mul3A_260, %div3A_261 : vector<256x64xf32>
    %add3A_263 = vector.broadcast %get3A_16 : vector<1x64xf32> to vector<256x64xf32>
    %add3A_264 = arith.addf %div3A_262, %add3A_263 : vector<256x64xf32>
    %dot_general3A_265 = arith.constant dense<0.000000e+00> : vector<256x128xf32>
    %dot_general3A_266 = tpu.matmul %add3A_264, %get3A_1, %dot_general3A_265 {dimension_numbers = #tpu.dot_dimension_numbers<[1], [0], [0], [1], [0, 0, 1, 1], [], []>, transpose_lhs_hint = false} : vector<256x64xf32>, vector<64x128xf32>, vector<256x128xf32> -> vector<256x128xf32>
    %add3A_267 = vector.broadcast %get3A_4 : vector<1x128xf32> to vector<256x128xf32>
    %add3A_268 = arith.addf %dot_general3A_266, %add3A_267 : vector<256x128xf32>
    %max3A_269 = arith.constant 0.000000e+00 : f32
    %max3A_270 = vector.broadcast %max3A_269 : f32 to vector<256x128xf32>
    %max3A_271 = arith.maximumf %add3A_268, %max3A_270 : vector<256x128xf32>
    %max3A_272 = arith.maximumf %max3A_242, %max3A_271 : vector<256x128xf32>
    %reduce_sum3A_273 = arith.constant dense<0.000000e+00> : vector<128xf32>
    %reduce_sum3A_274 = vector.multi_reduction <add>, %max3A_271, %reduce_sum3A_273 [0] : vector<256x128xf32> to vector<128xf32>
    %broadcast_in_dim3A_275 = vector.shape_cast %reduce_sum3A_274 : vector<128xf32> to vector<1x128xf32>
    %add3A_276 = arith.addf %add3A_246, %broadcast_in_dim3A_275 : vector<1x128xf32>
    %mul3A_277 = arith.mulf %max3A_271, %max3A_271 : vector<256x128xf32>
    %reduce_sum3A_278 = arith.constant dense<0.000000e+00> : vector<128xf32>
    %reduce_sum3A_279 = vector.multi_reduction <add>, %mul3A_277, %reduce_sum3A_278 [0] : vector<256x128xf32> to vector<128xf32>
    %broadcast_in_dim3A_280 = vector.shape_cast %reduce_sum3A_279 : vector<128xf32> to vector<1x128xf32>
    %add3A_281 = arith.addf %add3A_251, %broadcast_in_dim3A_280 : vector<1x128xf32>
    %get3A_282 = arith.constant 9 : index
    %get3A_283 = arith.constant 0 : index
    %get3A_284 = arith.constant 0 : index
    %get3A_285 = vector.load %arg1[%get3A_282, %get3A_283, %get3A_284] : memref<10x256x64xf32, #tpu.memory_space<vmem>>, vector<1x256x64xf32>
    %get3A_286 = vector.shape_cast %get3A_285 : vector<1x256x64xf32> to vector<256x64xf32>
    %sub3A_287 = vector.broadcast %get3A_7 : vector<1x64xf32> to vector<256x64xf32>
    %sub3A_288 = arith.subf %get3A_286, %sub3A_287 : vector<256x64xf32>
    %mul3A_289 = vector.broadcast %get3A_10 : vector<1x64xf32> to vector<256x64xf32>
    %mul3A_290 = arith.mulf %mul3A_289, %sub3A_288 : vector<256x64xf32>
    %div3A_291 = vector.broadcast %get3A_13 : vector<1x64xf32> to vector<256x64xf32>
    %div3A_292 = arith.divf %mul3A_290, %div3A_291 : vector<256x64xf32>
    %add3A_293 = vector.broadcast %get3A_16 : vector<1x64xf32> to vector<256x64xf32>
    %add3A_294 = arith.addf %div3A_292, %add3A_293 : vector<256x64xf32>
    %dot_general3A_295 = arith.constant dense<0.000000e+00> : vector<256x128xf32>
    %dot_general3A_296 = tpu.matmul %add3A_294, %get3A_1, %dot_general3A_295 {dimension_numbers = #tpu.dot_dimension_numbers<[1], [0], [0], [1], [0, 0, 1, 1], [], []>, transpose_lhs_hint = false} : vector<256x64xf32>, vector<64x128xf32>, vector<256x128xf32> -> vector<256x128xf32>
    %add3A_297 = vector.broadcast %get3A_4 : vector<1x128xf32> to vector<256x128xf32>
    %add3A_298 = arith.addf %dot_general3A_296, %add3A_297 : vector<256x128xf32>
    %max3A_299 = arith.constant 0.000000e+00 : f32
    %max3A_300 = vector.broadcast %max3A_299 : f32 to vector<256x128xf32>
    %max3A_301 = arith.maximumf %add3A_298, %max3A_300 : vector<256x128xf32>
    %max3A_302 = arith.maximumf %max3A_272, %max3A_301 : vector<256x128xf32>
    %reduce_sum3A_303 = arith.constant dense<0.000000e+00> : vector<128xf32>
    %reduce_sum3A_304 = vector.multi_reduction <add>, %max3A_301, %reduce_sum3A_303 [0] : vector<256x128xf32> to vector<128xf32>
    %broadcast_in_dim3A_305 = vector.shape_cast %reduce_sum3A_304 : vector<128xf32> to vector<1x128xf32>
    %add3A_306 = arith.addf %add3A_276, %broadcast_in_dim3A_305 : vector<1x128xf32>
    %mul3A_307 = arith.mulf %max3A_301, %max3A_301 : vector<256x128xf32>
    %reduce_sum3A_308 = arith.constant dense<0.000000e+00> : vector<128xf32>
    %reduce_sum3A_309 = vector.multi_reduction <add>, %mul3A_307, %reduce_sum3A_308 [0] : vector<256x128xf32> to vector<128xf32>
    %broadcast_in_dim3A_310 = vector.shape_cast %reduce_sum3A_309 : vector<128xf32> to vector<1x128xf32>
    %add3A_311 = arith.addf %add3A_281, %broadcast_in_dim3A_310 : vector<1x128xf32>
    %swap3A = arith.constant 0 : index
    %swap3A_312 = arith.constant 0 : index
    %swap3A_313 = vector.load %arg8[%swap3A, %swap3A_312] : memref<256x128xf32, #tpu.memory_space<vmem>>, vector<256x128xf32>
    tpu.vector_store %arg8[%swap3A, %swap3A_312], %max3A_302 {strides = array<i32>} : memref<256x128xf32, #tpu.memory_space<vmem>>, vector<256x128xf32>,
    %eq3A = arith.constant 0 : i32
    %eq3A_314 = arith.cmpi eq, %arg0, %eq3A : i32
    %convert_element_type3A = arith.extui %eq3A_314 : i1 to i32
    %cond3A = arith.constant 0 : i32
    %cond3A_315 = arith.cmpi ne, %convert_element_type3A, %cond3A : i32
    scf.if %cond3A_315 {
      %broadcast_in_dim3A_330 = arith.constant 0.000000e+00 : f32
      %broadcast_in_dim3A_331 = vector.broadcast %broadcast_in_dim3A_330 : f32 to vector<8x128xf32>
      %swap3A_332 = arith.constant 0 : index
      %swap3A_333 = arith.constant 0 : index
      %swap3A_334 = vector.load %arg9[%swap3A_332, %swap3A_333] : memref<8x128xf32, #tpu.memory_space<vmem>>, vector<8x128xf32>
      tpu.vector_store %arg9[%swap3A_332, %swap3A_333], %broadcast_in_dim3A_331 {strides = array<i32>} : memref<8x128xf32, #tpu.memory_space<vmem>>, vector<8x128xf32>,
    } else {
    }
    %get3A_316 = arith.constant 0 : index
    %get3A_317 = arith.constant 0 : index
    %get3A_318 = vector.load %arg9[%get3A_316, %get3A_317] : memref<8x128xf32, #tpu.memory_space<vmem>>, vector<1x128xf32>
    %add3A_319 = arith.addf %get3A_318, %add3A_306 : vector<1x128xf32>
    %swap3A_320 = arith.constant 0 : index
    %swap3A_321 = arith.constant 0 : index
    %swap3A_322 = vector.load %arg9[%swap3A_320, %swap3A_321] : memref<8x128xf32, #tpu.memory_space<vmem>>, vector<1x128xf32>
    tpu.vector_store %arg9[%swap3A_320, %swap3A_321], %add3A_319 {strides = array<i32>} : memref<8x128xf32, #tpu.memory_space<vmem>>, vector<1x128xf32>,
    %get3A_323 = arith.constant 1 : index
    %get3A_324 = arith.constant 0 : index
    %get3A_325 = vector.load %arg9[%get3A_323, %get3A_324] : memref<8x128xf32, #tpu.memory_space<vmem>>, vector<1x128xf32>
    %add3A_326 = arith.addf %get3A_325, %add3A_311 : vector<1x128xf32>
    %swap3A_327 = arith.constant 1 : index
    %swap3A_328 = arith.constant 0 : index
    %swap3A_329 = vector.load %arg9[%swap3A_327, %swap3A_328] : memref<8x128xf32, #tpu.memory_space<vmem>>, vector<1x128xf32>
    tpu.vector_store %arg9[%swap3A_327, %swap3A_328], %add3A_326 {strides = array<i32>} : memref<8x128xf32, #tpu.memory_space<vmem>>, vector<1x128xf32>,
    return
  }
  func.func @transform_0(%arg0: i32) -> (i32, i32, i32) {
    %c0_i32 = arith.constant 0 : i32
    %c0_i32_0 = arith.constant 0 : i32
    %c0_i32_1 = arith.constant 0 : i32
    return %c0_i32, %arg0, %c0_i32_0 : i32, i32, i32
  }
  func.func @transform_1(%arg0: i32) -> (i32, i32) {
    %c0_i32 = arith.constant 0 : i32
    %c0_i32_0 = arith.constant 0 : i32
    %c0_i32_1 = arith.constant 0 : i32
    return %c0_i32, %c0_i32_0 : i32, i32
  }
  func.func @transform_2(%arg0: i32) -> (i32, i32) {
    %c0_i32 = arith.constant 0 : i32
    %c0_i32_0 = arith.constant 0 : i32
    %c0_i32_1 = arith.constant 0 : i32
    return %c0_i32, %c0_i32_0 : i32, i32
  }
  func.func @transform_3(%arg0: i32) -> (i32, i32) {
    %c0_i32 = arith.constant 0 : i32
    %c0_i32_0 = arith.constant 0 : i32
    %c0_i32_1 = arith.constant 0 : i32
    return %c0_i32, %c0_i32_0 : i32, i32
  }
  func.func @transform_4(%arg0: i32) -> (i32, i32) {
    %c0_i32 = arith.constant 0 : i32
    %c0_i32_0 = arith.constant 0 : i32
    %c0_i32_1 = arith.constant 0 : i32
    return %c0_i32, %c0_i32_0 : i32, i32
  }
  func.func @transform_5(%arg0: i32) -> (i32, i32) {
    %c0_i32 = arith.constant 0 : i32
    %c0_i32_0 = arith.constant 0 : i32
    %c0_i32_1 = arith.constant 0 : i32
    return %c0_i32, %c0_i32_0 : i32, i32
  }
  func.func @transform_6(%arg0: i32) -> (i32, i32) {
    %c0_i32 = arith.constant 0 : i32
    %c0_i32_0 = arith.constant 0 : i32
    %c0_i32_1 = arith.constant 0 : i32
    return %c0_i32, %c0_i32_0 : i32, i32
  }
  func.func @transform_7(%arg0: i32) -> (i32, i32) {
    %c0_i32 = arith.constant 0 : i32
    %c0_i32_0 = arith.constant 0 : i32
    return %arg0, %c0_i32 : i32, i32
  }
  func.func @transform_8(%arg0: i32) -> (i32, i32) {
    %c0_i32 = arith.constant 0 : i32
    %c0_i32_0 = arith.constant 0 : i32
    %c0_i32_1 = arith.constant 0 : i32
    return %c0_i32, %c0_i32_0 : i32, i32
  }
}

module attributes {stable_mosaic.version = 14 : i64} {
  func.func @_l1pool_body(%arg0: i32, %arg1: memref<256x192xf32, #tpu.memory_space<vmem>>, %arg2: memref<256x8xf32, #tpu.memory_space<vmem>>, %arg3: memref<192x1024xf32, #tpu.memory_space<vmem>>, %arg4: memref<8x1024xf32, #tpu.memory_space<vmem>>, %arg5: memref<8x1024xf32, #tpu.memory_space<vmem>>, %arg6: memref<8x1024xf32, #tpu.memory_space<vmem>>) attributes {dimension_semantics = [#tpu.dimension_semantics<arbitrary>], iteration_bounds = array<i64: 32>, scalar_prefetch = 0 : i64, scratch_operands = 0 : i64, tpu.core_type = #tpu.core_type<tc>, window_params = [{transform_indices = @transform_0, window_bounds = array<i64: 256, 192>}, {transform_indices = @transform_1, window_bounds = array<i64: 256, 8>}, {pipeline_mode = #tpu.pipeline_mode<synchronous>, transform_indices = @transform_2, window_bounds = array<i64: 192, 1024>}, {pipeline_mode = #tpu.pipeline_mode<synchronous>, transform_indices = @transform_3, window_bounds = array<i64: 8, 1024>}, {pipeline_mode = #tpu.pipeline_mode<synchronous>, transform_indices = @transform_4, window_bounds = array<i64: 8, 1024>}, {pipeline_mode = #tpu.pipeline_mode<synchronous>, transform_indices = @transform_5, window_bounds = array<i64: 8, 1024>}]} {
    %get3A = arith.constant 0 : index
    %get3A_0 = arith.constant 0 : index
    %get3A_1 = vector.load %arg1[%get3A, %get3A_0] : memref<256x192xf32, #tpu.memory_space<vmem>>, vector<256x192xf32>
    %get3A_2 = arith.constant 0 : index
    %get3A_3 = arith.constant 0 : index
    %get3A_4 = vector.load %arg3[%get3A_2, %get3A_3] : memref<192x1024xf32, #tpu.memory_space<vmem>>, vector<192x1024xf32>
    %dot_general3A = arith.constant dense<0.000000e+00> : vector<256x1024xf32>
    %dot_general3A_5 = tpu.matmul %get3A_1, %get3A_4, %dot_general3A {dimension_numbers = #tpu.dot_dimension_numbers<[1], [0], [0], [1], [0, 0, 1, 1], [], []>, transpose_lhs_hint = false} : vector<256x192xf32>, vector<192x1024xf32>, vector<256x1024xf32> -> vector<256x1024xf32>
    %get3A_6 = arith.constant 0 : index
    %get3A_7 = arith.constant 0 : index
    %get3A_8 = vector.load %arg4[%get3A_6, %get3A_7] : memref<8x1024xf32, #tpu.memory_space<vmem>>, vector<1x1024xf32>
    %add3A = vector.broadcast %get3A_8 : vector<1x1024xf32> to vector<256x1024xf32>
    %add3A_9 = arith.addf %dot_general3A_5, %add3A : vector<256x1024xf32>
    %max3A = arith.constant 0.000000e+00 : f32
    %max3A_10 = vector.broadcast %max3A : f32 to vector<256x1024xf32>
    %max3A_11 = arith.maximumf %add3A_9, %max3A_10 : vector<256x1024xf32>
    %eq3A = arith.constant 0 : i32
    %eq3A_12 = arith.cmpi eq, %arg0, %eq3A : i32
    %convert_element_type3A = arith.extui %eq3A_12 : i1 to i32
    %cond3A = arith.constant 0 : i32
    %cond3A_13 = arith.cmpi ne, %convert_element_type3A, %cond3A : i32
    scf.if %cond3A_13 {
      %broadcast_in_dim3A_200 = arith.constant -3.000000e+38 : f32
      %broadcast_in_dim3A_201 = vector.broadcast %broadcast_in_dim3A_200 : f32 to vector<8x1024xf32>
      %swap3A_202 = arith.constant 0 : index
      %swap3A_203 = arith.constant 0 : index
      %swap3A_204 = vector.load %arg5[%swap3A_202, %swap3A_203] : memref<8x1024xf32, #tpu.memory_space<vmem>>, vector<8x1024xf32>
      tpu.vector_store %arg5[%swap3A_202, %swap3A_203], %broadcast_in_dim3A_201 {strides = array<i32>} : memref<8x1024xf32, #tpu.memory_space<vmem>>, vector<8x1024xf32>,
    } else {
    }
    %reduce_sum3A = arith.constant dense<0.000000e+00> : vector<1024xf32>
    %reduce_sum3A_14 = vector.multi_reduction <add>, %max3A_11, %reduce_sum3A [0] : vector<256x1024xf32> to vector<1024xf32>
    %broadcast_in_dim3A = vector.shape_cast %reduce_sum3A_14 : vector<1024xf32> to vector<1x1024xf32>
    %mul3A = arith.mulf %max3A_11, %max3A_11 : vector<256x1024xf32>
    %reduce_sum3A_15 = arith.constant dense<0.000000e+00> : vector<1024xf32>
    %reduce_sum3A_16 = vector.multi_reduction <add>, %mul3A, %reduce_sum3A_15 [0] : vector<256x1024xf32> to vector<1024xf32>
    %broadcast_in_dim3A_17 = vector.shape_cast %reduce_sum3A_16 : vector<1024xf32> to vector<1x1024xf32>
    %eq3A_18 = arith.constant 0 : i32
    %eq3A_19 = arith.cmpi eq, %arg0, %eq3A_18 : i32
    %convert_element_type3A_20 = arith.extui %eq3A_19 : i1 to i32
    %cond3A_21 = arith.constant 0 : i32
    %cond3A_22 = arith.cmpi ne, %convert_element_type3A_20, %cond3A_21 : i32
    scf.if %cond3A_22 {
      %broadcast_in_dim3A_200 = arith.constant 0.000000e+00 : f32
      %broadcast_in_dim3A_201 = vector.broadcast %broadcast_in_dim3A_200 : f32 to vector<8x1024xf32>
      %swap3A_202 = arith.constant 0 : index
      %swap3A_203 = arith.constant 0 : index
      %swap3A_204 = vector.load %arg6[%swap3A_202, %swap3A_203] : memref<8x1024xf32, #tpu.memory_space<vmem>>, vector<8x1024xf32>
      tpu.vector_store %arg6[%swap3A_202, %swap3A_203], %broadcast_in_dim3A_201 {strides = array<i32>} : memref<8x1024xf32, #tpu.memory_space<vmem>>, vector<8x1024xf32>,
    } else {
    }
    %get3A_23 = arith.constant 0 : index
    %get3A_24 = arith.constant 0 : index
    %get3A_25 = vector.load %arg6[%get3A_23, %get3A_24] : memref<8x1024xf32, #tpu.memory_space<vmem>>, vector<1x1024xf32>
    %add3A_26 = arith.addf %get3A_25, %broadcast_in_dim3A : vector<1x1024xf32>
    %swap3A = arith.constant 0 : index
    %swap3A_27 = arith.constant 0 : index
    %swap3A_28 = vector.load %arg6[%swap3A, %swap3A_27] : memref<8x1024xf32, #tpu.memory_space<vmem>>, vector<1x1024xf32>
    tpu.vector_store %arg6[%swap3A, %swap3A_27], %add3A_26 {strides = array<i32>} : memref<8x1024xf32, #tpu.memory_space<vmem>>, vector<1x1024xf32>,
    %get3A_29 = arith.constant 1 : index
    %get3A_30 = arith.constant 0 : index
    %get3A_31 = vector.load %arg6[%get3A_29, %get3A_30] : memref<8x1024xf32, #tpu.memory_space<vmem>>, vector<1x1024xf32>
    %add3A_32 = arith.addf %get3A_31, %broadcast_in_dim3A_17 : vector<1x1024xf32>
    %swap3A_33 = arith.constant 1 : index
    %swap3A_34 = arith.constant 0 : index
    %swap3A_35 = vector.load %arg6[%swap3A_33, %swap3A_34] : memref<8x1024xf32, #tpu.memory_space<vmem>>, vector<1x1024xf32>
    tpu.vector_store %arg6[%swap3A_33, %swap3A_34], %add3A_32 {strides = array<i32>} : memref<8x1024xf32, #tpu.memory_space<vmem>>, vector<1x1024xf32>,
    %get3A_36 = arith.constant 0 : index
    %get3A_37 = arith.constant 0 : index
    %get3A_38 = vector.load %arg2[%get3A_36, %get3A_37] : memref<256x8xf32, #tpu.memory_space<vmem>>, vector<256x1xf32>
    %gt3A = arith.constant 5.000000e-01 : f32
    %gt3A_39 = vector.broadcast %gt3A : f32 to vector<256x1xf32>
    %gt3A_40 = arith.cmpf ogt, %get3A_38, %gt3A_39 : vector<256x1xf32>
    %jit3A = arith.constant -3.000000e+38 : f32
    %broadcast_in_dim3A_41 = vector.shape_cast %gt3A_40 : vector<256x1xi1> to vector<256x1xi1>
    %broadcast_in_dim3A_42 = vector.broadcast %broadcast_in_dim3A_41 : vector<256x1xi1> to vector<256x1024xi1>
    %broadcast_in_dim3A_43 = vector.broadcast %jit3A : f32 to vector<256x1024xf32>
    %select_n3A = arith.select %broadcast_in_dim3A_42, %max3A_11, %broadcast_in_dim3A_43 : vector<256x1024xi1>, vector<256x1024xf32>
    %reduce_max3A = arith.constant dense<0xFF800000> : vector<1024xf32>
    %reduce_max3A_44 = vector.multi_reduction <maximumf>, %select_n3A, %reduce_max3A [0] : vector<256x1024xf32> to vector<1024xf32>
    %broadcast_in_dim3A_45 = vector.shape_cast %reduce_max3A_44 : vector<1024xf32> to vector<1x1024xf32>
    %get3A_46 = arith.constant 0 : index
    %get3A_47 = arith.constant 0 : index
    %get3A_48 = vector.load %arg5[%get3A_46, %get3A_47] : memref<8x1024xf32, #tpu.memory_space<vmem>>, vector<1x1024xf32>
    %max3A_49 = arith.maximumf %get3A_48, %broadcast_in_dim3A_45 : vector<1x1024xf32>
    %swap3A_50 = arith.constant 0 : index
    %swap3A_51 = arith.constant 0 : index
    %swap3A_52 = vector.load %arg5[%swap3A_50, %swap3A_51] : memref<8x1024xf32, #tpu.memory_space<vmem>>, vector<1x1024xf32>
    tpu.vector_store %arg5[%swap3A_50, %swap3A_51], %max3A_49 {strides = array<i32>} : memref<8x1024xf32, #tpu.memory_space<vmem>>, vector<1x1024xf32>,
    %get3A_53 = arith.constant 0 : index
    %get3A_54 = arith.constant 1 : index
    %get3A_55 = vector.load %arg2[%get3A_53, %get3A_54] : memref<256x8xf32, #tpu.memory_space<vmem>>, vector<256x1xf32>
    %gt3A_56 = arith.constant 5.000000e-01 : f32
    %gt3A_57 = vector.broadcast %gt3A_56 : f32 to vector<256x1xf32>
    %gt3A_58 = arith.cmpf ogt, %get3A_55, %gt3A_57 : vector<256x1xf32>
    %jit3A_59 = arith.constant -3.000000e+38 : f32
    %broadcast_in_dim3A_60 = vector.shape_cast %gt3A_58 : vector<256x1xi1> to vector<256x1xi1>
    %broadcast_in_dim3A_61 = vector.broadcast %broadcast_in_dim3A_60 : vector<256x1xi1> to vector<256x1024xi1>
    %broadcast_in_dim3A_62 = vector.broadcast %jit3A_59 : f32 to vector<256x1024xf32>
    %select_n3A_63 = arith.select %broadcast_in_dim3A_61, %max3A_11, %broadcast_in_dim3A_62 : vector<256x1024xi1>, vector<256x1024xf32>
    %reduce_max3A_64 = arith.constant dense<0xFF800000> : vector<1024xf32>
    %reduce_max3A_65 = vector.multi_reduction <maximumf>, %select_n3A_63, %reduce_max3A_64 [0] : vector<256x1024xf32> to vector<1024xf32>
    %broadcast_in_dim3A_66 = vector.shape_cast %reduce_max3A_65 : vector<1024xf32> to vector<1x1024xf32>
    %get3A_67 = arith.constant 1 : index
    %get3A_68 = arith.constant 0 : index
    %get3A_69 = vector.load %arg5[%get3A_67, %get3A_68] : memref<8x1024xf32, #tpu.memory_space<vmem>>, vector<1x1024xf32>
    %max3A_70 = arith.maximumf %get3A_69, %broadcast_in_dim3A_66 : vector<1x1024xf32>
    %swap3A_71 = arith.constant 1 : index
    %swap3A_72 = arith.constant 0 : index
    %swap3A_73 = vector.load %arg5[%swap3A_71, %swap3A_72] : memref<8x1024xf32, #tpu.memory_space<vmem>>, vector<1x1024xf32>
    tpu.vector_store %arg5[%swap3A_71, %swap3A_72], %max3A_70 {strides = array<i32>} : memref<8x1024xf32, #tpu.memory_space<vmem>>, vector<1x1024xf32>,
    %get3A_74 = arith.constant 0 : index
    %get3A_75 = arith.constant 2 : index
    %get3A_76 = vector.load %arg2[%get3A_74, %get3A_75] : memref<256x8xf32, #tpu.memory_space<vmem>>, vector<256x1xf32>
    %gt3A_77 = arith.constant 5.000000e-01 : f32
    %gt3A_78 = vector.broadcast %gt3A_77 : f32 to vector<256x1xf32>
    %gt3A_79 = arith.cmpf ogt, %get3A_76, %gt3A_78 : vector<256x1xf32>
    %jit3A_80 = arith.constant -3.000000e+38 : f32
    %broadcast_in_dim3A_81 = vector.shape_cast %gt3A_79 : vector<256x1xi1> to vector<256x1xi1>
    %broadcast_in_dim3A_82 = vector.broadcast %broadcast_in_dim3A_81 : vector<256x1xi1> to vector<256x1024xi1>
    %broadcast_in_dim3A_83 = vector.broadcast %jit3A_80 : f32 to vector<256x1024xf32>
    %select_n3A_84 = arith.select %broadcast_in_dim3A_82, %max3A_11, %broadcast_in_dim3A_83 : vector<256x1024xi1>, vector<256x1024xf32>
    %reduce_max3A_85 = arith.constant dense<0xFF800000> : vector<1024xf32>
    %reduce_max3A_86 = vector.multi_reduction <maximumf>, %select_n3A_84, %reduce_max3A_85 [0] : vector<256x1024xf32> to vector<1024xf32>
    %broadcast_in_dim3A_87 = vector.shape_cast %reduce_max3A_86 : vector<1024xf32> to vector<1x1024xf32>
    %get3A_88 = arith.constant 2 : index
    %get3A_89 = arith.constant 0 : index
    %get3A_90 = vector.load %arg5[%get3A_88, %get3A_89] : memref<8x1024xf32, #tpu.memory_space<vmem>>, vector<1x1024xf32>
    %max3A_91 = arith.maximumf %get3A_90, %broadcast_in_dim3A_87 : vector<1x1024xf32>
    %swap3A_92 = arith.constant 2 : index
    %swap3A_93 = arith.constant 0 : index
    %swap3A_94 = vector.load %arg5[%swap3A_92, %swap3A_93] : memref<8x1024xf32, #tpu.memory_space<vmem>>, vector<1x1024xf32>
    tpu.vector_store %arg5[%swap3A_92, %swap3A_93], %max3A_91 {strides = array<i32>} : memref<8x1024xf32, #tpu.memory_space<vmem>>, vector<1x1024xf32>,
    %get3A_95 = arith.constant 0 : index
    %get3A_96 = arith.constant 3 : index
    %get3A_97 = vector.load %arg2[%get3A_95, %get3A_96] : memref<256x8xf32, #tpu.memory_space<vmem>>, vector<256x1xf32>
    %gt3A_98 = arith.constant 5.000000e-01 : f32
    %gt3A_99 = vector.broadcast %gt3A_98 : f32 to vector<256x1xf32>
    %gt3A_100 = arith.cmpf ogt, %get3A_97, %gt3A_99 : vector<256x1xf32>
    %jit3A_101 = arith.constant -3.000000e+38 : f32
    %broadcast_in_dim3A_102 = vector.shape_cast %gt3A_100 : vector<256x1xi1> to vector<256x1xi1>
    %broadcast_in_dim3A_103 = vector.broadcast %broadcast_in_dim3A_102 : vector<256x1xi1> to vector<256x1024xi1>
    %broadcast_in_dim3A_104 = vector.broadcast %jit3A_101 : f32 to vector<256x1024xf32>
    %select_n3A_105 = arith.select %broadcast_in_dim3A_103, %max3A_11, %broadcast_in_dim3A_104 : vector<256x1024xi1>, vector<256x1024xf32>
    %reduce_max3A_106 = arith.constant dense<0xFF800000> : vector<1024xf32>
    %reduce_max3A_107 = vector.multi_reduction <maximumf>, %select_n3A_105, %reduce_max3A_106 [0] : vector<256x1024xf32> to vector<1024xf32>
    %broadcast_in_dim3A_108 = vector.shape_cast %reduce_max3A_107 : vector<1024xf32> to vector<1x1024xf32>
    %get3A_109 = arith.constant 3 : index
    %get3A_110 = arith.constant 0 : index
    %get3A_111 = vector.load %arg5[%get3A_109, %get3A_110] : memref<8x1024xf32, #tpu.memory_space<vmem>>, vector<1x1024xf32>
    %max3A_112 = arith.maximumf %get3A_111, %broadcast_in_dim3A_108 : vector<1x1024xf32>
    %swap3A_113 = arith.constant 3 : index
    %swap3A_114 = arith.constant 0 : index
    %swap3A_115 = vector.load %arg5[%swap3A_113, %swap3A_114] : memref<8x1024xf32, #tpu.memory_space<vmem>>, vector<1x1024xf32>
    tpu.vector_store %arg5[%swap3A_113, %swap3A_114], %max3A_112 {strides = array<i32>} : memref<8x1024xf32, #tpu.memory_space<vmem>>, vector<1x1024xf32>,
    %get3A_116 = arith.constant 0 : index
    %get3A_117 = arith.constant 4 : index
    %get3A_118 = vector.load %arg2[%get3A_116, %get3A_117] : memref<256x8xf32, #tpu.memory_space<vmem>>, vector<256x1xf32>
    %gt3A_119 = arith.constant 5.000000e-01 : f32
    %gt3A_120 = vector.broadcast %gt3A_119 : f32 to vector<256x1xf32>
    %gt3A_121 = arith.cmpf ogt, %get3A_118, %gt3A_120 : vector<256x1xf32>
    %jit3A_122 = arith.constant -3.000000e+38 : f32
    %broadcast_in_dim3A_123 = vector.shape_cast %gt3A_121 : vector<256x1xi1> to vector<256x1xi1>
    %broadcast_in_dim3A_124 = vector.broadcast %broadcast_in_dim3A_123 : vector<256x1xi1> to vector<256x1024xi1>
    %broadcast_in_dim3A_125 = vector.broadcast %jit3A_122 : f32 to vector<256x1024xf32>
    %select_n3A_126 = arith.select %broadcast_in_dim3A_124, %max3A_11, %broadcast_in_dim3A_125 : vector<256x1024xi1>, vector<256x1024xf32>
    %reduce_max3A_127 = arith.constant dense<0xFF800000> : vector<1024xf32>
    %reduce_max3A_128 = vector.multi_reduction <maximumf>, %select_n3A_126, %reduce_max3A_127 [0] : vector<256x1024xf32> to vector<1024xf32>
    %broadcast_in_dim3A_129 = vector.shape_cast %reduce_max3A_128 : vector<1024xf32> to vector<1x1024xf32>
    %get3A_130 = arith.constant 4 : index
    %get3A_131 = arith.constant 0 : index
    %get3A_132 = vector.load %arg5[%get3A_130, %get3A_131] : memref<8x1024xf32, #tpu.memory_space<vmem>>, vector<1x1024xf32>
    %max3A_133 = arith.maximumf %get3A_132, %broadcast_in_dim3A_129 : vector<1x1024xf32>
    %swap3A_134 = arith.constant 4 : index
    %swap3A_135 = arith.constant 0 : index
    %swap3A_136 = vector.load %arg5[%swap3A_134, %swap3A_135] : memref<8x1024xf32, #tpu.memory_space<vmem>>, vector<1x1024xf32>
    tpu.vector_store %arg5[%swap3A_134, %swap3A_135], %max3A_133 {strides = array<i32>} : memref<8x1024xf32, #tpu.memory_space<vmem>>, vector<1x1024xf32>,
    %get3A_137 = arith.constant 0 : index
    %get3A_138 = arith.constant 5 : index
    %get3A_139 = vector.load %arg2[%get3A_137, %get3A_138] : memref<256x8xf32, #tpu.memory_space<vmem>>, vector<256x1xf32>
    %gt3A_140 = arith.constant 5.000000e-01 : f32
    %gt3A_141 = vector.broadcast %gt3A_140 : f32 to vector<256x1xf32>
    %gt3A_142 = arith.cmpf ogt, %get3A_139, %gt3A_141 : vector<256x1xf32>
    %jit3A_143 = arith.constant -3.000000e+38 : f32
    %broadcast_in_dim3A_144 = vector.shape_cast %gt3A_142 : vector<256x1xi1> to vector<256x1xi1>
    %broadcast_in_dim3A_145 = vector.broadcast %broadcast_in_dim3A_144 : vector<256x1xi1> to vector<256x1024xi1>
    %broadcast_in_dim3A_146 = vector.broadcast %jit3A_143 : f32 to vector<256x1024xf32>
    %select_n3A_147 = arith.select %broadcast_in_dim3A_145, %max3A_11, %broadcast_in_dim3A_146 : vector<256x1024xi1>, vector<256x1024xf32>
    %reduce_max3A_148 = arith.constant dense<0xFF800000> : vector<1024xf32>
    %reduce_max3A_149 = vector.multi_reduction <maximumf>, %select_n3A_147, %reduce_max3A_148 [0] : vector<256x1024xf32> to vector<1024xf32>
    %broadcast_in_dim3A_150 = vector.shape_cast %reduce_max3A_149 : vector<1024xf32> to vector<1x1024xf32>
    %get3A_151 = arith.constant 5 : index
    %get3A_152 = arith.constant 0 : index
    %get3A_153 = vector.load %arg5[%get3A_151, %get3A_152] : memref<8x1024xf32, #tpu.memory_space<vmem>>, vector<1x1024xf32>
    %max3A_154 = arith.maximumf %get3A_153, %broadcast_in_dim3A_150 : vector<1x1024xf32>
    %swap3A_155 = arith.constant 5 : index
    %swap3A_156 = arith.constant 0 : index
    %swap3A_157 = vector.load %arg5[%swap3A_155, %swap3A_156] : memref<8x1024xf32, #tpu.memory_space<vmem>>, vector<1x1024xf32>
    tpu.vector_store %arg5[%swap3A_155, %swap3A_156], %max3A_154 {strides = array<i32>} : memref<8x1024xf32, #tpu.memory_space<vmem>>, vector<1x1024xf32>,
    %get3A_158 = arith.constant 0 : index
    %get3A_159 = arith.constant 6 : index
    %get3A_160 = vector.load %arg2[%get3A_158, %get3A_159] : memref<256x8xf32, #tpu.memory_space<vmem>>, vector<256x1xf32>
    %gt3A_161 = arith.constant 5.000000e-01 : f32
    %gt3A_162 = vector.broadcast %gt3A_161 : f32 to vector<256x1xf32>
    %gt3A_163 = arith.cmpf ogt, %get3A_160, %gt3A_162 : vector<256x1xf32>
    %jit3A_164 = arith.constant -3.000000e+38 : f32
    %broadcast_in_dim3A_165 = vector.shape_cast %gt3A_163 : vector<256x1xi1> to vector<256x1xi1>
    %broadcast_in_dim3A_166 = vector.broadcast %broadcast_in_dim3A_165 : vector<256x1xi1> to vector<256x1024xi1>
    %broadcast_in_dim3A_167 = vector.broadcast %jit3A_164 : f32 to vector<256x1024xf32>
    %select_n3A_168 = arith.select %broadcast_in_dim3A_166, %max3A_11, %broadcast_in_dim3A_167 : vector<256x1024xi1>, vector<256x1024xf32>
    %reduce_max3A_169 = arith.constant dense<0xFF800000> : vector<1024xf32>
    %reduce_max3A_170 = vector.multi_reduction <maximumf>, %select_n3A_168, %reduce_max3A_169 [0] : vector<256x1024xf32> to vector<1024xf32>
    %broadcast_in_dim3A_171 = vector.shape_cast %reduce_max3A_170 : vector<1024xf32> to vector<1x1024xf32>
    %get3A_172 = arith.constant 6 : index
    %get3A_173 = arith.constant 0 : index
    %get3A_174 = vector.load %arg5[%get3A_172, %get3A_173] : memref<8x1024xf32, #tpu.memory_space<vmem>>, vector<1x1024xf32>
    %max3A_175 = arith.maximumf %get3A_174, %broadcast_in_dim3A_171 : vector<1x1024xf32>
    %swap3A_176 = arith.constant 6 : index
    %swap3A_177 = arith.constant 0 : index
    %swap3A_178 = vector.load %arg5[%swap3A_176, %swap3A_177] : memref<8x1024xf32, #tpu.memory_space<vmem>>, vector<1x1024xf32>
    tpu.vector_store %arg5[%swap3A_176, %swap3A_177], %max3A_175 {strides = array<i32>} : memref<8x1024xf32, #tpu.memory_space<vmem>>, vector<1x1024xf32>,
    %get3A_179 = arith.constant 0 : index
    %get3A_180 = arith.constant 7 : index
    %get3A_181 = vector.load %arg2[%get3A_179, %get3A_180] : memref<256x8xf32, #tpu.memory_space<vmem>>, vector<256x1xf32>
    %gt3A_182 = arith.constant 5.000000e-01 : f32
    %gt3A_183 = vector.broadcast %gt3A_182 : f32 to vector<256x1xf32>
    %gt3A_184 = arith.cmpf ogt, %get3A_181, %gt3A_183 : vector<256x1xf32>
    %jit3A_185 = arith.constant -3.000000e+38 : f32
    %broadcast_in_dim3A_186 = vector.shape_cast %gt3A_184 : vector<256x1xi1> to vector<256x1xi1>
    %broadcast_in_dim3A_187 = vector.broadcast %broadcast_in_dim3A_186 : vector<256x1xi1> to vector<256x1024xi1>
    %broadcast_in_dim3A_188 = vector.broadcast %jit3A_185 : f32 to vector<256x1024xf32>
    %select_n3A_189 = arith.select %broadcast_in_dim3A_187, %max3A_11, %broadcast_in_dim3A_188 : vector<256x1024xi1>, vector<256x1024xf32>
    %reduce_max3A_190 = arith.constant dense<0xFF800000> : vector<1024xf32>
    %reduce_max3A_191 = vector.multi_reduction <maximumf>, %select_n3A_189, %reduce_max3A_190 [0] : vector<256x1024xf32> to vector<1024xf32>
    %broadcast_in_dim3A_192 = vector.shape_cast %reduce_max3A_191 : vector<1024xf32> to vector<1x1024xf32>
    %get3A_193 = arith.constant 7 : index
    %get3A_194 = arith.constant 0 : index
    %get3A_195 = vector.load %arg5[%get3A_193, %get3A_194] : memref<8x1024xf32, #tpu.memory_space<vmem>>, vector<1x1024xf32>
    %max3A_196 = arith.maximumf %get3A_195, %broadcast_in_dim3A_192 : vector<1x1024xf32>
    %swap3A_197 = arith.constant 7 : index
    %swap3A_198 = arith.constant 0 : index
    %swap3A_199 = vector.load %arg5[%swap3A_197, %swap3A_198] : memref<8x1024xf32, #tpu.memory_space<vmem>>, vector<1x1024xf32>
    tpu.vector_store %arg5[%swap3A_197, %swap3A_198], %max3A_196 {strides = array<i32>} : memref<8x1024xf32, #tpu.memory_space<vmem>>, vector<1x1024xf32>,
    return
  }
  func.func @transform_0(%arg0: i32) -> (i32, i32) {
    %c0_i32 = arith.constant 0 : i32
    %c0_i32_0 = arith.constant 0 : i32
    return %arg0, %c0_i32 : i32, i32
  }
  func.func @transform_1(%arg0: i32) -> (i32, i32) {
    %c0_i32 = arith.constant 0 : i32
    %c0_i32_0 = arith.constant 0 : i32
    return %arg0, %c0_i32 : i32, i32
  }
  func.func @transform_2(%arg0: i32) -> (i32, i32) {
    %c0_i32 = arith.constant 0 : i32
    %c0_i32_0 = arith.constant 0 : i32
    %c0_i32_1 = arith.constant 0 : i32
    return %c0_i32, %c0_i32_0 : i32, i32
  }
  func.func @transform_3(%arg0: i32) -> (i32, i32) {
    %c0_i32 = arith.constant 0 : i32
    %c0_i32_0 = arith.constant 0 : i32
    %c0_i32_1 = arith.constant 0 : i32
    return %c0_i32, %c0_i32_0 : i32, i32
  }
  func.func @transform_4(%arg0: i32) -> (i32, i32) {
    %c0_i32 = arith.constant 0 : i32
    %c0_i32_0 = arith.constant 0 : i32
    %c0_i32_1 = arith.constant 0 : i32
    return %c0_i32, %c0_i32_0 : i32, i32
  }
  func.func @transform_5(%arg0: i32) -> (i32, i32) {
    %c0_i32 = arith.constant 0 : i32
    %c0_i32_0 = arith.constant 0 : i32
    %c0_i32_1 = arith.constant 0 : i32
    return %c0_i32, %c0_i32_0 : i32, i32
  }
}

module attributes {stable_mosaic.version = 14 : i64} {
  func.func @_head_body(%arg0: memref<8x1024xf32, #tpu.memory_space<vmem>>, %arg1: memref<1024x512xf32, #tpu.memory_space<vmem>>, %arg2: memref<8x512xf32, #tpu.memory_space<vmem>>, %arg3: memref<8x512xf32, #tpu.memory_space<vmem>>, %arg4: memref<8x512xf32, #tpu.memory_space<vmem>>, %arg5: memref<512x256xf32, #tpu.memory_space<vmem>>, %arg6: memref<8x256xf32, #tpu.memory_space<vmem>>, %arg7: memref<8x256xf32, #tpu.memory_space<vmem>>, %arg8: memref<8x256xf32, #tpu.memory_space<vmem>>, %arg9: memref<256x13xf32, #tpu.memory_space<vmem>>, %arg10: memref<8x13xf32, #tpu.memory_space<vmem>>, %arg11: memref<8x13xf32, #tpu.memory_space<vmem>>) attributes {dimension_semantics = [], scalar_prefetch = 0 : i64, scratch_operands = 0 : i64, tpu.core_type = #tpu.core_type<tc>} {
    %get3A = arith.constant 0 : index
    %get3A_0 = arith.constant 0 : index
    %get3A_1 = vector.load %arg0[%get3A, %get3A_0] : memref<8x1024xf32, #tpu.memory_space<vmem>>, vector<8x1024xf32>
    %get3A_2 = arith.constant 0 : index
    %get3A_3 = arith.constant 0 : index
    %get3A_4 = vector.load %arg1[%get3A_2, %get3A_3] : memref<1024x512xf32, #tpu.memory_space<vmem>>, vector<1024x512xf32>
    %dot_general3A = arith.constant dense<0.000000e+00> : vector<8x512xf32>
    %dot_general3A_5 = tpu.matmul %get3A_1, %get3A_4, %dot_general3A {dimension_numbers = #tpu.dot_dimension_numbers<[1], [0], [0], [1], [0, 0, 1, 1], [], []>, transpose_lhs_hint = false} : vector<8x1024xf32>, vector<1024x512xf32>, vector<8x512xf32> -> vector<8x512xf32>
    %get3A_6 = arith.constant 0 : index
    %get3A_7 = arith.constant 0 : index
    %get3A_8 = vector.load %arg2[%get3A_6, %get3A_7] : memref<8x512xf32, #tpu.memory_space<vmem>>, vector<8x512xf32>
    %add3A = arith.addf %dot_general3A_5, %get3A_8 : vector<8x512xf32>
    %max3A = arith.constant 0.000000e+00 : f32
    %max3A_9 = vector.broadcast %max3A : f32 to vector<8x512xf32>
    %max3A_10 = arith.maximumf %add3A, %max3A_9 : vector<8x512xf32>
    %reduce_sum3A = arith.constant dense<0.000000e+00> : vector<512xf32>
    %reduce_sum3A_11 = vector.multi_reduction <add>, %max3A_10, %reduce_sum3A [0] : vector<8x512xf32> to vector<512xf32>
    %broadcast_in_dim3A = vector.shape_cast %reduce_sum3A_11 : vector<512xf32> to vector<1x512xf32>
    %div3A = arith.constant 8.000000e+00 : f32
    %div3A_12 = vector.broadcast %div3A : f32 to vector<1x512xf32>
    %div3A_13 = arith.divf %broadcast_in_dim3A, %div3A_12 : vector<1x512xf32>
    %mul3A = arith.mulf %max3A_10, %max3A_10 : vector<8x512xf32>
    %reduce_sum3A_14 = arith.constant dense<0.000000e+00> : vector<512xf32>
    %reduce_sum3A_15 = vector.multi_reduction <add>, %mul3A, %reduce_sum3A_14 [0] : vector<8x512xf32> to vector<512xf32>
    %broadcast_in_dim3A_16 = vector.shape_cast %reduce_sum3A_15 : vector<512xf32> to vector<1x512xf32>
    %div3A_17 = arith.constant 8.000000e+00 : f32
    %div3A_18 = vector.broadcast %div3A_17 : f32 to vector<1x512xf32>
    %div3A_19 = arith.divf %broadcast_in_dim3A_16, %div3A_18 : vector<1x512xf32>
    %mul3A_20 = arith.mulf %div3A_13, %div3A_13 : vector<1x512xf32>
    %sub3A = arith.subf %div3A_19, %mul3A_20 : vector<1x512xf32>
    %get3A_21 = arith.constant 0 : index
    %get3A_22 = arith.constant 0 : index
    %get3A_23 = vector.load %arg3[%get3A_21, %get3A_22] : memref<8x512xf32, #tpu.memory_space<vmem>>, vector<8x512xf32>
    %sub3A_24 = vector.broadcast %div3A_13 : vector<1x512xf32> to vector<8x512xf32>
    %sub3A_25 = arith.subf %max3A_10, %sub3A_24 : vector<8x512xf32>
    %mul3A_26 = arith.mulf %get3A_23, %sub3A_25 : vector<8x512xf32>
    %add3A_27 = arith.constant 9.99999974E-6 : f32
    %add3A_28 = vector.broadcast %add3A_27 : f32 to vector<1x512xf32>
    %add3A_29 = arith.addf %sub3A, %add3A_28 : vector<1x512xf32>
    %rsqrt3A = math.rsqrt %add3A_29 : vector<1x512xf32>
    %mul3A_30 = vector.broadcast %rsqrt3A : vector<1x512xf32> to vector<8x512xf32>
    %mul3A_31 = arith.mulf %mul3A_26, %mul3A_30 : vector<8x512xf32>
    %get3A_32 = arith.constant 0 : index
    %get3A_33 = arith.constant 0 : index
    %get3A_34 = vector.load %arg4[%get3A_32, %get3A_33] : memref<8x512xf32, #tpu.memory_space<vmem>>, vector<8x512xf32>
    %add3A_35 = arith.addf %mul3A_31, %get3A_34 : vector<8x512xf32>
    %get3A_36 = arith.constant 0 : index
    %get3A_37 = arith.constant 0 : index
    %get3A_38 = vector.load %arg5[%get3A_36, %get3A_37] : memref<512x256xf32, #tpu.memory_space<vmem>>, vector<512x256xf32>
    %dot_general3A_39 = arith.constant dense<0.000000e+00> : vector<8x256xf32>
    %dot_general3A_40 = tpu.matmul %add3A_35, %get3A_38, %dot_general3A_39 {dimension_numbers = #tpu.dot_dimension_numbers<[1], [0], [0], [1], [0, 0, 1, 1], [], []>, transpose_lhs_hint = false} : vector<8x512xf32>, vector<512x256xf32>, vector<8x256xf32> -> vector<8x256xf32>
    %get3A_41 = arith.constant 0 : index
    %get3A_42 = arith.constant 0 : index
    %get3A_43 = vector.load %arg6[%get3A_41, %get3A_42] : memref<8x256xf32, #tpu.memory_space<vmem>>, vector<8x256xf32>
    %add3A_44 = arith.addf %dot_general3A_40, %get3A_43 : vector<8x256xf32>
    %max3A_45 = arith.constant 0.000000e+00 : f32
    %max3A_46 = vector.broadcast %max3A_45 : f32 to vector<8x256xf32>
    %max3A_47 = arith.maximumf %add3A_44, %max3A_46 : vector<8x256xf32>
    %reduce_sum3A_48 = arith.constant dense<0.000000e+00> : vector<256xf32>
    %reduce_sum3A_49 = vector.multi_reduction <add>, %max3A_47, %reduce_sum3A_48 [0] : vector<8x256xf32> to vector<256xf32>
    %broadcast_in_dim3A_50 = vector.shape_cast %reduce_sum3A_49 : vector<256xf32> to vector<1x256xf32>
    %div3A_51 = arith.constant 8.000000e+00 : f32
    %div3A_52 = vector.broadcast %div3A_51 : f32 to vector<1x256xf32>
    %div3A_53 = arith.divf %broadcast_in_dim3A_50, %div3A_52 : vector<1x256xf32>
    %mul3A_54 = arith.mulf %max3A_47, %max3A_47 : vector<8x256xf32>
    %reduce_sum3A_55 = arith.constant dense<0.000000e+00> : vector<256xf32>
    %reduce_sum3A_56 = vector.multi_reduction <add>, %mul3A_54, %reduce_sum3A_55 [0] : vector<8x256xf32> to vector<256xf32>
    %broadcast_in_dim3A_57 = vector.shape_cast %reduce_sum3A_56 : vector<256xf32> to vector<1x256xf32>
    %div3A_58 = arith.constant 8.000000e+00 : f32
    %div3A_59 = vector.broadcast %div3A_58 : f32 to vector<1x256xf32>
    %div3A_60 = arith.divf %broadcast_in_dim3A_57, %div3A_59 : vector<1x256xf32>
    %mul3A_61 = arith.mulf %div3A_53, %div3A_53 : vector<1x256xf32>
    %sub3A_62 = arith.subf %div3A_60, %mul3A_61 : vector<1x256xf32>
    %get3A_63 = arith.constant 0 : index
    %get3A_64 = arith.constant 0 : index
    %get3A_65 = vector.load %arg7[%get3A_63, %get3A_64] : memref<8x256xf32, #tpu.memory_space<vmem>>, vector<8x256xf32>
    %sub3A_66 = vector.broadcast %div3A_53 : vector<1x256xf32> to vector<8x256xf32>
    %sub3A_67 = arith.subf %max3A_47, %sub3A_66 : vector<8x256xf32>
    %mul3A_68 = arith.mulf %get3A_65, %sub3A_67 : vector<8x256xf32>
    %add3A_69 = arith.constant 9.99999974E-6 : f32
    %add3A_70 = vector.broadcast %add3A_69 : f32 to vector<1x256xf32>
    %add3A_71 = arith.addf %sub3A_62, %add3A_70 : vector<1x256xf32>
    %rsqrt3A_72 = math.rsqrt %add3A_71 : vector<1x256xf32>
    %mul3A_73 = vector.broadcast %rsqrt3A_72 : vector<1x256xf32> to vector<8x256xf32>
    %mul3A_74 = arith.mulf %mul3A_68, %mul3A_73 : vector<8x256xf32>
    %get3A_75 = arith.constant 0 : index
    %get3A_76 = arith.constant 0 : index
    %get3A_77 = vector.load %arg8[%get3A_75, %get3A_76] : memref<8x256xf32, #tpu.memory_space<vmem>>, vector<8x256xf32>
    %add3A_78 = arith.addf %mul3A_74, %get3A_77 : vector<8x256xf32>
    %get3A_79 = arith.constant 0 : index
    %get3A_80 = arith.constant 0 : index
    %get3A_81 = vector.load %arg9[%get3A_79, %get3A_80] : memref<256x13xf32, #tpu.memory_space<vmem>>, vector<256x13xf32>
    %dot_general3A_82 = arith.constant dense<0.000000e+00> : vector<8x13xf32>
    %dot_general3A_83 = tpu.matmul %add3A_78, %get3A_81, %dot_general3A_82 {dimension_numbers = #tpu.dot_dimension_numbers<[1], [0], [0], [1], [0, 0, 1, 1], [], []>, transpose_lhs_hint = false} : vector<8x256xf32>, vector<256x13xf32>, vector<8x13xf32> -> vector<8x13xf32>
    %get3A_84 = arith.constant 0 : index
    %get3A_85 = arith.constant 0 : index
    %get3A_86 = vector.load %arg10[%get3A_84, %get3A_85] : memref<8x13xf32, #tpu.memory_space<vmem>>, vector<8x13xf32>
    %add3A_87 = arith.addf %dot_general3A_83, %get3A_86 : vector<8x13xf32>
    %reduce_max3A = arith.constant dense<0xFF800000> : vector<8xf32>
    %reduce_max3A_88 = vector.multi_reduction <maximumf>, %add3A_87, %reduce_max3A [1] : vector<8x13xf32> to vector<8xf32>
    %broadcast_in_dim3A_89 = vector.shape_cast %reduce_max3A_88 : vector<8xf32> to vector<8x1xf32>
    %sub3A_90 = vector.broadcast %broadcast_in_dim3A_89 : vector<8x1xf32> to vector<8x13xf32>
    %sub3A_91 = arith.subf %add3A_87, %sub3A_90 : vector<8x13xf32>
    %exp3A = math.exp %sub3A_91 : vector<8x13xf32>
    %reduce_sum3A_92 = arith.constant dense<0.000000e+00> : vector<8xf32>
    %reduce_sum3A_93 = vector.multi_reduction <add>, %exp3A, %reduce_sum3A_92 [1] : vector<8x13xf32> to vector<8xf32>
    %broadcast_in_dim3A_94 = vector.shape_cast %reduce_sum3A_93 : vector<8xf32> to vector<8x1xf32>
    %log3A = math.log %broadcast_in_dim3A_94 : vector<8x1xf32>
    %sub3A_95 = vector.broadcast %log3A : vector<8x1xf32> to vector<8x13xf32>
    %sub3A_96 = arith.subf %sub3A_91, %sub3A_95 : vector<8x13xf32>
    %swap3A = arith.constant 0 : index
    %swap3A_97 = arith.constant 0 : index
    %swap3A_98 = vector.load %arg11[%swap3A, %swap3A_97] : memref<8x13xf32, #tpu.memory_space<vmem>>, vector<8x13xf32>
    tpu.vector_store %arg11[%swap3A, %swap3A_97], %sub3A_96 {strides = array<i32>} : memref<8x13xf32, #tpu.memory_space<vmem>>, vector<8x13xf32>,
    return
  }
}

</mosaic_0001>

<sc_bundles>
// kernel: kernel.12.cloned.1.call-start
scs
__scs_entry_jumppad:
0x0: {  	(pc) =	sbr.rel $0x88, $3  }
0x1: {  	(tag) =	ssettag $0x0;
	lr =	simm.s32 $0x1  }
0x2: {  	[smem:$0x3F80] =	sst lr;
	_ =	strace $0xD0000000  }
0x3: {  	_ = 	snop  }
0x4: {  	_ = 	snop  }
0x5: {  	_ = 	snop  }
0x6: {  	_ = 	snop  }
0x7: {  	_ = 	snop  }
__scs_overlays_trampoline_lowered:
0x8: {  	[smem:$0x3F8F] =	sst s0  }
0x9: {  	[smem:$0x3F90] =	sst s1  }
0xa: {  	[smem:$0x3F91] =	sst s2  }
0xb: {  	[smem:$0x3F92] =	sst s3  }
0xc: {  	[smem:$0x3F93] =	sst s4  }
0xd: {  	[smem:$0x3F94] =	sst s5  }
0xe: {  	[smem:$0x3F95] =	sst s6  }
0xf: {  	[smem:$0x3F96] =	sst s7  }
0x10: {  	[smem:$0x3F97] =	sst s8  }
0x11: {  	[smem:$0x3F98] =	sst s9;
	s0 =	simm.s32 @!p0 $0x0  }
0x12: {  	s1 =	sld [smem:$0x3F7E];
	s0 =	simm.s32 @p0 $0x1  }
0x13: {  	[smem:$0x3F99] =	sst s0;
	s0 =	simm.s32 @!p1 $0x0  }
0x14: {  	s2 =	sld [smem:$0x3F7D];
	s0 =	simm.s32 @p1 $0x1  }
0x15: {  	[smem:$0x3F9A] =	sst s0;
	s0 =	simm.s32 @!p2 $0x0  }
0x16: {  	s3 =	sld [smem:$0x3FDB];
	s0 =	simm.s32 @p2 $0x1  }
0x17: {  	s4 =	simm.s32 $0x1BF5;
	[smem:$0x3F9C] =	sst s0  }
0x18: {  	s0 =	sld [smem:$0x3F7F];
	_ =	swait.ge [sflag:s4], $0x0  }
0x19: {  	s7 =	sld [smem:$0x3F80]  }
0x1a: {  	s8 =	sadd.s32 $0xFFFFE003, lr  }
0x1b: {  	s9 =	sadd.s32 $0xFFFFFEF7, lr;
	s5 =	simm.s32 $0xFFFFFFFF;
	p2 =	slt.u32 s8, $0xFFFFF086  }
0x1c: {  	p1 =	slt.u32 s9, $0xF7A;
	s5 =	simm.s32 @!p2 $0x0  }
0x1d: {  	s5 =	simm.s32 @p1 $0x1;
	p0 =	seq.s32 s7, s2  }
0x1e: {  	s7 =	smul.u32 @!p0 $0xF7A, s2;
	p2 =	seq.s32 @!p0 s5, $0x0  }
0x1f: {  	s9 =	smul.u32 $0xF7A, s1;
	s8 =	simm.s32 @!p0 $0x1BF5;
	p2 =	por !p2, p0  }
0x20: {  	[sflag:s8] =	ssyncset.s32 @!p0 $0xFFFFF086;
	s6 =	sadd.s32 @!p0 s3, s7;
	s7 =	simm.s32 @!p0 $0x108  }
0x21: {  	s3 =	sadd.s32 s3, s9;
	s6 =	sadd.s32 @!p0 $0x88, s6;
	s7 =	simm.s32 @p2 $0x1082  }
0x22: {  	[simem:s7], [sflag:s8] =	dma.local @!p0 [hbm:s6], $0xF7A  }
0x23: {  	s9 =	sor.u32 $0xD0000000, s2;
	s6 =	simm.s32 $0x108;
	_ =	swait.ge @!p0 [sflag:s8], $0x0  }
0x24: {  	s3 =	sadd.s32 $0x88, s3;
	s6 =	simm.s32 @!p1 $0x1082;
	[sflag:s4] =	ssyncset.s32 $0xFFFFF086  }
0x25: {  	[simem:s6], [sflag:s4] =	dma.local [hbm:s3], $0xF7A  }
0x26: {  	[smem:$0x3F80] =	sst s1;
	(tag) =	ssettag s2;
	_ =	strace s9  }
0x27: {  	s1 =	sld [smem:$0x3F90]  }
0x28: {  	s2 =	sld [smem:$0x3F91]  }
0x29: {  	s4 =	sld [smem:$0x3F93]  }
0x2a: {  	p0 =	seq.s32 s5, $0x0;
	s5 =	sld [smem:$0x3F94]  }
0x2b: {  	s6 =	sld [smem:$0x3F95]  }
0x2c: {  	s7 =	sld [smem:$0x3F96]  }
0x2d: {  	s3 =	simm.s32 $0x108;
	s8 =	sld [smem:$0x3F97]  }
0x2e: {  	s3 =	simm.s32 @!p0 $0x1082;
	s9 =	sld [smem:$0x3F98]  }
0x2f: {  	lr =	sadd.s32 s0, s3;
	s0 =	sld [smem:$0x3F8F]  }
0x30: {  	s3 =	sld [smem:$0x3F92]  }
0x31: {  	[smem:$0x3F9B] =	sst s10  }
0x32: {  	s10 =	sld [smem:$0x3F99];
	_ =	sdelay $0x3  }
0x33: {  	p0 =	seq.s32 s10, $0x1;
	s10 =	sld [smem:$0x3F9B];
	_ =	sdelay $0x3  }
0x34: {  	[smem:$0x3F9B] =	sst s10  }
0x35: {  	s10 =	sld [smem:$0x3F9A];
	_ =	sdelay $0x3  }
0x36: {  	p1 =	seq.s32 s10, $0x1;
	s10 =	sld [smem:$0x3F9B];
	_ =	sdelay $0x3  }
0x37: {  	[smem:$0x3F9B] =	sst s10  }
0x38: {  	s10 =	sld [smem:$0x3F9C]  }
0x39: {  	_ = 	snop;
	(pc) =	sbr.ind lr, $3  }
0x3a: {  	_ = 	snop  }
0x3b: {  	_ = 	snop  }
0x3c: {  	p2 =	seq.s32 s10, $0x1;
	s10 =	sld [smem:$0x3F9B]  }
0x3d: {  	_ =	shalt  }
0x3e: {  	_ =	shalt  }
0x3f: {  	_ =	shalt  }
0x40: {  	_ =	shalt  }
0x41: {  	_ =	shalt  }
0x42: {  	_ =	shalt  }
0x43: {  	_ =	shalt  }
0x44: {  	_ =	shalt  }
0x45: {  	_ =	shalt  }
0x46: {  	_ =	shalt  }
0x47: {  	_ =	shalt  }
0x48: {  	_ =	shalt  }
0x49: {  	_ =	shalt  }
0x4a: {  	_ =	shalt  }
0x4b: {  	_ =	shalt  }
0x4c: {  	_ =	shalt  }
0x4d: {  	_ =	shalt  }
0x4e: {  	_ =	shalt  }
0x4f: {  	_ =	shalt  }
0x50: {  	_ =	shalt  }
0x51: {  	_ =	shalt  }
0x52: {  	_ =	shalt  }
0x53: {  	_ =	shalt  }
0x54: {  	_ =	shalt  }
0x55: {  	_ =	shalt  }
0x56: {  	_ =	shalt  }
0x57: {  	_ =	shalt  }
0x58: {  	_ =	shalt  }
0x59: {  	_ =	shalt  }
0x5a: {  	_ =	shalt  }
0x5b: {  	_ =	shalt  }
0x5c: {  	_ =	shalt  }
0x5d: {  	_ =	shalt  }
0x5e: {  	_ =	shalt  }
0x5f: {  	_ =	shalt  }
0x60: {  	_ =	shalt  }
0x61: {  	_ =	shalt  }
0x62: {  	_ =	shalt  }
0x63: {  	_ =	shalt  }
0x64: {  	_ =	shalt  }
0x65: {  	_ =	shalt  }
0x66: {  	_ =	shalt  }
0x67: {  	_ =	shalt  }
0x68: {  	_ =	shalt  }
0x69: {  	_ =	shalt  }
0x6a: {  	_ =	shalt  }
0x6b: {  	_ =	shalt  }
0x6c: {  	_ =	shalt  }
0x6d: {  	_ =	shalt  }
0x6e: {  	_ =	shalt  }
0x6f: {  	_ =	shalt  }
0x70: {  	_ =	shalt  }
0x71: {  	_ =	shalt  }
0x72: {  	_ =	shalt  }
0x73: {  	_ =	shalt  }
0x74: {  	_ =	shalt  }
0x75: {  	_ =	shalt  }
0x76: {  	_ =	shalt  }
0x77: {  	_ =	shalt  }
0x78: {  	_ =	shalt  }
0x79: {  	_ =	shalt  }
0x7a: {  	_ =	shalt  }
0x7b: {  	_ =	shalt  }
0x7c: {  	_ =	shalt  }
0x7d: {  	_ =	shalt  }
0x7e: {  	_ =	shalt  }
0x7f: {  	_ =	shalt  }
0x80: {  	_ =	shalt  }
0x81: {  	_ =	shalt  }
0x82: {  	_ =	shalt  }
0x83: {  	_ =	shalt  }
0x84: {  	_ =	shalt  }
0x85: {  	_ =	shalt  }
0x86: {  	_ =	shalt  }
0x87: {  	_ =	shalt  }
.Lfunc_end0:
.L_simem_size_0:
called_computation_lowered:
.L_overlay_start_0:
0x88: {  	s2 =	sld [smem:$0x3FD9]  }
0x89: {  	s3 =	sld [smem:$0x3FFE];
	_ =	sdelay $0x1  }
0x8a: {  	s1 =	srdreg.scid  }
0x8b: {  	s0 =	sand.u32 $0x1, s1  }
0x8c: {  	s16 =	sshll.u32 s0, $0xA;
	s2 =	sadd.s32 s3, s2  }
0x8d: {  	s2 =	sadd.s32 s2, s16  }
0x8e: {  	[smem:$0x3FA7] =	sst s2  }
0x8f: {  	_ = 	snop  }
0x90: {  	(tm) =	ssettm $0x1  }
0x91: {  	s17 =	sld [smem:$0x3FFB];
	_ =	sdelay $0x3  }
0x92: {  	_ =	strace s17  }
0x93: {  	s2 =	sld [smem:$0x3FFC];
	_ =	sdelay $0x3  }
0x94: {  	_ =	strace s2  }
0x95: {  	s2 =	sld [smem:$0x3FFD];
	_ =	sdelay $0x3  }
0x96: {  	_ =	strace s2  }
0x97: {  	_ =	strace $0x8FFFFFFF  }
0x98: {  	s18 =	sld [smem:$0x3FDB];
	_ =	sdelay $0x1  }
0x99: {  	s19 =	simm.s32 $_scs_section_size  }
0x9a: {  	s4 =	simm.s32 $_size__tile_overlayer_lowered;
	s5 =	simm.s32 $_tile_overlayer_lowered  }
0x9b: {  	s22 =	simm.s32 $0x1BFF;
	s21 =	sshll.u32 s5, $0x1;
	s2 =	sadd.s32 s19, s18  }
0x9c: {  	s6 =	simm.s32 $0x0;
	s20 =	sshll.u32 s4, $0x1;
	s4 =	sadd.s32 s21, s2  }
0x9d: {  	[timem:s6], [sflag:s22] =	dma.local [hbm:s4], s20  }
0x9e: {  	_ =	swait.ge [sflag:s22], s20  }
0x9f: {  	s3 =	ssub.s32 $0x0, s20;
	[sflag:s22] =	ssyncset.done $0x0  }
0xa0: {  	[sflag:s22] =	ssyncadd.s32 s3;
	_ =	sdelay $0x1  }
0xa1: {  	s23 =	simm.s32 $0x1B8B  }
0xa2: {  	_ =	swait.ge [sflag:s23], $0x1  }
0xa3: {  	[sflag:s23] =	ssyncset.done $0x0  }
0xa4: {  	s25 =	simm.s32 $0x1B8E;
	s24 =	sld [smem:$0x3FFE];
	[sflag:s23] =	ssyncadd.s32 $0xFFFFFFFF  }
0xa5: {  	s26 =	simm.s32 $execute0_lowered;
	[smem:$0x3FD2] =	sst s25  }
0xa6: {  	s4 =	sshll.u32 s26, $0x1;
	_ =	strace $0x80000046;
	[dreg:$0x1] =	wrdreg $0xFFFFFFFF  }
0xa7: {  	s28 =	simm.s32 $_size_execute0_lowered;
	s2 =	sadd.s32 s2, s4;
	[dreg:$0x0] =	wrdreg $0x0  }
0xa8: {  	s4 =	sshll.u32 s28, $0x1;
	[dreg:$0x2] =	wrdreg s2  }
0xa9: {  	[dreg:$0x3] =	wrdreg s4  }
0xaa: {  	[dreg:$0x4] =	wrdreg $0xC0  }
0xab: {  	_ =	task [dreg:s6], $0x5FFFF  }
0xac: {  	[dreg:$0x1] =	wrdreg $0xFFFFFFFF  }
0xad: {  	[dreg:$0x0] =	wrdreg $0x60  }
0xae: {  	[dreg:$0x2] =	wrdreg s24  }
0xaf: {  	[dreg:$0x3] =	wrdreg $0x9  }
0xb0: {  	_ =	task.clear_ibuf [dreg:s6], $0x4FFFF;
	_ =	strace $0x90000046  }
0xb1: {  	s29 =	simm.s32 $0x9;
	_ =	strace $0x80000048  }
0xb2: {  	_ =	swait.ge [sflag:s29], $0x1  }
0xb3: {  	[sflag:s29] =	ssyncadd.s32 $0xFFFFFFFF  }
0xb4: {  	_ =	strace $0x90000048  }
0xb5: {  	_ =	sfence  }
0xb6: {  	s30 =	sld [smem:$0x0];
	_ =	sdelay $0x2  }
0xb7: {  	s31 =	sshll.u32 s1, $0xD;
	s1 =	sshrl.u32 s1, $0x2  }
0xb8: {  	s3 =	sand.u32 $0x4000, s31;
	s1 =	sadd.s32 s1, s30  }
0xb9: {  	s0 =	sor.u32 s3, s0;
	s1 =	sshll.u32 s1, $0x11  }
0xba: {  	s0 =	sor.u32 s1, s0  }
0xbb: {  	s0 =	sadd.s32 $0x8F2B, s0  }
0xbc: {  	[sflag:s0] =	ssyncadd.remote.s32 $0x1  }
0xbd: {  	_ =	sfence.sel $0xFFFF  }
0xbe: {  	[dreg:$0x0] =	wrdreg $0xFFFFFFFF;
	(pc) =	sbr.abs _section_cstart, $3  }
0xbf: {  	[dreg:$0x1] =	wrdreg $0xFFFFFFFF  }
0xc0: {  	_ =	task.clear_ibuf [dreg:s6], $0x2FFFF;
	_ =	strace $0x9FFFFFFF  }
0xc1: {  	(tm) =	ssettm $0x7FFFFFFF  }
tec
execute0_lowered:
.L_overlay_start_1:
0x0: {  	(tag) =	ssettag $0x1  }
0x1: {  	s1 =	srdreg.scid;
	s0 =	stileid.u32  }
0x2: {  	s16 =	sand.u32 $0x1, s1;
	s26 =	sshll.u32 s0, $0x1  }
0x3: {  	s8 =	sor.u32 s16, s26  }
0x4: {  	s9 =	rddreg [dreg:$0x0];
	s17 =	smul.u32 $0xA00, s8  }
0x5: {  	s2 =	simm.s32 $0x0;
	s1 =	rddreg [dreg:$0x1]  }
0x6: {  	[smem:$0x7FF] =	sst s2;
	s15 =	sadd.s32 $0x25C00, s9;
	s3 =	sshrl.u32 s17, $0x3  }
0x7: {  	_ =	strace $0x80000047;
	s4 =	sadd.s32 s15, s3;
	s3 =	simm.s32 $0x2  }
0x8: {  	[tilespmem:s2], [sflag:$0x2] =	stream.linear.gather [hbm4b:s4+s2], $0x200, $0x38;
	[tilespmem:$0x10200] =	vst v63  }
0x9: {  	_ =	swait.ge [sflag:s3], $0x200  }
0xa: {  	s6 =	simm.s32 $0x200;
	[sflag:s3] =	ssyncset.done $0x0  }
0xb: {  	s7 =	simm.s32 $0x1;
	s5 =	sadd.s32 $0x5C00, s9;
	[sflag:s3] =	ssyncadd.s32 $0xFFFFFE00  }
0xc: {  	[tilespmem:s6], [sflag:$0x1] =	stream.indirect.gather [hbm4b:s5+s6], $0x80, s2, s6, $0xb8;
	[tilespmem:$0x10200] =	vst v63  }
0xd: {  	s8 =	smul.u32 $0xA000, s8;
	_ =	swait.ge [sflag:s7], $0x10000  }
0xe: {  	s18 =	sadd.s32 $0x28400, s9;
	[sflag:s7] =	ssyncset.done $0x0  }
0xf: {  	s8 =	sadd.s32 s18, s8;
	[sflag:s7] =	ssyncadd.s32 $0xFFFF0000  }
0x10: {  	[hbm4b:s8+s2] =	stream.linear.scatter [tilespmem:s6], [sflag:$0x2], $0x10000, $0x38;
	[tilespmem:$0x10200] =	vst v63  }
0x11: {  	s10 =	sadd.s32 $0x200, s17;
	_ =	swait.ge [sflag:s3], $0x10000  }
0x12: {  	s28 =	sshrl.u32 s10, $0x3;
	[sflag:s3] =	ssyncset.done $0x0  }
0x13: {  	s9 =	sadd.s32 s15, s28;
	[sflag:s3] =	ssyncadd.s32 $0xFFFF0000  }
0x14: {  	[tilespmem:s2], [sflag:$0x2] =	stream.linear.gather [hbm4b:s9+s2], $0x200, $0x38;
	[tilespmem:$0x10200] =	vst v63  }
0x15: {  	_ =	swait.ge [sflag:s3], $0x200  }
0x16: {  	[sflag:s3] =	ssyncset.done $0x0  }
0x17: {  	[sflag:s3] =	ssyncadd.s32 $0xFFFFFE00  }
0x18: {  	[tilespmem:s6], [sflag:$0x1] =	stream.indirect.gather [hbm4b:s5+s6], $0x80, s2, s6, $0xb8;
	[tilespmem:$0x10200] =	vst v63  }
0x19: {  	_ =	swait.ge [sflag:s7], $0x10000  }
0x1a: {  	s10 =	sshll.u32 s10, $0x4;
	[sflag:s7] =	ssyncset.done $0x0  }
0x1b: {  	s10 =	sadd.s32 s18, s10;
	[sflag:s7] =	ssyncadd.s32 $0xFFFF0000  }
0x1c: {  	[hbm4b:s10+s2] =	stream.linear.scatter [tilespmem:s6], [sflag:$0x2], $0x10000, $0x38;
	[tilespmem:$0x10200] =	vst v63  }
0x1d: {  	s12 =	sadd.s32 $0x400, s17;
	_ =	swait.ge [sflag:s3], $0x10000  }
0x1e: {  	s11 =	sshrl.u32 s12, $0x3;
	[sflag:s3] =	ssyncset.done $0x0  }
0x1f: {  	s11 =	sadd.s32 s15, s11;
	[sflag:s3] =	ssyncadd.s32 $0xFFFF0000  }
0x20: {  	[tilespmem:s2], [sflag:$0x2] =	stream.linear.gather [hbm4b:s11+s2], $0x200, $0x38;
	[tilespmem:$0x10200] =	vst v63  }
0x21: {  	_ =	swait.ge [sflag:s3], $0x200  }
0x22: {  	[sflag:s3] =	ssyncset.done $0x0  }
0x23: {  	[sflag:s3] =	ssyncadd.s32 $0xFFFFFE00  }
0x24: {  	[tilespmem:s6], [sflag:$0x1] =	stream.indirect.gather [hbm4b:s5+s6], $0x80, s2, s6, $0xb8;
	[tilespmem:$0x10200] =	vst v63  }
0x25: {  	_ =	swait.ge [sflag:s7], $0x10000  }
0x26: {  	s12 =	sshll.u32 s12, $0x4;
	[sflag:s7] =	ssyncset.done $0x0  }
0x27: {  	s12 =	sadd.s32 s18, s12;
	[sflag:s7] =	ssyncadd.s32 $0xFFFF0000  }
0x28: {  	[hbm4b:s12+s2] =	stream.linear.scatter [tilespmem:s6], [sflag:$0x2], $0x10000, $0x38;
	[tilespmem:$0x10200] =	vst v63  }
0x29: {  	s14 =	sadd.s32 $0x600, s17;
	_ =	swait.ge [sflag:s3], $0x10000  }
0x2a: {  	s13 =	sshrl.u32 s14, $0x3;
	[sflag:s3] =	ssyncset.done $0x0  }
0x2b: {  	s13 =	sadd.s32 s15, s13;
	[sflag:s3] =	ssyncadd.s32 $0xFFFF0000  }
0x2c: {  	[tilespmem:s2], [sflag:$0x2] =	stream.linear.gather [hbm4b:s13+s2], $0x200, $0x38;
	[tilespmem:$0x10200] =	vst v63  }
0x2d: {  	_ =	swait.ge [sflag:s3], $0x200  }
0x2e: {  	[sflag:s3] =	ssyncset.done $0x0  }
0x2f: {  	[sflag:s3] =	ssyncadd.s32 $0xFFFFFE00  }
0x30: {  	[tilespmem:s6], [sflag:$0x1] =	stream.indirect.gather [hbm4b:s5+s6], $0x80, s2, s6, $0xb8;
	[tilespmem:$0x10200] =	vst v63  }
0x31: {  	_ =	swait.ge [sflag:s7], $0x10000  }
0x32: {  	s14 =	sshll.u32 s14, $0x4;
	[sflag:s7] =	ssyncset.done $0x0  }
0x33: {  	s14 =	sadd.s32 s18, s14;
	[sflag:s7] =	ssyncadd.s32 $0xFFFF0000  }
0x34: {  	[hbm4b:s14+s2] =	stream.linear.scatter [tilespmem:s6], [sflag:$0x2], $0x10000, $0x38;
	[tilespmem:$0x10200] =	vst v63  }
0x35: {  	s17 =	sadd.s32 $0x800, s17;
	_ =	swait.ge [sflag:s3], $0x10000  }
0x36: {  	s19 =	sshrl.u32 s17, $0x3;
	[sflag:s3] =	ssyncset.done $0x0  }
0x37: {  	s16 =	ssub.s32 $0x2, s16;
	s15 =	sadd.s32 s15, s19;
	[sflag:s3] =	ssyncadd.s32 $0xFFFF0000  }
0x38: {  	[tilespmem:s2], [sflag:$0x2] =	stream.linear.gather [hbm4b:s15+s2], $0x200, $0x38;
	[tilespmem:$0x10200] =	vst v63  }
0x39: {  	s29 =	sshrl.u32 s16, $0x1;
	_ =	swait.ge [sflag:s3], $0x200  }
0x3a: {  	s19 =	ssub.s32 s16, s29;
	[sflag:s3] =	ssyncset.done $0x0  }
0x3b: {  	s31 =	smax.u32 s19, $0x1;
	[sflag:s3] =	ssyncadd.s32 $0xFFFFFE00  }
0x3c: {  	[tilespmem:s6], [sflag:$0x1] =	stream.indirect.gather [hbm4b:s5+s6], $0x80, s2, s6, $0xb8;
	[tilespmem:$0x10200] =	vst v63  }
0x3d: {  	p0 =	sne.s32 s31, $0x1;
	_ =	swait.ge [sflag:s7], $0x10000  }
.Ltmp0:
0x3e: {  	s30 =	sshll.u32 s17, $0x4;
	[sflag:s7] =	ssyncset.done $0x0;
	(pc) =	sbr.rel @!p0 .LBB2_2-.Ltmp0, $4  }
0x3f: {  	s16 =	sadd.s32 s18, s30;
	[sflag:s7] =	ssyncadd.s32 $0xFFFF0000  }
0x40: {  	[hbm4b:s16+s2] =	stream.linear.scatter [tilespmem:s6], [sflag:$0x2], $0x10000, $0x38;
	[tilespmem:$0x10200] =	vst v63  }
0x41: {  	_ =	swait.ge [sflag:s3], $0x10000  }
0x42: {  	s17 =	sadd.s32 $0xFFFFFFFF, s31;
	[sflag:s3] =	ssyncset.done $0x0  }
.LBB2_1:
0x43: {  	p0 =	sne.s32 s17, $0x1;
	s17 =	sadd.s32 $0xFFFFFFFF, s17;
	[sflag:s3] =	ssyncadd.s32 $0xFFFF0000  }
0x44: {  	[tilespmem:s2], [sflag:$0x2] =	stream.linear.gather [hbm4b:s4+s2], $0x200, $0x38;
	[tilespmem:$0x10200] =	vst v63  }
0x45: {  	_ =	swait.ge [sflag:s3], $0x200  }
0x46: {  	[sflag:s3] =	ssyncset.done $0x0  }
0x47: {  	[sflag:s3] =	ssyncadd.s32 $0xFFFFFE00  }
0x48: {  	[tilespmem:s6], [sflag:$0x1] =	stream.indirect.gather [hbm4b:s5+s6], $0x80, s2, s6, $0xb8;
	[tilespmem:$0x10200] =	vst v63  }
0x49: {  	_ =	swait.ge [sflag:s7], $0x10000  }
0x4a: {  	[sflag:s7] =	ssyncset.done $0x0  }
0x4b: {  	[sflag:s7] =	ssyncadd.s32 $0xFFFF0000  }
0x4c: {  	[hbm4b:s8+s2] =	stream.linear.scatter [tilespmem:s6], [sflag:$0x2], $0x10000, $0x38;
	[tilespmem:$0x10200] =	vst v63  }
0x4d: {  	_ =	swait.ge [sflag:s3], $0x10000  }
0x4e: {  	[sflag:s3] =	ssyncset.done $0x0  }
0x4f: {  	[sflag:s3] =	ssyncadd.s32 $0xFFFF0000  }
0x50: {  	[tilespmem:s2], [sflag:$0x2] =	stream.linear.gather [hbm4b:s9+s2], $0x200, $0x38;
	[tilespmem:$0x10200] =	vst v63  }
0x51: {  	_ =	swait.ge [sflag:s3], $0x200  }
0x52: {  	[sflag:s3] =	ssyncset.done $0x0  }
0x53: {  	[sflag:s3] =	ssyncadd.s32 $0xFFFFFE00  }
0x54: {  	[tilespmem:s6], [sflag:$0x1] =	stream.indirect.gather [hbm4b:s5+s6], $0x80, s2, s6, $0xb8;
	[tilespmem:$0x10200] =	vst v63  }
0x55: {  	_ =	swait.ge [sflag:s7], $0x10000  }
0x56: {  	[sflag:s7] =	ssyncset.done $0x0  }
0x57: {  	[sflag:s7] =	ssyncadd.s32 $0xFFFF0000  }
0x58: {  	[hbm4b:s10+s2] =	stream.linear.scatter [tilespmem:s6], [sflag:$0x2], $0x10000, $0x38;
	[tilespmem:$0x10200] =	vst v63  }
0x59: {  	_ =	swait.ge [sflag:s3], $0x10000  }
0x5a: {  	[sflag:s3] =	ssyncset.done $0x0  }
0x5b: {  	[sflag:s3] =	ssyncadd.s32 $0xFFFF0000  }
0x5c: {  	[tilespmem:s2], [sflag:$0x2] =	stream.linear.gather [hbm4b:s11+s2], $0x200, $0x38;
	[tilespmem:$0x10200] =	vst v63  }
0x5d: {  	_ =	swait.ge [sflag:s3], $0x200  }
0x5e: {  	[sflag:s3] =	ssyncset.done $0x0  }
0x5f: {  	[sflag:s3] =	ssyncadd.s32 $0xFFFFFE00  }
0x60: {  	[tilespmem:s6], [sflag:$0x1] =	stream.indirect.gather [hbm4b:s5+s6], $0x80, s2, s6, $0xb8;
	[tilespmem:$0x10200] =	vst v63  }
0x61: {  	_ =	swait.ge [sflag:s7], $0x10000  }
0x62: {  	[sflag:s7] =	ssyncset.done $0x0  }
0x63: {  	[sflag:s7] =	ssyncadd.s32 $0xFFFF0000  }
0x64: {  	[hbm4b:s12+s2] =	stream.linear.scatter [tilespmem:s6], [sflag:$0x2], $0x10000, $0x38;
	[tilespmem:$0x10200] =	vst v63  }
0x65: {  	_ =	swait.ge [sflag:s3], $0x10000  }
0x66: {  	[sflag:s3] =	ssyncset.done $0x0  }
0x67: {  	[sflag:s3] =	ssyncadd.s32 $0xFFFF0000  }
0x68: {  	[tilespmem:s2], [sflag:$0x2] =	stream.linear.gather [hbm4b:s13+s2], $0x200, $0x38;
	[tilespmem:$0x10200] =	vst v63  }
0x69: {  	_ =	swait.ge [sflag:s3], $0x200  }
0x6a: {  	[sflag:s3] =	ssyncset.done $0x0  }
0x6b: {  	[sflag:s3] =	ssyncadd.s32 $0xFFFFFE00  }
0x6c: {  	[tilespmem:s6], [sflag:$0x1] =	stream.indirect.gather [hbm4b:s5+s6], $0x80, s2, s6, $0xb8;
	[tilespmem:$0x10200] =	vst v63  }
0x6d: {  	_ =	swait.ge [sflag:s7], $0x10000  }
0x6e: {  	[sflag:s7] =	ssyncset.done $0x0  }
0x6f: {  	[sflag:s7] =	ssyncadd.s32 $0xFFFF0000  }
0x70: {  	[hbm4b:s14+s2] =	stream.linear.scatter [tilespmem:s6], [sflag:$0x2], $0x10000, $0x38;
	[tilespmem:$0x10200] =	vst v63  }
0x71: {  	_ =	swait.ge [sflag:s3], $0x10000  }
0x72: {  	[sflag:s3] =	ssyncset.done $0x0  }
0x73: {  	[sflag:s3] =	ssyncadd.s32 $0xFFFF0000  }
0x74: {  	[tilespmem:s2], [sflag:$0x2] =	stream.linear.gather [hbm4b:s15+s2], $0x200, $0x38;
	[tilespmem:$0x10200] =	vst v63  }
0x75: {  	_ =	swait.ge [sflag:s3], $0x200  }
0x76: {  	[sflag:s3] =	ssyncset.done $0x0  }
0x77: {  	[sflag:s3] =	ssyncadd.s32 $0xFFFFFE00  }
0x78: {  	[tilespmem:s6], [sflag:$0x1] =	stream.indirect.gather [hbm4b:s5+s6], $0x80, s2, s6, $0xb8;
	[tilespmem:$0x10200] =	vst v63  }
0x79: {  	_ =	swait.ge [sflag:s7], $0x10000  }
.Ltmp1:
0x7a: {  	[sflag:s7] =	ssyncset.done $0x0;
	(pc) =	sbr.rel @p0 .LBB2_1-.Ltmp1, $4  }
0x7b: {  	[sflag:s7] =	ssyncadd.s32 $0xFFFF0000  }
0x7c: {  	[hbm4b:s16+s2] =	stream.linear.scatter [tilespmem:s6], [sflag:$0x2], $0x10000, $0x38;
	[tilespmem:$0x10200] =	vst v63  }
0x7d: {  	_ =	swait.ge [sflag:s3], $0x10000  }
0x7e: {  	[sflag:s3] =	ssyncset.done $0x0  }
.LBB2_2:
0x7f: {  	[sflag:s3] =	ssyncadd.s32 $0xFFFF0000  }
0x80: {  	_ =	sfence.sel $0x180000  }
0x81: {  	[bflag:$0x0] =	sbarrier.arrive $0xFFFF  }
0x82: {  	p0 =	sne.s32 s0, $0x0;
	_ =	strace $0x90000047  }
0x83: {  	s0 =	sadd.s32 @!p0 $0x100000, s1;
	[bflag:$0x2] =	sbarrier.arrive $0xFFFF  }
0x84: {  	[sflag:s0] =	ssyncadd.tile.s32 @!p0 $0x1;
	_ =	shalt  }
.Lfunc_end2:
_tile_overlayer_lowered:
.L_overlay_start_2:
0x85: {  	(tag) =	ssettag $0x2  }
0x86: {  	s0 =	rddreg [dreg:$0x0];
	s2 =	stileid.u32  }
0x87: {  	s1 =	rddreg [dreg:$0x1];
	p0 =	sne.s32 s2, $0x0  }
0x88: {  	s3 =	rddreg [dreg:$0x2];
	[bflag:$0x3] =	sbarrier.arrive $0xFFFF;
	s2 =	simm.s32 @!p0 $0x1C02  }
0x89: {  	[timem:s3], [sflag:s2] =	dma.local @!p0 [hbm:s0], s1  }
0x8a: {  	s0 =	simm.s32 @!p0 $0x2  }
0x8b: {  	_ =	swait.ge @!p0 [sflag:s0], s1  }
0x8c: {  	s1 =	ssub.s32 @!p0 $0x0, s1;
	[sflag:s0] =	ssyncset.done @!p0 $0x0  }
0x8d: {  	[sflag:s0] =	ssyncadd.s32 @!p0 s1  }
0x8e: {  	[bflag:$0x3] =	sbarrier.arrive $0xFFFF  }
0x8f: {  	_ =	shalt  }

// kernel: kernel.15.cloned.1.call-start
scs
__scs_entry_jumppad:
0x0: {  	(pc) =	sbr.rel $0x88, $3  }
0x1: {  	(tag) =	ssettag $0x0;
	lr =	simm.s32 $0x1  }
0x2: {  	[smem:$0x3F80] =	sst lr;
	_ =	strace $0xD0000000  }
0x3: {  	_ = 	snop  }
0x4: {  	_ = 	snop  }
0x5: {  	_ = 	snop  }
0x6: {  	_ = 	snop  }
0x7: {  	_ = 	snop  }
__scs_overlays_trampoline_lowered:
0x8: {  	[smem:$0x3F8F] =	sst s0  }
0x9: {  	[smem:$0x3F90] =	sst s1  }
0xa: {  	[smem:$0x3F91] =	sst s2  }
0xb: {  	[smem:$0x3F92] =	sst s3  }
0xc: {  	[smem:$0x3F93] =	sst s4  }
0xd: {  	[smem:$0x3F94] =	sst s5  }
0xe: {  	[smem:$0x3F95] =	sst s6  }
0xf: {  	[smem:$0x3F96] =	sst s7  }
0x10: {  	[smem:$0x3F97] =	sst s8  }
0x11: {  	[smem:$0x3F98] =	sst s9;
	s0 =	simm.s32 @!p0 $0x0  }
0x12: {  	s1 =	sld [smem:$0x3F7E];
	s0 =	simm.s32 @p0 $0x1  }
0x13: {  	[smem:$0x3F99] =	sst s0;
	s0 =	simm.s32 @!p1 $0x0  }
0x14: {  	s2 =	sld [smem:$0x3F7D];
	s0 =	simm.s32 @p1 $0x1  }
0x15: {  	[smem:$0x3F9A] =	sst s0;
	s0 =	simm.s32 @!p2 $0x0  }
0x16: {  	s3 =	sld [smem:$0x3FDB];
	s0 =	simm.s32 @p2 $0x1  }
0x17: {  	s4 =	simm.s32 $0x1BF5;
	[smem:$0x3F9C] =	sst s0  }
0x18: {  	s0 =	sld [smem:$0x3F7F];
	_ =	swait.ge [sflag:s4], $0x0  }
0x19: {  	s7 =	sld [smem:$0x3F80]  }
0x1a: {  	s8 =	sadd.s32 $0xFFFFE003, lr  }
0x1b: {  	s9 =	sadd.s32 $0xFFFFFEF7, lr;
	s5 =	simm.s32 $0xFFFFFFFF;
	p2 =	slt.u32 s8, $0xFFFFF086  }
0x1c: {  	p1 =	slt.u32 s9, $0xF7A;
	s5 =	simm.s32 @!p2 $0x0  }
0x1d: {  	s5 =	simm.s32 @p1 $0x1;
	p0 =	seq.s32 s7, s2  }
0x1e: {  	s7 =	smul.u32 @!p0 $0xF7A, s2;
	p2 =	seq.s32 @!p0 s5, $0x0  }
0x1f: {  	s9 =	smul.u32 $0xF7A, s1;
	s8 =	simm.s32 @!p0 $0x1BF5;
	p2 =	por !p2, p0  }
0x20: {  	[sflag:s8] =	ssyncset.s32 @!p0 $0xFFFFF086;
	s6 =	sadd.s32 @!p0 s3, s7;
	s7 =	simm.s32 @!p0 $0x108  }
0x21: {  	s3 =	sadd.s32 s3, s9;
	s6 =	sadd.s32 @!p0 $0x88, s6;
	s7 =	simm.s32 @p2 $0x1082  }
0x22: {  	[simem:s7], [sflag:s8] =	dma.local @!p0 [hbm:s6], $0xF7A  }
0x23: {  	s9 =	sor.u32 $0xD0000000, s2;
	s6 =	simm.s32 $0x108;
	_ =	swait.ge @!p0 [sflag:s8], $0x0  }
0x24: {  	s3 =	sadd.s32 $0x88, s3;
	s6 =	simm.s32 @!p1 $0x1082;
	[sflag:s4] =	ssyncset.s32 $0xFFFFF086  }
0x25: {  	[simem:s6], [sflag:s4] =	dma.local [hbm:s3], $0xF7A  }
0x26: {  	[smem:$0x3F80] =	sst s1;
	(tag) =	ssettag s2;
	_ =	strace s9  }
0x27: {  	s1 =	sld [smem:$0x3F90]  }
0x28: {  	s2 =	sld [smem:$0x3F91]  }
0x29: {  	s4 =	sld [smem:$0x3F93]  }
0x2a: {  	p0 =	seq.s32 s5, $0x0;
	s5 =	sld [smem:$0x3F94]  }
0x2b: {  	s6 =	sld [smem:$0x3F95]  }
0x2c: {  	s7 =	sld [smem:$0x3F96]  }
0x2d: {  	s3 =	simm.s32 $0x108;
	s8 =	sld [smem:$0x3F97]  }
0x2e: {  	s3 =	simm.s32 @!p0 $0x1082;
	s9 =	sld [smem:$0x3F98]  }
0x2f: {  	lr =	sadd.s32 s0, s3;
	s0 =	sld [smem:$0x3F8F]  }
0x30: {  	s3 =	sld [smem:$0x3F92]  }
0x31: {  	[smem:$0x3F9B] =	sst s10  }
0x32: {  	s10 =	sld [smem:$0x3F99];
	_ =	sdelay $0x3  }
0x33: {  	p0 =	seq.s32 s10, $0x1;
	s10 =	sld [smem:$0x3F9B];
	_ =	sdelay $0x3  }
0x34: {  	[smem:$0x3F9B] =	sst s10  }
0x35: {  	s10 =	sld [smem:$0x3F9A];
	_ =	sdelay $0x3  }
0x36: {  	p1 =	seq.s32 s10, $0x1;
	s10 =	sld [smem:$0x3F9B];
	_ =	sdelay $0x3  }
0x37: {  	[smem:$0x3F9B] =	sst s10  }
0x38: {  	s10 =	sld [smem:$0x3F9C]  }
0x39: {  	_ = 	snop;
	(pc) =	sbr.ind lr, $3  }
0x3a: {  	_ = 	snop  }
0x3b: {  	_ = 	snop  }
0x3c: {  	p2 =	seq.s32 s10, $0x1;
	s10 =	sld [smem:$0x3F9B]  }
0x3d: {  	_ =	shalt  }
0x3e: {  	_ =	shalt  }
0x3f: {  	_ =	shalt  }
0x40: {  	_ =	shalt  }
0x41: {  	_ =	shalt  }
0x42: {  	_ =	shalt  }
0x43: {  	_ =	shalt  }
0x44: {  	_ =	shalt  }
0x45: {  	_ =	shalt  }
0x46: {  	_ =	shalt  }
0x47: {  	_ =	shalt  }
0x48: {  	_ =	shalt  }
0x49: {  	_ =	shalt  }
0x4a: {  	_ =	shalt  }
0x4b: {  	_ =	shalt  }
0x4c: {  	_ =	shalt  }
0x4d: {  	_ =	shalt  }
0x4e: {  	_ =	shalt  }
0x4f: {  	_ =	shalt  }
0x50: {  	_ =	shalt  }
0x51: {  	_ =	shalt  }
0x52: {  	_ =	shalt  }
0x53: {  	_ =	shalt  }
0x54: {  	_ =	shalt  }
0x55: {  	_ =	shalt  }
0x56: {  	_ =	shalt  }
0x57: {  	_ =	shalt  }
0x58: {  	_ =	shalt  }
0x59: {  	_ =	shalt  }
0x5a: {  	_ =	shalt  }
0x5b: {  	_ =	shalt  }
0x5c: {  	_ =	shalt  }
0x5d: {  	_ =	shalt  }
0x5e: {  	_ =	shalt  }
0x5f: {  	_ =	shalt  }
0x60: {  	_ =	shalt  }
0x61: {  	_ =	shalt  }
0x62: {  	_ =	shalt  }
0x63: {  	_ =	shalt  }
0x64: {  	_ =	shalt  }
0x65: {  	_ =	shalt  }
0x66: {  	_ =	shalt  }
0x67: {  	_ =	shalt  }
0x68: {  	_ =	shalt  }
0x69: {  	_ =	shalt  }
0x6a: {  	_ =	shalt  }
0x6b: {  	_ =	shalt  }
0x6c: {  	_ =	shalt  }
0x6d: {  	_ =	shalt  }
0x6e: {  	_ =	shalt  }
0x6f: {  	_ =	shalt  }
0x70: {  	_ =	shalt  }
0x71: {  	_ =	shalt  }
0x72: {  	_ =	shalt  }
0x73: {  	_ =	shalt  }
0x74: {  	_ =	shalt  }
0x75: {  	_ =	shalt  }
0x76: {  	_ =	shalt  }
0x77: {  	_ =	shalt  }
0x78: {  	_ =	shalt  }
0x79: {  	_ =	shalt  }
0x7a: {  	_ =	shalt  }
0x7b: {  	_ =	shalt  }
0x7c: {  	_ =	shalt  }
0x7d: {  	_ =	shalt  }
0x7e: {  	_ =	shalt  }
0x7f: {  	_ =	shalt  }
0x80: {  	_ =	shalt  }
0x81: {  	_ =	shalt  }
0x82: {  	_ =	shalt  }
0x83: {  	_ =	shalt  }
0x84: {  	_ =	shalt  }
0x85: {  	_ =	shalt  }
0x86: {  	_ =	shalt  }
0x87: {  	_ =	shalt  }
.Lfunc_end0:
.L_simem_size_0:
called_computation.1_lowered:
.L_overlay_start_0:
0x88: {  	s2 =	sld [smem:$0x3FD9]  }
0x89: {  	s3 =	sld [smem:$0x3FFE];
	_ =	sdelay $0x1  }
0x8a: {  	s1 =	srdreg.scid  }
0x8b: {  	s0 =	sand.u32 $0x1, s1  }
0x8c: {  	s16 =	sshll.u32 s0, $0xA;
	s2 =	sadd.s32 s3, s2  }
0x8d: {  	s2 =	sadd.s32 s2, s16  }
0x8e: {  	[smem:$0x3FA7] =	sst s2  }
0x8f: {  	_ = 	snop  }
0x90: {  	(tm) =	ssettm $0x1  }
0x91: {  	s17 =	sld [smem:$0x3FFB];
	_ =	sdelay $0x3  }
0x92: {  	_ =	strace s17  }
0x93: {  	s2 =	sld [smem:$0x3FFC];
	_ =	sdelay $0x3  }
0x94: {  	_ =	strace s2  }
0x95: {  	s2 =	sld [smem:$0x3FFD];
	_ =	sdelay $0x3  }
0x96: {  	_ =	strace s2  }
0x97: {  	_ =	strace $0x8FFFFFFF  }
0x98: {  	s18 =	sld [smem:$0x3FDB];
	_ =	sdelay $0x1  }
0x99: {  	s19 =	simm.s32 $_scs_section_size  }
0x9a: {  	s4 =	simm.s32 $_size__tile_overlayer_lowered;
	s5 =	simm.s32 $_tile_overlayer_lowered  }
0x9b: {  	s22 =	simm.s32 $0x1BFF;
	s21 =	sshll.u32 s5, $0x1;
	s2 =	sadd.s32 s19, s18  }
0x9c: {  	s6 =	simm.s32 $0x0;
	s20 =	sshll.u32 s4, $0x1;
	s4 =	sadd.s32 s21, s2  }
0x9d: {  	[timem:s6], [sflag:s22] =	dma.local [hbm:s4], s20  }
0x9e: {  	_ =	swait.ge [sflag:s22], s20  }
0x9f: {  	s3 =	ssub.s32 $0x0, s20;
	[sflag:s22] =	ssyncset.done $0x0  }
0xa0: {  	[sflag:s22] =	ssyncadd.s32 s3;
	_ =	sdelay $0x1  }
0xa1: {  	s23 =	simm.s32 $0x1B8B  }
0xa2: {  	_ =	swait.ge [sflag:s23], $0x1  }
0xa3: {  	[sflag:s23] =	ssyncset.done $0x0  }
0xa4: {  	s25 =	simm.s32 $0x1B8E;
	s24 =	sld [smem:$0x3FFE];
	[sflag:s23] =	ssyncadd.s32 $0xFFFFFFFF  }
0xa5: {  	s26 =	simm.s32 $execute0_lowered;
	[smem:$0x3FD2] =	sst s25  }
0xa6: {  	s4 =	sshll.u32 s26, $0x1;
	_ =	strace $0x80000049;
	[dreg:$0x1] =	wrdreg $0xFFFFFFFF  }
0xa7: {  	s28 =	simm.s32 $_size_execute0_lowered;
	s2 =	sadd.s32 s2, s4;
	[dreg:$0x0] =	wrdreg $0x0  }
0xa8: {  	s4 =	sshll.u32 s28, $0x1;
	[dreg:$0x2] =	wrdreg s2  }
0xa9: {  	[dreg:$0x3] =	wrdreg s4  }
0xaa: {  	[dreg:$0x4] =	wrdreg $0xC0  }
0xab: {  	_ =	task [dreg:s6], $0x5FFFF  }
0xac: {  	[dreg:$0x1] =	wrdreg $0xFFFFFFFF  }
0xad: {  	[dreg:$0x0] =	wrdreg $0x60  }
0xae: {  	[dreg:$0x2] =	wrdreg s24  }
0xaf: {  	[dreg:$0x3] =	wrdreg $0x9  }
0xb0: {  	_ =	task.clear_ibuf [dreg:s6], $0x4FFFF;
	_ =	strace $0x90000049  }
0xb1: {  	s29 =	simm.s32 $0x9;
	_ =	strace $0x8000004B  }
0xb2: {  	_ =	swait.ge [sflag:s29], $0x1  }
0xb3: {  	[sflag:s29] =	ssyncadd.s32 $0xFFFFFFFF  }
0xb4: {  	_ =	strace $0x9000004B  }
0xb5: {  	_ =	sfence  }
0xb6: {  	s30 =	sld [smem:$0x0];
	_ =	sdelay $0x2  }
0xb7: {  	s31 =	sshll.u32 s1, $0xD;
	s1 =	sshrl.u32 s1, $0x2  }
0xb8: {  	s3 =	sand.u32 $0x4000, s31;
	s1 =	sadd.s32 s1, s30  }
0xb9: {  	s0 =	sor.u32 s3, s0;
	s1 =	sshll.u32 s1, $0x11  }
0xba: {  	s0 =	sor.u32 s1, s0  }
0xbb: {  	s0 =	sadd.s32 $0x8F2B, s0  }
0xbc: {  	[sflag:s0] =	ssyncadd.remote.s32 $0x1  }
0xbd: {  	_ =	sfence.sel $0xFFFF  }
0xbe: {  	[dreg:$0x0] =	wrdreg $0xFFFFFFFF;
	(pc) =	sbr.abs _section_cstart, $3  }
0xbf: {  	[dreg:$0x1] =	wrdreg $0xFFFFFFFF  }
0xc0: {  	_ =	task.clear_ibuf [dreg:s6], $0x2FFFF;
	_ =	strace $0x9FFFFFFF  }
0xc1: {  	(tm) =	ssettm $0x7FFFFFFF  }
tec
execute0_lowered:
.L_overlay_start_1:
0x0: {  	(tag) =	ssettag $0x1  }
0x1: {  	s1 =	srdreg.scid;
	s0 =	stileid.u32  }
0x2: {  	s16 =	sand.u32 $0x1, s1;
	s26 =	sshll.u32 s0, $0x1  }
0x3: {  	s8 =	sor.u32 s16, s26  }
0x4: {  	s9 =	rddreg [dreg:$0x0];
	s17 =	smul.u32 $0xA00, s8  }
0x5: {  	s2 =	simm.s32 $0x0;
	s1 =	rddreg [dreg:$0x1]  }
0x6: {  	[smem:$0x7FF] =	sst s2;
	s15 =	sadd.s32 $0x25C00, s9;
	s3 =	sshrl.u32 s17, $0x3  }
0x7: {  	_ =	strace $0x8000004A;
	s4 =	sadd.s32 s15, s3;
	s3 =	simm.s32 $0x2  }
0x8: {  	[tilespmem:s2], [sflag:$0x2] =	stream.linear.gather [hbm4b:s4+s2], $0x200, $0x38;
	[tilespmem:$0x10200] =	vst v63  }
0x9: {  	_ =	swait.ge [sflag:s3], $0x200  }
0xa: {  	s6 =	simm.s32 $0x200;
	[sflag:s3] =	ssyncset.done $0x0  }
0xb: {  	s7 =	simm.s32 $0x1;
	s5 =	sadd.s32 $0x5C00, s9;
	[sflag:s3] =	ssyncadd.s32 $0xFFFFFE00  }
0xc: {  	[tilespmem:s6], [sflag:$0x1] =	stream.indirect.gather [hbm4b:s5+s6], $0x80, s2, s6, $0xb8;
	[tilespmem:$0x10200] =	vst v63  }
0xd: {  	s8 =	smul.u32 $0xA000, s8;
	_ =	swait.ge [sflag:s7], $0x10000  }
0xe: {  	s18 =	sadd.s32 $0x28400, s9;
	[sflag:s7] =	ssyncset.done $0x0  }
0xf: {  	s8 =	sadd.s32 s18, s8;
	[sflag:s7] =	ssyncadd.s32 $0xFFFF0000  }
0x10: {  	[hbm4b:s8+s2] =	stream.linear.scatter [tilespmem:s6], [sflag:$0x2], $0x10000, $0x38;
	[tilespmem:$0x10200] =	vst v63  }
0x11: {  	s10 =	sadd.s32 $0x200, s17;
	_ =	swait.ge [sflag:s3], $0x10000  }
0x12: {  	s28 =	sshrl.u32 s10, $0x3;
	[sflag:s3] =	ssyncset.done $0x0  }
0x13: {  	s9 =	sadd.s32 s15, s28;
	[sflag:s3] =	ssyncadd.s32 $0xFFFF0000  }
0x14: {  	[tilespmem:s2], [sflag:$0x2] =	stream.linear.gather [hbm4b:s9+s2], $0x200, $0x38;
	[tilespmem:$0x10200] =	vst v63  }
0x15: {  	_ =	swait.ge [sflag:s3], $0x200  }
0x16: {  	[sflag:s3] =	ssyncset.done $0x0  }
0x17: {  	[sflag:s3] =	ssyncadd.s32 $0xFFFFFE00  }
0x18: {  	[tilespmem:s6], [sflag:$0x1] =	stream.indirect.gather [hbm4b:s5+s6], $0x80, s2, s6, $0xb8;
	[tilespmem:$0x10200] =	vst v63  }
0x19: {  	_ =	swait.ge [sflag:s7], $0x10000  }
0x1a: {  	s10 =	sshll.u32 s10, $0x4;
	[sflag:s7] =	ssyncset.done $0x0  }
0x1b: {  	s10 =	sadd.s32 s18, s10;
	[sflag:s7] =	ssyncadd.s32 $0xFFFF0000  }
0x1c: {  	[hbm4b:s10+s2] =	stream.linear.scatter [tilespmem:s6], [sflag:$0x2], $0x10000, $0x38;
	[tilespmem:$0x10200] =	vst v63  }
0x1d: {  	s12 =	sadd.s32 $0x400, s17;
	_ =	swait.ge [sflag:s3], $0x10000  }
0x1e: {  	s11 =	sshrl.u32 s12, $0x3;
	[sflag:s3] =	ssyncset.done $0x0  }
0x1f: {  	s11 =	sadd.s32 s15, s11;
	[sflag:s3] =	ssyncadd.s32 $0xFFFF0000  }
0x20: {  	[tilespmem:s2], [sflag:$0x2] =	stream.linear.gather [hbm4b:s11+s2], $0x200, $0x38;
	[tilespmem:$0x10200] =	vst v63  }
0x21: {  	_ =	swait.ge [sflag:s3], $0x200  }
0x22: {  	[sflag:s3] =	ssyncset.done $0x0  }
0x23: {  	[sflag:s3] =	ssyncadd.s32 $0xFFFFFE00  }
0x24: {  	[tilespmem:s6], [sflag:$0x1] =	stream.indirect.gather [hbm4b:s5+s6], $0x80, s2, s6, $0xb8;
	[tilespmem:$0x10200] =	vst v63  }
0x25: {  	_ =	swait.ge [sflag:s7], $0x10000  }
0x26: {  	s12 =	sshll.u32 s12, $0x4;
	[sflag:s7] =	ssyncset.done $0x0  }
0x27: {  	s12 =	sadd.s32 s18, s12;
	[sflag:s7] =	ssyncadd.s32 $0xFFFF0000  }
0x28: {  	[hbm4b:s12+s2] =	stream.linear.scatter [tilespmem:s6], [sflag:$0x2], $0x10000, $0x38;
	[tilespmem:$0x10200] =	vst v63  }
0x29: {  	s14 =	sadd.s32 $0x600, s17;
	_ =	swait.ge [sflag:s3], $0x10000  }
0x2a: {  	s13 =	sshrl.u32 s14, $0x3;
	[sflag:s3] =	ssyncset.done $0x0  }
0x2b: {  	s13 =	sadd.s32 s15, s13;
	[sflag:s3] =	ssyncadd.s32 $0xFFFF0000  }
0x2c: {  	[tilespmem:s2], [sflag:$0x2] =	stream.linear.gather [hbm4b:s13+s2], $0x200, $0x38;
	[tilespmem:$0x10200] =	vst v63  }
0x2d: {  	_ =	swait.ge [sflag:s3], $0x200  }
0x2e: {  	[sflag:s3] =	ssyncset.done $0x0  }
0x2f: {  	[sflag:s3] =	ssyncadd.s32 $0xFFFFFE00  }
0x30: {  	[tilespmem:s6], [sflag:$0x1] =	stream.indirect.gather [hbm4b:s5+s6], $0x80, s2, s6, $0xb8;
	[tilespmem:$0x10200] =	vst v63  }
0x31: {  	_ =	swait.ge [sflag:s7], $0x10000  }
0x32: {  	s14 =	sshll.u32 s14, $0x4;
	[sflag:s7] =	ssyncset.done $0x0  }
0x33: {  	s14 =	sadd.s32 s18, s14;
	[sflag:s7] =	ssyncadd.s32 $0xFFFF0000  }
0x34: {  	[hbm4b:s14+s2] =	stream.linear.scatter [tilespmem:s6], [sflag:$0x2], $0x10000, $0x38;
	[tilespmem:$0x10200] =	vst v63  }
0x35: {  	s17 =	sadd.s32 $0x800, s17;
	_ =	swait.ge [sflag:s3], $0x10000  }
0x36: {  	s19 =	sshrl.u32 s17, $0x3;
	[sflag:s3] =	ssyncset.done $0x0  }
0x37: {  	s16 =	ssub.s32 $0x2, s16;
	s15 =	sadd.s32 s15, s19;
	[sflag:s3] =	ssyncadd.s32 $0xFFFF0000  }
0x38: {  	[tilespmem:s2], [sflag:$0x2] =	stream.linear.gather [hbm4b:s15+s2], $0x200, $0x38;
	[tilespmem:$0x10200] =	vst v63  }
0x39: {  	s29 =	sshrl.u32 s16, $0x1;
	_ =	swait.ge [sflag:s3], $0x200  }
0x3a: {  	s19 =	ssub.s32 s16, s29;
	[sflag:s3] =	ssyncset.done $0x0  }
0x3b: {  	s31 =	smax.u32 s19, $0x1;
	[sflag:s3] =	ssyncadd.s32 $0xFFFFFE00  }
0x3c: {  	[tilespmem:s6], [sflag:$0x1] =	stream.indirect.gather [hbm4b:s5+s6], $0x80, s2, s6, $0xb8;
	[tilespmem:$0x10200] =	vst v63  }
0x3d: {  	p0 =	sne.s32 s31, $0x1;
	_ =	swait.ge [sflag:s7], $0x10000  }
.Ltmp0:
0x3e: {  	s30 =	sshll.u32 s17, $0x4;
	[sflag:s7] =	ssyncset.done $0x0;
	(pc) =	sbr.rel @!p0 .LBB2_2-.Ltmp0, $4  }
0x3f: {  	s16 =	sadd.s32 s18, s30;
	[sflag:s7] =	ssyncadd.s32 $0xFFFF0000  }
0x40: {  	[hbm4b:s16+s2] =	stream.linear.scatter [tilespmem:s6], [sflag:$0x2], $0x10000, $0x38;
	[tilespmem:$0x10200] =	vst v63  }
0x41: {  	_ =	swait.ge [sflag:s3], $0x10000  }
0x42: {  	s17 =	sadd.s32 $0xFFFFFFFF, s31;
	[sflag:s3] =	ssyncset.done $0x0  }
.LBB2_1:
0x43: {  	p0 =	sne.s32 s17, $0x1;
	s17 =	sadd.s32 $0xFFFFFFFF, s17;
	[sflag:s3] =	ssyncadd.s32 $0xFFFF0000  }
0x44: {  	[tilespmem:s2], [sflag:$0x2] =	stream.linear.gather [hbm4b:s4+s2], $0x200, $0x38;
	[tilespmem:$0x10200] =	vst v63  }
0x45: {  	_ =	swait.ge [sflag:s3], $0x200  }
0x46: {  	[sflag:s3] =	ssyncset.done $0x0  }
0x47: {  	[sflag:s3] =	ssyncadd.s32 $0xFFFFFE00  }
0x48: {  	[tilespmem:s6], [sflag:$0x1] =	stream.indirect.gather [hbm4b:s5+s6], $0x80, s2, s6, $0xb8;
	[tilespmem:$0x10200] =	vst v63  }
0x49: {  	_ =	swait.ge [sflag:s7], $0x10000  }
0x4a: {  	[sflag:s7] =	ssyncset.done $0x0  }
0x4b: {  	[sflag:s7] =	ssyncadd.s32 $0xFFFF0000  }
0x4c: {  	[hbm4b:s8+s2] =	stream.linear.scatter [tilespmem:s6], [sflag:$0x2], $0x10000, $0x38;
	[tilespmem:$0x10200] =	vst v63  }
0x4d: {  	_ =	swait.ge [sflag:s3], $0x10000  }
0x4e: {  	[sflag:s3] =	ssyncset.done $0x0  }
0x4f: {  	[sflag:s3] =	ssyncadd.s32 $0xFFFF0000  }
0x50: {  	[tilespmem:s2], [sflag:$0x2] =	stream.linear.gather [hbm4b:s9+s2], $0x200, $0x38;
	[tilespmem:$0x10200] =	vst v63  }
0x51: {  	_ =	swait.ge [sflag:s3], $0x200  }
0x52: {  	[sflag:s3] =	ssyncset.done $0x0  }
0x53: {  	[sflag:s3] =	ssyncadd.s32 $0xFFFFFE00  }
0x54: {  	[tilespmem:s6], [sflag:$0x1] =	stream.indirect.gather [hbm4b:s5+s6], $0x80, s2, s6, $0xb8;
	[tilespmem:$0x10200] =	vst v63  }
0x55: {  	_ =	swait.ge [sflag:s7], $0x10000  }
0x56: {  	[sflag:s7] =	ssyncset.done $0x0  }
0x57: {  	[sflag:s7] =	ssyncadd.s32 $0xFFFF0000  }
0x58: {  	[hbm4b:s10+s2] =	stream.linear.scatter [tilespmem:s6], [sflag:$0x2], $0x10000, $0x38;
	[tilespmem:$0x10200] =	vst v63  }
0x59: {  	_ =	swait.ge [sflag:s3], $0x10000  }
0x5a: {  	[sflag:s3] =	ssyncset.done $0x0  }
0x5b: {  	[sflag:s3] =	ssyncadd.s32 $0xFFFF0000  }
0x5c: {  	[tilespmem:s2], [sflag:$0x2] =	stream.linear.gather [hbm4b:s11+s2], $0x200, $0x38;
	[tilespmem:$0x10200] =	vst v63  }
0x5d: {  	_ =	swait.ge [sflag:s3], $0x200  }
0x5e: {  	[sflag:s3] =	ssyncset.done $0x0  }
0x5f: {  	[sflag:s3] =	ssyncadd.s32 $0xFFFFFE00  }
0x60: {  	[tilespmem:s6], [sflag:$0x1] =	stream.indirect.gather [hbm4b:s5+s6], $0x80, s2, s6, $0xb8;
	[tilespmem:$0x10200] =	vst v63  }
0x61: {  	_ =	swait.ge [sflag:s7], $0x10000  }
0x62: {  	[sflag:s7] =	ssyncset.done $0x0  }
0x63: {  	[sflag:s7] =	ssyncadd.s32 $0xFFFF0000  }
0x64: {  	[hbm4b:s12+s2] =	stream.linear.scatter [tilespmem:s6], [sflag:$0x2], $0x10000, $0x38;
	[tilespmem:$0x10200] =	vst v63  }
0x65: {  	_ =	swait.ge [sflag:s3], $0x10000  }
0x66: {  	[sflag:s3] =	ssyncset.done $0x0  }
0x67: {  	[sflag:s3] =	ssyncadd.s32 $0xFFFF0000  }
0x68: {  	[tilespmem:s2], [sflag:$0x2] =	stream.linear.gather [hbm4b:s13+s2], $0x200, $0x38;
	[tilespmem:$0x10200] =	vst v63  }
0x69: {  	_ =	swait.ge [sflag:s3], $0x200  }
0x6a: {  	[sflag:s3] =	ssyncset.done $0x0  }
0x6b: {  	[sflag:s3] =	ssyncadd.s32 $0xFFFFFE00  }
0x6c: {  	[tilespmem:s6], [sflag:$0x1] =	stream.indirect.gather [hbm4b:s5+s6], $0x80, s2, s6, $0xb8;
	[tilespmem:$0x10200] =	vst v63  }
0x6d: {  	_ =	swait.ge [sflag:s7], $0x10000  }
0x6e: {  	[sflag:s7] =	ssyncset.done $0x0  }
0x6f: {  	[sflag:s7] =	ssyncadd.s32 $0xFFFF0000  }
0x70: {  	[hbm4b:s14+s2] =	stream.linear.scatter [tilespmem:s6], [sflag:$0x2], $0x10000, $0x38;
	[tilespmem:$0x10200] =	vst v63  }
0x71: {  	_ =	swait.ge [sflag:s3], $0x10000  }
0x72: {  	[sflag:s3] =	ssyncset.done $0x0  }
0x73: {  	[sflag:s3] =	ssyncadd.s32 $0xFFFF0000  }
0x74: {  	[tilespmem:s2], [sflag:$0x2] =	stream.linear.gather [hbm4b:s15+s2], $0x200, $0x38;
	[tilespmem:$0x10200] =	vst v63  }
0x75: {  	_ =	swait.ge [sflag:s3], $0x200  }
0x76: {  	[sflag:s3] =	ssyncset.done $0x0  }
0x77: {  	[sflag:s3] =	ssyncadd.s32 $0xFFFFFE00  }
0x78: {  	[tilespmem:s6], [sflag:$0x1] =	stream.indirect.gather [hbm4b:s5+s6], $0x80, s2, s6, $0xb8;
	[tilespmem:$0x10200] =	vst v63  }
0x79: {  	_ =	swait.ge [sflag:s7], $0x10000  }
.Ltmp1:
0x7a: {  	[sflag:s7] =	ssyncset.done $0x0;
	(pc) =	sbr.rel @p0 .LBB2_1-.Ltmp1, $4  }
0x7b: {  	[sflag:s7] =	ssyncadd.s32 $0xFFFF0000  }
0x7c: {  	[hbm4b:s16+s2] =	stream.linear.scatter [tilespmem:s6], [sflag:$0x2], $0x10000, $0x38;
	[tilespmem:$0x10200] =	vst v63  }
0x7d: {  	_ =	swait.ge [sflag:s3], $0x10000  }
0x7e: {  	[sflag:s3] =	ssyncset.done $0x0  }
.LBB2_2:
0x7f: {  	[sflag:s3] =	ssyncadd.s32 $0xFFFF0000  }
0x80: {  	_ =	sfence.sel $0x180000  }
0x81: {  	[bflag:$0x0] =	sbarrier.arrive $0xFFFF  }
0x82: {  	p0 =	sne.s32 s0, $0x0;
	_ =	strace $0x9000004A  }
0x83: {  	s0 =	sadd.s32 @!p0 $0x100000, s1;
	[bflag:$0x2] =	sbarrier.arrive $0xFFFF  }
0x84: {  	[sflag:s0] =	ssyncadd.tile.s32 @!p0 $0x1;
	_ =	shalt  }
.Lfunc_end2:
_tile_overlayer_lowered:
.L_overlay_start_2:
0x85: {  	(tag) =	ssettag $0x2  }
0x86: {  	s0 =	rddreg [dreg:$0x0];
	s2 =	stileid.u32  }
0x87: {  	s1 =	rddreg [dreg:$0x1];
	p0 =	sne.s32 s2, $0x0  }
0x88: {  	s3 =	rddreg [dreg:$0x2];
	[bflag:$0x3] =	sbarrier.arrive $0xFFFF;
	s2 =	simm.s32 @!p0 $0x1C02  }
0x89: {  	[timem:s3], [sflag:s2] =	dma.local @!p0 [hbm:s0], s1  }
0x8a: {  	s0 =	simm.s32 @!p0 $0x2  }
0x8b: {  	_ =	swait.ge @!p0 [sflag:s0], s1  }
0x8c: {  	s1 =	ssub.s32 @!p0 $0x0, s1;
	[sflag:s0] =	ssyncset.done @!p0 $0x0  }
0x8d: {  	[sflag:s0] =	ssyncadd.s32 @!p0 s1  }
0x8e: {  	[bflag:$0x3] =	sbarrier.arrive $0xFFFF  }
0x8f: {  	_ =	shalt  }

</sc_bundles>
